<compile_context>
chip_gen: v7x
topology: tpu7x:2x2x1
jax: 0.10.2.dev20260603
libtpu: 0.0.44.dev20260713+nightly
codegen_flags: <defaults>
</compile_context>

<pallas_src>
import jax
import jax.numpy as jnp
from jax import lax
from jax.experimental import pallas as pl
from jax.experimental.pallas import tpu as pltpu
from jax.experimental.pallas import tpu_sc as plsc

NUM_WORKERS = 32
LANES = 128


def _lookup_body(uid_idx, iid_idx, tu, ti, dz, outT,
                 idxu_v, idxi_v, ub, ib, colu, coli,
                 sem_u0, sem_u1, sem_u2, sem_u3,
                 sem_i0, sem_i1, sem_i2, sem_i3):
    sems_u = (sem_u0, sem_u1, sem_u2, sem_u3)
    sems_i = (sem_i0, sem_i1, sem_i2, sem_i3)
    D = colu.shape[0]
    n = colu.shape[1]
    wid = lax.axis_index("s") * 2 + lax.axis_index("c")
    base = wid * n
    pltpu.sync_copy(uid_idx.at[pl.ds(base, n)], idxu_v)
    pltpu.sync_copy(iid_idx.at[pl.ds(base, n)], idxi_v)

    r0 = lax.iota(jnp.int32, 16)
    r1 = r0 + 16
    SW = 2
    NQ = 4
    AHEAD = 3

    def fire(vu, vi, s, par):
        for k in range(SW):
            slot = par * SW + k
            iu = vu[s * SW + k]
            ii = vi[s * SW + k]
            cu = pl.multiple_of((iu // LANES) * LANES, LANES)
            ci = pl.multiple_of((ii // LANES) * LANES, LANES)
            pltpu.async_copy(
                tu.at[:, pl.ds(cu, LANES)],
                ub.at[pl.ds(slot * D, D), :], sems_u[par])
            pltpu.async_copy(
                ti.at[:, pl.ds(ci, LANES)],
                ib.at[pl.ds(slot * D, D), :], sems_i[par])

    def drain(par):
        pltpu.make_async_copy(
            dz, ub.at[pl.ds(par * SW * D, SW * D), :], sems_u[par]).wait()
        pltpu.make_async_copy(
            dz, ib.at[pl.ds(par * SW * D, SW * D), :], sems_i[par]).wait()

    slot_r0 = [r0 + slot * D for slot in range(NQ * SW)]
    slot_r1 = [r1 + slot * D for slot in range(NQ * SW)]

    def extract(vu, vi, s, par, j0):
        for k in range(SW):
            slot = par * SW + k
            j = j0 + s * SW + k
            lu = jnp.full((16,), vu[s * SW + k] % LANES, jnp.int32)
            li = jnp.full((16,), vi[s * SW + k] % LANES, jnp.int32)
            cj = jnp.full((16,), j, jnp.int32)
            vu0 = plsc.load_gather(ub, [slot_r0[slot], lu])
            vu1 = plsc.load_gather(ub, [slot_r1[slot], lu])
            vi0 = plsc.load_gather(ib, [slot_r0[slot], li])
            vi1 = plsc.load_gather(ib, [slot_r1[slot], li])
            plsc.store_scatter(colu, [r0, cj], vu0)
            plsc.store_scatter(colu, [r1, cj], vu1)
            plsc.store_scatter(coli, [r0, cj], vi0)
            plsc.store_scatter(coli, [r1, cj], vi1)

    n_sub = 16 // SW
    vu0_ = idxu_v[pl.ds(0, 16)]
    vi0_ = idxi_v[pl.ds(0, 16)]
    for s in range(AHEAD):
        fire(vu0_, vi0_, s, s % NQ)

    def wave(w, carry):
        j0 = w * 16
        vu = idxu_v[pl.ds(j0, 16)]
        vi = idxi_v[pl.ds(j0, 16)]
        jn = lax.rem((w + 1) * 16, n)
        vun = idxu_v[pl.ds(jn, 16)]
        vin = idxi_v[pl.ds(jn, 16)]
        for s in range(n_sub):
            t = s + AHEAD
            if t < n_sub:
                fire(vu, vi, t, t % NQ)
            else:
                fire(vun, vin, t - n_sub, t % NQ)
            drain(s % NQ)
            extract(vu, vi, s, s % NQ, j0)
        return carry

    lax.fori_loop(0, n // 16, wave, 0)
    for s in range(AHEAD):
        drain(s % NQ)

    pltpu.sync_copy(colu, outT.at[0, :, pl.ds(base, n)])
    pltpu.sync_copy(coli, outT.at[1, :, pl.ds(base, n)])


def kernel(x, uid_table, iid_table):
    B = x.shape[0]
    D = uid_table.shape[1]
    n = B // NUM_WORKERS
    uid_idx = x[:, 0].astype(jnp.int32)
    iid_idx = x[:, 1].astype(jnp.int32)
    tu = uid_table.T
    ti = iid_table.T

    mesh = plsc.VectorSubcoreMesh(core_axis_name="c", subcore_axis_name="s")
    run = pl.kernel(
        _lookup_body,
        mesh=mesh,
        out_type=jax.ShapeDtypeStruct((2, D, B), jnp.float32),
        scratch_types=[
            pltpu.VMEM((n,), jnp.int32),
            pltpu.VMEM((n,), jnp.int32),
            pltpu.VMEM((8 * D, LANES), jnp.float32),
            pltpu.VMEM((8 * D, LANES), jnp.float32),
            pltpu.VMEM((D, n), jnp.float32),
            pltpu.VMEM((D, n), jnp.float32),
            pltpu.SemaphoreType.DMA,
            pltpu.SemaphoreType.DMA,
            pltpu.SemaphoreType.DMA,
            pltpu.SemaphoreType.DMA,
            pltpu.SemaphoreType.DMA,
            pltpu.SemaphoreType.DMA,
            pltpu.SemaphoreType.DMA,
            pltpu.SemaphoreType.DMA,
        ],
        compiler_params=pltpu.CompilerParams(needs_layout_passes=False),
    )
    dz = jnp.zeros((2 * D, LANES), jnp.float32)
    outT = run(uid_idx, iid_idx, tu, ti, dz)
    return outT.transpose(2, 0, 1)

# --- scband reference (transcript-rebuilt; emitter-appended) ---
"""Pipeline reference for scband-lookup-embedding-2783138808340 (READ-ONLY COPY).

The authoritative reference and input builder live on the scoring server;
editing this copy changes nothing except your own understanding.
"""

import jax, jax.numpy as jnp
import numpy as np

UID_ALL = 1000000
IID_ALL = 1000000
EMB_DIM = 32
BATCH = 16384

def setup_inputs(seed: int = 0) -> dict:
    key = jax.random.key(seed)
    k1, k2, k3 = jax.random.split(key, 3)
    x = jax.random.randint(k1, (BATCH, 2), 0, UID_ALL, dtype=jnp.int64 if jax.config.jax_enable_x64 else jnp.int32)
    uid_table = jax.random.normal(k2, (UID_ALL, EMB_DIM), dtype=jnp.float32)
    iid_table = jax.random.normal(k3, (IID_ALL + 1, EMB_DIM), dtype=jnp.float32)
    return {"x": x, "uid_table": uid_table, "iid_table": iid_table}

def reference(x, uid_table, iid_table):
    # uid_emb: [B, 1, emb_dim] via gather on row indices x[:, 0]
    uid_emb = jnp.take(uid_table, x[:, 0], axis=0)[:, None, :]
    # iid_emb: [B, 1, emb_dim]
    iid_emb = jnp.take(iid_table, x[:, 1], axis=0)[:, None, :]
    # concat along dim=1 -> [B, 2, emb_dim]
    emb = jnp.concatenate([uid_emb, iid_emb], axis=1)
    return emb

if __name__ == "__main__":
    import jax
    _d = setup_inputs()
    print(jax.jit(kernel)(*tuple(_d.values())))

</pallas_src>

<mosaic_0001>
#map = affine_map<(d0, d1) -> (0)>
#map1 = affine_map<(d0, d1) -> (0, 0)>
#map2 = affine_map<(d0, d1) -> (0, 0, 0)>
module attributes {stable_mosaic.version = 14 : i64} {
  func.func @_lookup_body(%arg0: i32, %arg1: i32, %arg2: memref<16384xi32, #tpu.memory_space<hbm>>, %arg3: memref<16384xi32, #tpu.memory_space<hbm>>, %arg4: memref<32x1000000xf32, #tpu.memory_space<hbm>>, %arg5: memref<32x1000001xf32, #tpu.memory_space<hbm>>, %arg6: memref<64x128xf32, #tpu.memory_space<hbm>>, %arg7: memref<2x32x16384xf32, #tpu.memory_space<hbm>>, %arg8: memref<512xi32, #tpu.memory_space<vmem>>, %arg9: memref<512xi32, #tpu.memory_space<vmem>>, %arg10: memref<256x128xf32, #tpu.memory_space<vmem>>, %arg11: memref<256x128xf32, #tpu.memory_space<vmem>>, %arg12: memref<32x512xf32, #tpu.memory_space<vmem>>, %arg13: memref<32x512xf32, #tpu.memory_space<vmem>>, %arg14: memref<!tpu.dma_semaphore, #tpu.memory_space<semaphore_mem>>, %arg15: memref<!tpu.dma_semaphore, #tpu.memory_space<semaphore_mem>>, %arg16: memref<!tpu.dma_semaphore, #tpu.memory_space<semaphore_mem>>, %arg17: memref<!tpu.dma_semaphore, #tpu.memory_space<semaphore_mem>>, %arg18: memref<!tpu.dma_semaphore, #tpu.memory_space<semaphore_mem>>, %arg19: memref<!tpu.dma_semaphore, #tpu.memory_space<semaphore_mem>>, %arg20: memref<!tpu.dma_semaphore, #tpu.memory_space<semaphore_mem>>, %arg21: memref<!tpu.dma_semaphore, #tpu.memory_space<semaphore_mem>>) attributes {dimension_semantics = [#tpu.dimension_semantics<core_parallel>, #tpu.dimension_semantics<subcore_parallel>], iteration_bounds = array<i64: 2, 16>, scalar_prefetch = 0 : i64, scratch_operands = 14 : i64, tpu.core_type = #tpu.core_type<sc_vector_subcore>, window_params = [{transform_indices = #map}, {transform_indices = #map}, {transform_indices = #map1}, {transform_indices = #map1}, {transform_indices = #map1}, {transform_indices = #map2}]} {
    %mul3A = arith.constant 2 : i32
    %mul3A_0 = arith.muli %arg1, %mul3A : i32
    %add3A = arith.addi %mul3A_0, %arg0 : i32
    %mul3A_1 = arith.constant 512 : i32
    %mul3A_2 = arith.muli %add3A, %mul3A_1 : i32
    "tpu.region"() ({
      %run_scoped3A_554 = tpu.sem_alloc : memref<!tpu.dma_semaphore, #tpu.memory_space<semaphore_mem>>
      %dma_start3A_555 = tpu.memref_slice %arg2[%mul3A_2] : memref<16384xi32, #tpu.memory_space<hbm>> -> memref<512xi32, #tpu.memory_space<hbm>>
      %dma_start3A_556 = tpu.memref_slice %arg2[%mul3A_2] : memref<16384xi32, #tpu.memory_space<hbm>> -> memref<512xi32, #tpu.memory_space<hbm>>
      tpu.enqueue_dma source(%dma_start3A_556 : memref<512xi32, #tpu.memory_space<hbm>>) target(%arg8 : memref<512xi32, #tpu.memory_space<vmem>>) target_semaphore(%run_scoped3A_554 : memref<!tpu.dma_semaphore, #tpu.memory_space<semaphore_mem>>)
      %dma_wait3A_557 = tpu.memref_slice %arg2[%mul3A_2] : memref<16384xi32, #tpu.memory_space<hbm>> -> memref<512xi32, #tpu.memory_space<hbm>>
      %dma_wait3A_558 = tpu.memref_slice %arg2[%mul3A_2] : memref<16384xi32, #tpu.memory_space<hbm>> -> memref<512xi32, #tpu.memory_space<hbm>>
      tpu.wait_dma2 semaphore(%run_scoped3A_554 : memref<!tpu.dma_semaphore, #tpu.memory_space<semaphore_mem>>) src(%dma_wait3A_558 : memref<512xi32, #tpu.memory_space<hbm>>) dst(%arg8 : memref<512xi32, #tpu.memory_space<vmem>>)
      tpu.yield
    }) : () -> ()
    "tpu.region"() ({
      %run_scoped3A_554 = tpu.sem_alloc : memref<!tpu.dma_semaphore, #tpu.memory_space<semaphore_mem>>
      %dma_start3A_555 = tpu.memref_slice %arg3[%mul3A_2] : memref<16384xi32, #tpu.memory_space<hbm>> -> memref<512xi32, #tpu.memory_space<hbm>>
      %dma_start3A_556 = tpu.memref_slice %arg3[%mul3A_2] : memref<16384xi32, #tpu.memory_space<hbm>> -> memref<512xi32, #tpu.memory_space<hbm>>
      tpu.enqueue_dma source(%dma_start3A_556 : memref<512xi32, #tpu.memory_space<hbm>>) target(%arg9 : memref<512xi32, #tpu.memory_space<vmem>>) target_semaphore(%run_scoped3A_554 : memref<!tpu.dma_semaphore, #tpu.memory_space<semaphore_mem>>)
      %dma_wait3A_557 = tpu.memref_slice %arg3[%mul3A_2] : memref<16384xi32, #tpu.memory_space<hbm>> -> memref<512xi32, #tpu.memory_space<hbm>>
      %dma_wait3A_558 = tpu.memref_slice %arg3[%mul3A_2] : memref<16384xi32, #tpu.memory_space<hbm>> -> memref<512xi32, #tpu.memory_space<hbm>>
      tpu.wait_dma2 semaphore(%run_scoped3A_554 : memref<!tpu.dma_semaphore, #tpu.memory_space<semaphore_mem>>) src(%dma_wait3A_558 : memref<512xi32, #tpu.memory_space<hbm>>) dst(%arg9 : memref<512xi32, #tpu.memory_space<vmem>>)
      tpu.yield
    }) : () -> ()
    %iota3A = tpu.iota {dimensions = array<i32: 0>} : vector<16xi32>
    %add3A_3 = arith.constant 16 : i32
    %add3A_4 = vector.broadcast %add3A_3 : i32 to vector<16xi32>
    %add3A_5 = arith.addi %iota3A, %add3A_4 : vector<16xi32>
    %add3A_6 = arith.constant 0 : i32
    %add3A_7 = vector.broadcast %add3A_6 : i32 to vector<16xi32>
    %add3A_8 = arith.addi %iota3A, %add3A_7 : vector<16xi32>
    %add3A_9 = arith.constant 32 : i32
    %add3A_10 = vector.broadcast %add3A_9 : i32 to vector<16xi32>
    %add3A_11 = arith.addi %iota3A, %add3A_10 : vector<16xi32>
    %add3A_12 = arith.constant 64 : i32
    %add3A_13 = vector.broadcast %add3A_12 : i32 to vector<16xi32>
    %add3A_14 = arith.addi %iota3A, %add3A_13 : vector<16xi32>
    %add3A_15 = arith.constant 96 : i32
    %add3A_16 = vector.broadcast %add3A_15 : i32 to vector<16xi32>
    %add3A_17 = arith.addi %iota3A, %add3A_16 : vector<16xi32>
    %add3A_18 = arith.constant 128 : i32
    %add3A_19 = vector.broadcast %add3A_18 : i32 to vector<16xi32>
    %add3A_20 = arith.addi %iota3A, %add3A_19 : vector<16xi32>
    %add3A_21 = arith.constant 160 : i32
    %add3A_22 = vector.broadcast %add3A_21 : i32 to vector<16xi32>
    %add3A_23 = arith.addi %iota3A, %add3A_22 : vector<16xi32>
    %add3A_24 = arith.constant 192 : i32
    %add3A_25 = vector.broadcast %add3A_24 : i32 to vector<16xi32>
    %add3A_26 = arith.addi %iota3A, %add3A_25 : vector<16xi32>
    %add3A_27 = arith.constant 224 : i32
    %add3A_28 = vector.broadcast %add3A_27 : i32 to vector<16xi32>
    %add3A_29 = arith.addi %iota3A, %add3A_28 : vector<16xi32>
    %add3A_30 = arith.constant 0 : i32
    %add3A_31 = vector.broadcast %add3A_30 : i32 to vector<16xi32>
    %add3A_32 = arith.addi %add3A_5, %add3A_31 : vector<16xi32>
    %add3A_33 = arith.constant 32 : i32
    %add3A_34 = vector.broadcast %add3A_33 : i32 to vector<16xi32>
    %add3A_35 = arith.addi %add3A_5, %add3A_34 : vector<16xi32>
    %add3A_36 = arith.constant 64 : i32
    %add3A_37 = vector.broadcast %add3A_36 : i32 to vector<16xi32>
    %add3A_38 = arith.addi %add3A_5, %add3A_37 : vector<16xi32>
    %add3A_39 = arith.constant 96 : i32
    %add3A_40 = vector.broadcast %add3A_39 : i32 to vector<16xi32>
    %add3A_41 = arith.addi %add3A_5, %add3A_40 : vector<16xi32>
    %add3A_42 = arith.constant 128 : i32
    %add3A_43 = vector.broadcast %add3A_42 : i32 to vector<16xi32>
    %add3A_44 = arith.addi %add3A_5, %add3A_43 : vector<16xi32>
    %add3A_45 = arith.constant 160 : i32
    %add3A_46 = vector.broadcast %add3A_45 : i32 to vector<16xi32>
    %add3A_47 = arith.addi %add3A_5, %add3A_46 : vector<16xi32>
    %add3A_48 = arith.constant 192 : i32
    %add3A_49 = vector.broadcast %add3A_48 : i32 to vector<16xi32>
    %add3A_50 = arith.addi %add3A_5, %add3A_49 : vector<16xi32>
    %add3A_51 = arith.constant 224 : i32
    %add3A_52 = vector.broadcast %add3A_51 : i32 to vector<16xi32>
    %add3A_53 = arith.addi %add3A_5, %add3A_52 : vector<16xi32>
    %get3A = arith.constant 0 : index
    %get3A_54 = tpu.vector_load %arg8[%get3A] {strides = array<i32>} : memref<512xi32, #tpu.memory_space<vmem>>, vector<16xi32>,
    %get3A_55 = arith.constant 0 : index
    %get3A_56 = tpu.vector_load %arg9[%get3A_55] {strides = array<i32>} : memref<512xi32, #tpu.memory_space<vmem>>, vector<16xi32>,
    %slice3A = vector.extract_strided_slice %get3A_54 {offsets = [0], sizes = [1], strides = [1]} : vector<16xi32> to vector<1xi32>
    %squeeze3A = vector.extract %slice3A[0] : i32 from vector<1xi32>
    %slice3A_57 = vector.extract_strided_slice %get3A_56 {offsets = [0], sizes = [1], strides = [1]} : vector<16xi32> to vector<1xi32>
    %squeeze3A_58 = vector.extract %slice3A_57[0] : i32 from vector<1xi32>
    %jit3A = arith.constant 128 : i32
    %div3A = arith.divsi %squeeze3A, %jit3A : i32
    %sign3A = arith.constant 0 : i32
    %sign3A_59 = arith.cmpi sgt, %squeeze3A, %sign3A : i32
    %sign3A_60 = arith.extui %sign3A_59 : i1 to i32
    %sign3A_61 = arith.constant 0 : i32
    %sign3A_62 = arith.cmpi slt, %squeeze3A, %sign3A_61 : i32
    %sign3A_63 = arith.extui %sign3A_62 : i1 to i32
    %sign3A_64 = arith.subi %sign3A_60, %sign3A_63 : i32
    %sign3A_65 = arith.constant 0 : i32
    %sign3A_66 = arith.cmpi sgt, %jit3A, %sign3A_65 : i32
    %sign3A_67 = arith.extui %sign3A_66 : i1 to i32
    %sign3A_68 = arith.constant 0 : i32
    %sign3A_69 = arith.cmpi slt, %jit3A, %sign3A_68 : i32
    %sign3A_70 = arith.extui %sign3A_69 : i1 to i32
    %sign3A_71 = arith.subi %sign3A_67, %sign3A_70 : i32
    %ne3A = arith.cmpi ne, %sign3A_64, %sign3A_71 : i32
    %rem3A = arith.remsi %squeeze3A, %jit3A : i32
    %ne3A_72 = arith.constant 0 : i32
    %ne3A_73 = arith.cmpi ne, %rem3A, %ne3A_72 : i32
    %and3A = arith.andi %ne3A, %ne3A_73 : i1
    %sub3A = arith.constant 1 : i32
    %sub3A_74 = arith.subi %div3A, %sub3A : i32
    %select_n3A = arith.select %and3A, %sub3A_74, %div3A : i32
    %mul3A_75 = arith.constant 128 : i32
    %mul3A_76 = arith.muli %select_n3A, %mul3A_75 : i32
    %multiple_of3A = tpu.assume_multiple %mul3A_76, 128 : i32
    %jit3A_77 = arith.constant 128 : i32
    %div3A_78 = arith.divsi %squeeze3A_58, %jit3A_77 : i32
    %sign3A_79 = arith.constant 0 : i32
    %sign3A_80 = arith.cmpi sgt, %squeeze3A_58, %sign3A_79 : i32
    %sign3A_81 = arith.extui %sign3A_80 : i1 to i32
    %sign3A_82 = arith.constant 0 : i32
    %sign3A_83 = arith.cmpi slt, %squeeze3A_58, %sign3A_82 : i32
    %sign3A_84 = arith.extui %sign3A_83 : i1 to i32
    %sign3A_85 = arith.subi %sign3A_81, %sign3A_84 : i32
    %sign3A_86 = arith.constant 0 : i32
    %sign3A_87 = arith.cmpi sgt, %jit3A_77, %sign3A_86 : i32
    %sign3A_88 = arith.extui %sign3A_87 : i1 to i32
    %sign3A_89 = arith.constant 0 : i32
    %sign3A_90 = arith.cmpi slt, %jit3A_77, %sign3A_89 : i32
    %sign3A_91 = arith.extui %sign3A_90 : i1 to i32
    %sign3A_92 = arith.subi %sign3A_88, %sign3A_91 : i32
    %ne3A_93 = arith.cmpi ne, %sign3A_85, %sign3A_92 : i32
    %rem3A_94 = arith.remsi %squeeze3A_58, %jit3A_77 : i32
    %ne3A_95 = arith.constant 0 : i32
    %ne3A_96 = arith.cmpi ne, %rem3A_94, %ne3A_95 : i32
    %and3A_97 = arith.andi %ne3A_93, %ne3A_96 : i1
    %sub3A_98 = arith.constant 1 : i32
    %sub3A_99 = arith.subi %div3A_78, %sub3A_98 : i32
    %select_n3A_100 = arith.select %and3A_97, %sub3A_99, %div3A_78 : i32
    %mul3A_101 = arith.constant 128 : i32
    %mul3A_102 = arith.muli %select_n3A_100, %mul3A_101 : i32
    %multiple_of3A_103 = tpu.assume_multiple %mul3A_102, 128 : i32
    %dma_start3A = arith.constant 0 : i32
    %dma_start3A_104 = arith.constant 0 : i32
    %dma_start3A_105 = tpu.memref_slice %arg10[%dma_start3A, %dma_start3A_104] : memref<256x128xf32, #tpu.memory_space<vmem>> -> memref<32x128xf32, #tpu.memory_space<vmem>>
    %dma_start3A_106 = arith.constant 0 : i32
    %dma_start3A_107 = tpu.memref_slice %arg4[%dma_start3A_106, %multiple_of3A] : memref<32x1000000xf32, #tpu.memory_space<hbm>> -> memref<32x128xf32, #tpu.memory_space<hbm>>
    %dma_start3A_108 = arith.constant 0 : i32
    %dma_start3A_109 = arith.constant 0 : i32
    %dma_start3A_110 = tpu.memref_slice %arg10[%dma_start3A_108, %dma_start3A_109] : memref<256x128xf32, #tpu.memory_space<vmem>> -> memref<32x128xf32, #tpu.memory_space<vmem>>
    %dma_start3A_111 = arith.constant 0 : i32
    %dma_start3A_112 = tpu.memref_slice %arg4[%dma_start3A_111, %multiple_of3A] : memref<32x1000000xf32, #tpu.memory_space<hbm>> -> memref<32x128xf32, #tpu.memory_space<hbm>>
    tpu.enqueue_dma source(%dma_start3A_112 : memref<32x128xf32, #tpu.memory_space<hbm>>) target(%dma_start3A_110 : memref<32x128xf32, #tpu.memory_space<vmem>>) target_semaphore(%arg14 : memref<!tpu.dma_semaphore, #tpu.memory_space<semaphore_mem>>)
    %dma_start3A_113 = arith.constant 0 : i32
    %dma_start3A_114 = arith.constant 0 : i32
    %dma_start3A_115 = tpu.memref_slice %arg11[%dma_start3A_113, %dma_start3A_114] : memref<256x128xf32, #tpu.memory_space<vmem>> -> memref<32x128xf32, #tpu.memory_space<vmem>>
    %dma_start3A_116 = arith.constant 0 : i32
    %dma_start3A_117 = tpu.memref_slice %arg5[%dma_start3A_116, %multiple_of3A_103] : memref<32x1000001xf32, #tpu.memory_space<hbm>> -> memref<32x128xf32, #tpu.memory_space<hbm>>
    %dma_start3A_118 = arith.constant 0 : i32
    %dma_start3A_119 = arith.constant 0 : i32
    %dma_start3A_120 = tpu.memref_slice %arg11[%dma_start3A_118, %dma_start3A_119] : memref<256x128xf32, #tpu.memory_space<vmem>> -> memref<32x128xf32, #tpu.memory_space<vmem>>
    %dma_start3A_121 = arith.constant 0 : i32
    %dma_start3A_122 = tpu.memref_slice %arg5[%dma_start3A_121, %multiple_of3A_103] : memref<32x1000001xf32, #tpu.memory_space<hbm>> -> memref<32x128xf32, #tpu.memory_space<hbm>>
    tpu.enqueue_dma source(%dma_start3A_122 : memref<32x128xf32, #tpu.memory_space<hbm>>) target(%dma_start3A_120 : memref<32x128xf32, #tpu.memory_space<vmem>>) target_semaphore(%arg18 : memref<!tpu.dma_semaphore, #tpu.memory_space<semaphore_mem>>)
    %slice3A_123 = vector.extract_strided_slice %get3A_54 {offsets = [1], sizes = [1], strides = [1]} : vector<16xi32> to vector<1xi32>
    %squeeze3A_124 = vector.extract %slice3A_123[0] : i32 from vector<1xi32>
    %slice3A_125 = vector.extract_strided_slice %get3A_56 {offsets = [1], sizes = [1], strides = [1]} : vector<16xi32> to vector<1xi32>
    %squeeze3A_126 = vector.extract %slice3A_125[0] : i32 from vector<1xi32>
    %jit3A_127 = arith.constant 128 : i32
    %div3A_128 = arith.divsi %squeeze3A_124, %jit3A_127 : i32
    %sign3A_129 = arith.constant 0 : i32
    %sign3A_130 = arith.cmpi sgt, %squeeze3A_124, %sign3A_129 : i32
    %sign3A_131 = arith.extui %sign3A_130 : i1 to i32
    %sign3A_132 = arith.constant 0 : i32
    %sign3A_133 = arith.cmpi slt, %squeeze3A_124, %sign3A_132 : i32
    %sign3A_134 = arith.extui %sign3A_133 : i1 to i32
    %sign3A_135 = arith.subi %sign3A_131, %sign3A_134 : i32
    %sign3A_136 = arith.constant 0 : i32
    %sign3A_137 = arith.cmpi sgt, %jit3A_127, %sign3A_136 : i32
    %sign3A_138 = arith.extui %sign3A_137 : i1 to i32
    %sign3A_139 = arith.constant 0 : i32
    %sign3A_140 = arith.cmpi slt, %jit3A_127, %sign3A_139 : i32
    %sign3A_141 = arith.extui %sign3A_140 : i1 to i32
    %sign3A_142 = arith.subi %sign3A_138, %sign3A_141 : i32
    %ne3A_143 = arith.cmpi ne, %sign3A_135, %sign3A_142 : i32
    %rem3A_144 = arith.remsi %squeeze3A_124, %jit3A_127 : i32
    %ne3A_145 = arith.constant 0 : i32
    %ne3A_146 = arith.cmpi ne, %rem3A_144, %ne3A_145 : i32
    %and3A_147 = arith.andi %ne3A_143, %ne3A_146 : i1
    %sub3A_148 = arith.constant 1 : i32
    %sub3A_149 = arith.subi %div3A_128, %sub3A_148 : i32
    %select_n3A_150 = arith.select %and3A_147, %sub3A_149, %div3A_128 : i32
    %mul3A_151 = arith.constant 128 : i32
    %mul3A_152 = arith.muli %select_n3A_150, %mul3A_151 : i32
    %multiple_of3A_153 = tpu.assume_multiple %mul3A_152, 128 : i32
    %jit3A_154 = arith.constant 128 : i32
    %div3A_155 = arith.divsi %squeeze3A_126, %jit3A_154 : i32
    %sign3A_156 = arith.constant 0 : i32
    %sign3A_157 = arith.cmpi sgt, %squeeze3A_126, %sign3A_156 : i32
    %sign3A_158 = arith.extui %sign3A_157 : i1 to i32
    %sign3A_159 = arith.constant 0 : i32
    %sign3A_160 = arith.cmpi slt, %squeeze3A_126, %sign3A_159 : i32
    %sign3A_161 = arith.extui %sign3A_160 : i1 to i32
    %sign3A_162 = arith.subi %sign3A_158, %sign3A_161 : i32
    %sign3A_163 = arith.constant 0 : i32
    %sign3A_164 = arith.cmpi sgt, %jit3A_154, %sign3A_163 : i32
    %sign3A_165 = arith.extui %sign3A_164 : i1 to i32
    %sign3A_166 = arith.constant 0 : i32
    %sign3A_167 = arith.cmpi slt, %jit3A_154, %sign3A_166 : i32
    %sign3A_168 = arith.extui %sign3A_167 : i1 to i32
    %sign3A_169 = arith.subi %sign3A_165, %sign3A_168 : i32
    %ne3A_170 = arith.cmpi ne, %sign3A_162, %sign3A_169 : i32
    %rem3A_171 = arith.remsi %squeeze3A_126, %jit3A_154 : i32
    %ne3A_172 = arith.constant 0 : i32
    %ne3A_173 = arith.cmpi ne, %rem3A_171, %ne3A_172 : i32
    %and3A_174 = arith.andi %ne3A_170, %ne3A_173 : i1
    %sub3A_175 = arith.constant 1 : i32
    %sub3A_176 = arith.subi %div3A_155, %sub3A_175 : i32
    %select_n3A_177 = arith.select %and3A_174, %sub3A_176, %div3A_155 : i32
    %mul3A_178 = arith.constant 128 : i32
    %mul3A_179 = arith.muli %select_n3A_177, %mul3A_178 : i32
    %multiple_of3A_180 = tpu.assume_multiple %mul3A_179, 128 : i32
    %dma_start3A_181 = arith.constant 32 : i32
    %dma_start3A_182 = arith.constant 0 : i32
    %dma_start3A_183 = tpu.memref_slice %arg10[%dma_start3A_181, %dma_start3A_182] : memref<256x128xf32, #tpu.memory_space<vmem>> -> memref<32x128xf32, #tpu.memory_space<vmem>>
    %dma_start3A_184 = arith.constant 0 : i32
    %dma_start3A_185 = tpu.memref_slice %arg4[%dma_start3A_184, %multiple_of3A_153] : memref<32x1000000xf32, #tpu.memory_space<hbm>> -> memref<32x128xf32, #tpu.memory_space<hbm>>
    %dma_start3A_186 = arith.constant 32 : i32
    %dma_start3A_187 = arith.constant 0 : i32
    %dma_start3A_188 = tpu.memref_slice %arg10[%dma_start3A_186, %dma_start3A_187] : memref<256x128xf32, #tpu.memory_space<vmem>> -> memref<32x128xf32, #tpu.memory_space<vmem>>
    %dma_start3A_189 = arith.constant 0 : i32
    %dma_start3A_190 = tpu.memref_slice %arg4[%dma_start3A_189, %multiple_of3A_153] : memref<32x1000000xf32, #tpu.memory_space<hbm>> -> memref<32x128xf32, #tpu.memory_space<hbm>>
    tpu.enqueue_dma source(%dma_start3A_190 : memref<32x128xf32, #tpu.memory_space<hbm>>) target(%dma_start3A_188 : memref<32x128xf32, #tpu.memory_space<vmem>>) target_semaphore(%arg14 : memref<!tpu.dma_semaphore, #tpu.memory_space<semaphore_mem>>)
    %dma_start3A_191 = arith.constant 32 : i32
    %dma_start3A_192 = arith.constant 0 : i32
    %dma_start3A_193 = tpu.memref_slice %arg11[%dma_start3A_191, %dma_start3A_192] : memref<256x128xf32, #tpu.memory_space<vmem>> -> memref<32x128xf32, #tpu.memory_space<vmem>>
    %dma_start3A_194 = arith.constant 0 : i32
    %dma_start3A_195 = tpu.memref_slice %arg5[%dma_start3A_194, %multiple_of3A_180] : memref<32x1000001xf32, #tpu.memory_space<hbm>> -> memref<32x128xf32, #tpu.memory_space<hbm>>
    %dma_start3A_196 = arith.constant 32 : i32
    %dma_start3A_197 = arith.constant 0 : i32
    %dma_start3A_198 = tpu.memref_slice %arg11[%dma_start3A_196, %dma_start3A_197] : memref<256x128xf32, #tpu.memory_space<vmem>> -> memref<32x128xf32, #tpu.memory_space<vmem>>
    %dma_start3A_199 = arith.constant 0 : i32
    %dma_start3A_200 = tpu.memref_slice %arg5[%dma_start3A_199, %multiple_of3A_180] : memref<32x1000001xf32, #tpu.memory_space<hbm>> -> memref<32x128xf32, #tpu.memory_space<hbm>>
    tpu.enqueue_dma source(%dma_start3A_200 : memref<32x128xf32, #tpu.memory_space<hbm>>) target(%dma_start3A_198 : memref<32x128xf32, #tpu.memory_space<vmem>>) target_semaphore(%arg18 : memref<!tpu.dma_semaphore, #tpu.memory_space<semaphore_mem>>)
    %slice3A_201 = vector.extract_strided_slice %get3A_54 {offsets = [2], sizes = [1], strides = [1]} : vector<16xi32> to vector<1xi32>
    %squeeze3A_202 = vector.extract %slice3A_201[0] : i32 from vector<1xi32>
    %slice3A_203 = vector.extract_strided_slice %get3A_56 {offsets = [2], sizes = [1], strides = [1]} : vector<16xi32> to vector<1xi32>
    %squeeze3A_204 = vector.extract %slice3A_203[0] : i32 from vector<1xi32>
    %jit3A_205 = arith.constant 128 : i32
    %div3A_206 = arith.divsi %squeeze3A_202, %jit3A_205 : i32
    %sign3A_207 = arith.constant 0 : i32
    %sign3A_208 = arith.cmpi sgt, %squeeze3A_202, %sign3A_207 : i32
    %sign3A_209 = arith.extui %sign3A_208 : i1 to i32
    %sign3A_210 = arith.constant 0 : i32
    %sign3A_211 = arith.cmpi slt, %squeeze3A_202, %sign3A_210 : i32
    %sign3A_212 = arith.extui %sign3A_211 : i1 to i32
    %sign3A_213 = arith.subi %sign3A_209, %sign3A_212 : i32
    %sign3A_214 = arith.constant 0 : i32
    %sign3A_215 = arith.cmpi sgt, %jit3A_205, %sign3A_214 : i32
    %sign3A_216 = arith.extui %sign3A_215 : i1 to i32
    %sign3A_217 = arith.constant 0 : i32
    %sign3A_218 = arith.cmpi slt, %jit3A_205, %sign3A_217 : i32
    %sign3A_219 = arith.extui %sign3A_218 : i1 to i32
    %sign3A_220 = arith.subi %sign3A_216, %sign3A_219 : i32
    %ne3A_221 = arith.cmpi ne, %sign3A_213, %sign3A_220 : i32
    %rem3A_222 = arith.remsi %squeeze3A_202, %jit3A_205 : i32
    %ne3A_223 = arith.constant 0 : i32
    %ne3A_224 = arith.cmpi ne, %rem3A_222, %ne3A_223 : i32
    %and3A_225 = arith.andi %ne3A_221, %ne3A_224 : i1
    %sub3A_226 = arith.constant 1 : i32
    %sub3A_227 = arith.subi %div3A_206, %sub3A_226 : i32
    %select_n3A_228 = arith.select %and3A_225, %sub3A_227, %div3A_206 : i32
    %mul3A_229 = arith.constant 128 : i32
    %mul3A_230 = arith.muli %select_n3A_228, %mul3A_229 : i32
    %multiple_of3A_231 = tpu.assume_multiple %mul3A_230, 128 : i32
    %jit3A_232 = arith.constant 128 : i32
    %div3A_233 = arith.divsi %squeeze3A_204, %jit3A_232 : i32
    %sign3A_234 = arith.constant 0 : i32
    %sign3A_235 = arith.cmpi sgt, %squeeze3A_204, %sign3A_234 : i32
    %sign3A_236 = arith.extui %sign3A_235 : i1 to i32
    %sign3A_237 = arith.constant 0 : i32
    %sign3A_238 = arith.cmpi slt, %squeeze3A_204, %sign3A_237 : i32
    %sign3A_239 = arith.extui %sign3A_238 : i1 to i32
    %sign3A_240 = arith.subi %sign3A_236, %sign3A_239 : i32
    %sign3A_241 = arith.constant 0 : i32
    %sign3A_242 = arith.cmpi sgt, %jit3A_232, %sign3A_241 : i32
    %sign3A_243 = arith.extui %sign3A_242 : i1 to i32
    %sign3A_244 = arith.constant 0 : i32
    %sign3A_245 = arith.cmpi slt, %jit3A_232, %sign3A_244 : i32
    %sign3A_246 = arith.extui %sign3A_245 : i1 to i32
    %sign3A_247 = arith.subi %sign3A_243, %sign3A_246 : i32
    %ne3A_248 = arith.cmpi ne, %sign3A_240, %sign3A_247 : i32
    %rem3A_249 = arith.remsi %squeeze3A_204, %jit3A_232 : i32
    %ne3A_250 = arith.constant 0 : i32
    %ne3A_251 = arith.cmpi ne, %rem3A_249, %ne3A_250 : i32
    %and3A_252 = arith.andi %ne3A_248, %ne3A_251 : i1
    %sub3A_253 = arith.constant 1 : i32
    %sub3A_254 = arith.subi %div3A_233, %sub3A_253 : i32
    %select_n3A_255 = arith.select %and3A_252, %sub3A_254, %div3A_233 : i32
    %mul3A_256 = arith.constant 128 : i32
    %mul3A_257 = arith.muli %select_n3A_255, %mul3A_256 : i32
    %multiple_of3A_258 = tpu.assume_multiple %mul3A_257, 128 : i32
    %dma_start3A_259 = arith.constant 64 : i32
    %dma_start3A_260 = arith.constant 0 : i32
    %dma_start3A_261 = tpu.memref_slice %arg10[%dma_start3A_259, %dma_start3A_260] : memref<256x128xf32, #tpu.memory_space<vmem>> -> memref<32x128xf32, #tpu.memory_space<vmem>>
    %dma_start3A_262 = arith.constant 0 : i32
    %dma_start3A_263 = tpu.memref_slice %arg4[%dma_start3A_262, %multiple_of3A_231] : memref<32x1000000xf32, #tpu.memory_space<hbm>> -> memref<32x128xf32, #tpu.memory_space<hbm>>
    %dma_start3A_264 = arith.constant 64 : i32
    %dma_start3A_265 = arith.constant 0 : i32
    %dma_start3A_266 = tpu.memref_slice %arg10[%dma_start3A_264, %dma_start3A_265] : memref<256x128xf32, #tpu.memory_space<vmem>> -> memref<32x128xf32, #tpu.memory_space<vmem>>
    %dma_start3A_267 = arith.constant 0 : i32
    %dma_start3A_268 = tpu.memref_slice %arg4[%dma_start3A_267, %multiple_of3A_231] : memref<32x1000000xf32, #tpu.memory_space<hbm>> -> memref<32x128xf32, #tpu.memory_space<hbm>>
    tpu.enqueue_dma source(%dma_start3A_268 : memref<32x128xf32, #tpu.memory_space<hbm>>) target(%dma_start3A_266 : memref<32x128xf32, #tpu.memory_space<vmem>>) target_semaphore(%arg15 : memref<!tpu.dma_semaphore, #tpu.memory_space<semaphore_mem>>)
    %dma_start3A_269 = arith.constant 64 : i32
    %dma_start3A_270 = arith.constant 0 : i32
    %dma_start3A_271 = tpu.memref_slice %arg11[%dma_start3A_269, %dma_start3A_270] : memref<256x128xf32, #tpu.memory_space<vmem>> -> memref<32x128xf32, #tpu.memory_space<vmem>>
    %dma_start3A_272 = arith.constant 0 : i32
    %dma_start3A_273 = tpu.memref_slice %arg5[%dma_start3A_272, %multiple_of3A_258] : memref<32x1000001xf32, #tpu.memory_space<hbm>> -> memref<32x128xf32, #tpu.memory_space<hbm>>
    %dma_start3A_274 = arith.constant 64 : i32
    %dma_start3A_275 = arith.constant 0 : i32
    %dma_start3A_276 = tpu.memref_slice %arg11[%dma_start3A_274, %dma_start3A_275] : memref<256x128xf32, #tpu.memory_space<vmem>> -> memref<32x128xf32, #tpu.memory_space<vmem>>
    %dma_start3A_277 = arith.constant 0 : i32
    %dma_start3A_278 = tpu.memref_slice %arg5[%dma_start3A_277, %multiple_of3A_258] : memref<32x1000001xf32, #tpu.memory_space<hbm>> -> memref<32x128xf32, #tpu.memory_space<hbm>>
    tpu.enqueue_dma source(%dma_start3A_278 : memref<32x128xf32, #tpu.memory_space<hbm>>) target(%dma_start3A_276 : memref<32x128xf32, #tpu.memory_space<vmem>>) target_semaphore(%arg19 : memref<!tpu.dma_semaphore, #tpu.memory_space<semaphore_mem>>)
    %slice3A_279 = vector.extract_strided_slice %get3A_54 {offsets = [3], sizes = [1], strides = [1]} : vector<16xi32> to vector<1xi32>
    %squeeze3A_280 = vector.extract %slice3A_279[0] : i32 from vector<1xi32>
    %slice3A_281 = vector.extract_strided_slice %get3A_56 {offsets = [3], sizes = [1], strides = [1]} : vector<16xi32> to vector<1xi32>
    %squeeze3A_282 = vector.extract %slice3A_281[0] : i32 from vector<1xi32>
    %jit3A_283 = arith.constant 128 : i32
    %div3A_284 = arith.divsi %squeeze3A_280, %jit3A_283 : i32
    %sign3A_285 = arith.constant 0 : i32
    %sign3A_286 = arith.cmpi sgt, %squeeze3A_280, %sign3A_285 : i32
    %sign3A_287 = arith.extui %sign3A_286 : i1 to i32
    %sign3A_288 = arith.constant 0 : i32
    %sign3A_289 = arith.cmpi slt, %squeeze3A_280, %sign3A_288 : i32
    %sign3A_290 = arith.extui %sign3A_289 : i1 to i32
    %sign3A_291 = arith.subi %sign3A_287, %sign3A_290 : i32
    %sign3A_292 = arith.constant 0 : i32
    %sign3A_293 = arith.cmpi sgt, %jit3A_283, %sign3A_292 : i32
    %sign3A_294 = arith.extui %sign3A_293 : i1 to i32
    %sign3A_295 = arith.constant 0 : i32
    %sign3A_296 = arith.cmpi slt, %jit3A_283, %sign3A_295 : i32
    %sign3A_297 = arith.extui %sign3A_296 : i1 to i32
    %sign3A_298 = arith.subi %sign3A_294, %sign3A_297 : i32
    %ne3A_299 = arith.cmpi ne, %sign3A_291, %sign3A_298 : i32
    %rem3A_300 = arith.remsi %squeeze3A_280, %jit3A_283 : i32
    %ne3A_301 = arith.constant 0 : i32
    %ne3A_302 = arith.cmpi ne, %rem3A_300, %ne3A_301 : i32
    %and3A_303 = arith.andi %ne3A_299, %ne3A_302 : i1
    %sub3A_304 = arith.constant 1 : i32
    %sub3A_305 = arith.subi %div3A_284, %sub3A_304 : i32
    %select_n3A_306 = arith.select %and3A_303, %sub3A_305, %div3A_284 : i32
    %mul3A_307 = arith.constant 128 : i32
    %mul3A_308 = arith.muli %select_n3A_306, %mul3A_307 : i32
    %multiple_of3A_309 = tpu.assume_multiple %mul3A_308, 128 : i32
    %jit3A_310 = arith.constant 128 : i32
    %div3A_311 = arith.divsi %squeeze3A_282, %jit3A_310 : i32
    %sign3A_312 = arith.constant 0 : i32
    %sign3A_313 = arith.cmpi sgt, %squeeze3A_282, %sign3A_312 : i32
    %sign3A_314 = arith.extui %sign3A_313 : i1 to i32
    %sign3A_315 = arith.constant 0 : i32
    %sign3A_316 = arith.cmpi slt, %squeeze3A_282, %sign3A_315 : i32
    %sign3A_317 = arith.extui %sign3A_316 : i1 to i32
    %sign3A_318 = arith.subi %sign3A_314, %sign3A_317 : i32
    %sign3A_319 = arith.constant 0 : i32
    %sign3A_320 = arith.cmpi sgt, %jit3A_310, %sign3A_319 : i32
    %sign3A_321 = arith.extui %sign3A_320 : i1 to i32
    %sign3A_322 = arith.constant 0 : i32
    %sign3A_323 = arith.cmpi slt, %jit3A_310, %sign3A_322 : i32
    %sign3A_324 = arith.extui %sign3A_323 : i1 to i32
    %sign3A_325 = arith.subi %sign3A_321, %sign3A_324 : i32
    %ne3A_326 = arith.cmpi ne, %sign3A_318, %sign3A_325 : i32
    %rem3A_327 = arith.remsi %squeeze3A_282, %jit3A_310 : i32
    %ne3A_328 = arith.constant 0 : i32
    %ne3A_329 = arith.cmpi ne, %rem3A_327, %ne3A_328 : i32
    %and3A_330 = arith.andi %ne3A_326, %ne3A_329 : i1
    %sub3A_331 = arith.constant 1 : i32
    %sub3A_332 = arith.subi %div3A_311, %sub3A_331 : i32
    %select_n3A_333 = arith.select %and3A_330, %sub3A_332, %div3A_311 : i32
    %mul3A_334 = arith.constant 128 : i32
    %mul3A_335 = arith.muli %select_n3A_333, %mul3A_334 : i32
    %multiple_of3A_336 = tpu.assume_multiple %mul3A_335, 128 : i32
    %dma_start3A_337 = arith.constant 96 : i32
    %dma_start3A_338 = arith.constant 0 : i32
    %dma_start3A_339 = tpu.memref_slice %arg10[%dma_start3A_337, %dma_start3A_338] : memref<256x128xf32, #tpu.memory_space<vmem>> -> memref<32x128xf32, #tpu.memory_space<vmem>>
    %dma_start3A_340 = arith.constant 0 : i32
    %dma_start3A_341 = tpu.memref_slice %arg4[%dma_start3A_340, %multiple_of3A_309] : memref<32x1000000xf32, #tpu.memory_space<hbm>> -> memref<32x128xf32, #tpu.memory_space<hbm>>
    %dma_start3A_342 = arith.constant 96 : i32
    %dma_start3A_343 = arith.constant 0 : i32
    %dma_start3A_344 = tpu.memref_slice %arg10[%dma_start3A_342, %dma_start3A_343] : memref<256x128xf32, #tpu.memory_space<vmem>> -> memref<32x128xf32, #tpu.memory_space<vmem>>
    %dma_start3A_345 = arith.constant 0 : i32
    %dma_start3A_346 = tpu.memref_slice %arg4[%dma_start3A_345, %multiple_of3A_309] : memref<32x1000000xf32, #tpu.memory_space<hbm>> -> memref<32x128xf32, #tpu.memory_space<hbm>>
    tpu.enqueue_dma source(%dma_start3A_346 : memref<32x128xf32, #tpu.memory_space<hbm>>) target(%dma_start3A_344 : memref<32x128xf32, #tpu.memory_space<vmem>>) target_semaphore(%arg15 : memref<!tpu.dma_semaphore, #tpu.memory_space<semaphore_mem>>)
    %dma_start3A_347 = arith.constant 96 : i32
    %dma_start3A_348 = arith.constant 0 : i32
    %dma_start3A_349 = tpu.memref_slice %arg11[%dma_start3A_347, %dma_start3A_348] : memref<256x128xf32, #tpu.memory_space<vmem>> -> memref<32x128xf32, #tpu.memory_space<vmem>>
    %dma_start3A_350 = arith.constant 0 : i32
    %dma_start3A_351 = tpu.memref_slice %arg5[%dma_start3A_350, %multiple_of3A_336] : memref<32x1000001xf32, #tpu.memory_space<hbm>> -> memref<32x128xf32, #tpu.memory_space<hbm>>
    %dma_start3A_352 = arith.constant 96 : i32
    %dma_start3A_353 = arith.constant 0 : i32
    %dma_start3A_354 = tpu.memref_slice %arg11[%dma_start3A_352, %dma_start3A_353] : memref<256x128xf32, #tpu.memory_space<vmem>> -> memref<32x128xf32, #tpu.memory_space<vmem>>
    %dma_start3A_355 = arith.constant 0 : i32
    %dma_start3A_356 = tpu.memref_slice %arg5[%dma_start3A_355, %multiple_of3A_336] : memref<32x1000001xf32, #tpu.memory_space<hbm>> -> memref<32x128xf32, #tpu.memory_space<hbm>>
    tpu.enqueue_dma source(%dma_start3A_356 : memref<32x128xf32, #tpu.memory_space<hbm>>) target(%dma_start3A_354 : memref<32x128xf32, #tpu.memory_space<vmem>>) target_semaphore(%arg19 : memref<!tpu.dma_semaphore, #tpu.memory_space<semaphore_mem>>)
    %slice3A_357 = vector.extract_strided_slice %get3A_54 {offsets = [4], sizes = [1], strides = [1]} : vector<16xi32> to vector<1xi32>
    %squeeze3A_358 = vector.extract %slice3A_357[0] : i32 from vector<1xi32>
    %slice3A_359 = vector.extract_strided_slice %get3A_56 {offsets = [4], sizes = [1], strides = [1]} : vector<16xi32> to vector<1xi32>
    %squeeze3A_360 = vector.extract %slice3A_359[0] : i32 from vector<1xi32>
    %jit3A_361 = arith.constant 128 : i32
    %div3A_362 = arith.divsi %squeeze3A_358, %jit3A_361 : i32
    %sign3A_363 = arith.constant 0 : i32
    %sign3A_364 = arith.cmpi sgt, %squeeze3A_358, %sign3A_363 : i32
    %sign3A_365 = arith.extui %sign3A_364 : i1 to i32
    %sign3A_366 = arith.constant 0 : i32
    %sign3A_367 = arith.cmpi slt, %squeeze3A_358, %sign3A_366 : i32
    %sign3A_368 = arith.extui %sign3A_367 : i1 to i32
    %sign3A_369 = arith.subi %sign3A_365, %sign3A_368 : i32
    %sign3A_370 = arith.constant 0 : i32
    %sign3A_371 = arith.cmpi sgt, %jit3A_361, %sign3A_370 : i32
    %sign3A_372 = arith.extui %sign3A_371 : i1 to i32
    %sign3A_373 = arith.constant 0 : i32
    %sign3A_374 = arith.cmpi slt, %jit3A_361, %sign3A_373 : i32
    %sign3A_375 = arith.extui %sign3A_374 : i1 to i32
    %sign3A_376 = arith.subi %sign3A_372, %sign3A_375 : i32
    %ne3A_377 = arith.cmpi ne, %sign3A_369, %sign3A_376 : i32
    %rem3A_378 = arith.remsi %squeeze3A_358, %jit3A_361 : i32
    %ne3A_379 = arith.constant 0 : i32
    %ne3A_380 = arith.cmpi ne, %rem3A_378, %ne3A_379 : i32
    %and3A_381 = arith.andi %ne3A_377, %ne3A_380 : i1
    %sub3A_382 = arith.constant 1 : i32
    %sub3A_383 = arith.subi %div3A_362, %sub3A_382 : i32
    %select_n3A_384 = arith.select %and3A_381, %sub3A_383, %div3A_362 : i32
    %mul3A_385 = arith.constant 128 : i32
    %mul3A_386 = arith.muli %select_n3A_384, %mul3A_385 : i32
    %multiple_of3A_387 = tpu.assume_multiple %mul3A_386, 128 : i32
    %jit3A_388 = arith.constant 128 : i32
    %div3A_389 = arith.divsi %squeeze3A_360, %jit3A_388 : i32
    %sign3A_390 = arith.constant 0 : i32
    %sign3A_391 = arith.cmpi sgt, %squeeze3A_360, %sign3A_390 : i32
    %sign3A_392 = arith.extui %sign3A_391 : i1 to i32
    %sign3A_393 = arith.constant 0 : i32
    %sign3A_394 = arith.cmpi slt, %squeeze3A_360, %sign3A_393 : i32
    %sign3A_395 = arith.extui %sign3A_394 : i1 to i32
    %sign3A_396 = arith.subi %sign3A_392, %sign3A_395 : i32
    %sign3A_397 = arith.constant 0 : i32
    %sign3A_398 = arith.cmpi sgt, %jit3A_388, %sign3A_397 : i32
    %sign3A_399 = arith.extui %sign3A_398 : i1 to i32
    %sign3A_400 = arith.constant 0 : i32
    %sign3A_401 = arith.cmpi slt, %jit3A_388, %sign3A_400 : i32
    %sign3A_402 = arith.extui %sign3A_401 : i1 to i32
    %sign3A_403 = arith.subi %sign3A_399, %sign3A_402 : i32
    %ne3A_404 = arith.cmpi ne, %sign3A_396, %sign3A_403 : i32
    %rem3A_405 = arith.remsi %squeeze3A_360, %jit3A_388 : i32
    %ne3A_406 = arith.constant 0 : i32
    %ne3A_407 = arith.cmpi ne, %rem3A_405, %ne3A_406 : i32
    %and3A_408 = arith.andi %ne3A_404, %ne3A_407 : i1
    %sub3A_409 = arith.constant 1 : i32
    %sub3A_410 = arith.subi %div3A_389, %sub3A_409 : i32
    %select_n3A_411 = arith.select %and3A_408, %sub3A_410, %div3A_389 : i32
    %mul3A_412 = arith.constant 128 : i32
    %mul3A_413 = arith.muli %select_n3A_411, %mul3A_412 : i32
    %multiple_of3A_414 = tpu.assume_multiple %mul3A_413, 128 : i32
    %dma_start3A_415 = arith.constant 128 : i32
    %dma_start3A_416 = arith.constant 0 : i32
    %dma_start3A_417 = tpu.memref_slice %arg10[%dma_start3A_415, %dma_start3A_416] : memref<256x128xf32, #tpu.memory_space<vmem>> -> memref<32x128xf32, #tpu.memory_space<vmem>>
    %dma_start3A_418 = arith.constant 0 : i32
    %dma_start3A_419 = tpu.memref_slice %arg4[%dma_start3A_418, %multiple_of3A_387] : memref<32x1000000xf32, #tpu.memory_space<hbm>> -> memref<32x128xf32, #tpu.memory_space<hbm>>
    %dma_start3A_420 = arith.constant 128 : i32
    %dma_start3A_421 = arith.constant 0 : i32
    %dma_start3A_422 = tpu.memref_slice %arg10[%dma_start3A_420, %dma_start3A_421] : memref<256x128xf32, #tpu.memory_space<vmem>> -> memref<32x128xf32, #tpu.memory_space<vmem>>
    %dma_start3A_423 = arith.constant 0 : i32
    %dma_start3A_424 = tpu.memref_slice %arg4[%dma_start3A_423, %multiple_of3A_387] : memref<32x1000000xf32, #tpu.memory_space<hbm>> -> memref<32x128xf32, #tpu.memory_space<hbm>>
    tpu.enqueue_dma source(%dma_start3A_424 : memref<32x128xf32, #tpu.memory_space<hbm>>) target(%dma_start3A_422 : memref<32x128xf32, #tpu.memory_space<vmem>>) target_semaphore(%arg16 : memref<!tpu.dma_semaphore, #tpu.memory_space<semaphore_mem>>)
    %dma_start3A_425 = arith.constant 128 : i32
    %dma_start3A_426 = arith.constant 0 : i32
    %dma_start3A_427 = tpu.memref_slice %arg11[%dma_start3A_425, %dma_start3A_426] : memref<256x128xf32, #tpu.memory_space<vmem>> -> memref<32x128xf32, #tpu.memory_space<vmem>>
    %dma_start3A_428 = arith.constant 0 : i32
    %dma_start3A_429 = tpu.memref_slice %arg5[%dma_start3A_428, %multiple_of3A_414] : memref<32x1000001xf32, #tpu.memory_space<hbm>> -> memref<32x128xf32, #tpu.memory_space<hbm>>
    %dma_start3A_430 = arith.constant 128 : i32
    %dma_start3A_431 = arith.constant 0 : i32
    %dma_start3A_432 = tpu.memref_slice %arg11[%dma_start3A_430, %dma_start3A_431] : memref<256x128xf32, #tpu.memory_space<vmem>> -> memref<32x128xf32, #tpu.memory_space<vmem>>
    %dma_start3A_433 = arith.constant 0 : i32
    %dma_start3A_434 = tpu.memref_slice %arg5[%dma_start3A_433, %multiple_of3A_414] : memref<32x1000001xf32, #tpu.memory_space<hbm>> -> memref<32x128xf32, #tpu.memory_space<hbm>>
    tpu.enqueue_dma source(%dma_start3A_434 : memref<32x128xf32, #tpu.memory_space<hbm>>) target(%dma_start3A_432 : memref<32x128xf32, #tpu.memory_space<vmem>>) target_semaphore(%arg20 : memref<!tpu.dma_semaphore, #tpu.memory_space<semaphore_mem>>)
    %slice3A_435 = vector.extract_strided_slice %get3A_54 {offsets = [5], sizes = [1], strides = [1]} : vector<16xi32> to vector<1xi32>
    %squeeze3A_436 = vector.extract %slice3A_435[0] : i32 from vector<1xi32>
    %slice3A_437 = vector.extract_strided_slice %get3A_56 {offsets = [5], sizes = [1], strides = [1]} : vector<16xi32> to vector<1xi32>
    %squeeze3A_438 = vector.extract %slice3A_437[0] : i32 from vector<1xi32>
    %jit3A_439 = arith.constant 128 : i32
    %div3A_440 = arith.divsi %squeeze3A_436, %jit3A_439 : i32
    %sign3A_441 = arith.constant 0 : i32
    %sign3A_442 = arith.cmpi sgt, %squeeze3A_436, %sign3A_441 : i32
    %sign3A_443 = arith.extui %sign3A_442 : i1 to i32
    %sign3A_444 = arith.constant 0 : i32
    %sign3A_445 = arith.cmpi slt, %squeeze3A_436, %sign3A_444 : i32
    %sign3A_446 = arith.extui %sign3A_445 : i1 to i32
    %sign3A_447 = arith.subi %sign3A_443, %sign3A_446 : i32
    %sign3A_448 = arith.constant 0 : i32
    %sign3A_449 = arith.cmpi sgt, %jit3A_439, %sign3A_448 : i32
    %sign3A_450 = arith.extui %sign3A_449 : i1 to i32
    %sign3A_451 = arith.constant 0 : i32
    %sign3A_452 = arith.cmpi slt, %jit3A_439, %sign3A_451 : i32
    %sign3A_453 = arith.extui %sign3A_452 : i1 to i32
    %sign3A_454 = arith.subi %sign3A_450, %sign3A_453 : i32
    %ne3A_455 = arith.cmpi ne, %sign3A_447, %sign3A_454 : i32
    %rem3A_456 = arith.remsi %squeeze3A_436, %jit3A_439 : i32
    %ne3A_457 = arith.constant 0 : i32
    %ne3A_458 = arith.cmpi ne, %rem3A_456, %ne3A_457 : i32
    %and3A_459 = arith.andi %ne3A_455, %ne3A_458 : i1
    %sub3A_460 = arith.constant 1 : i32
    %sub3A_461 = arith.subi %div3A_440, %sub3A_460 : i32
    %select_n3A_462 = arith.select %and3A_459, %sub3A_461, %div3A_440 : i32
    %mul3A_463 = arith.constant 128 : i32
    %mul3A_464 = arith.muli %select_n3A_462, %mul3A_463 : i32
    %multiple_of3A_465 = tpu.assume_multiple %mul3A_464, 128 : i32
    %jit3A_466 = arith.constant 128 : i32
    %div3A_467 = arith.divsi %squeeze3A_438, %jit3A_466 : i32
    %sign3A_468 = arith.constant 0 : i32
    %sign3A_469 = arith.cmpi sgt, %squeeze3A_438, %sign3A_468 : i32
    %sign3A_470 = arith.extui %sign3A_469 : i1 to i32
    %sign3A_471 = arith.constant 0 : i32
    %sign3A_472 = arith.cmpi slt, %squeeze3A_438, %sign3A_471 : i32
    %sign3A_473 = arith.extui %sign3A_472 : i1 to i32
    %sign3A_474 = arith.subi %sign3A_470, %sign3A_473 : i32
    %sign3A_475 = arith.constant 0 : i32
    %sign3A_476 = arith.cmpi sgt, %jit3A_466, %sign3A_475 : i32
    %sign3A_477 = arith.extui %sign3A_476 : i1 to i32
    %sign3A_478 = arith.constant 0 : i32
    %sign3A_479 = arith.cmpi slt, %jit3A_466, %sign3A_478 : i32
    %sign3A_480 = arith.extui %sign3A_479 : i1 to i32
    %sign3A_481 = arith.subi %sign3A_477, %sign3A_480 : i32
    %ne3A_482 = arith.cmpi ne, %sign3A_474, %sign3A_481 : i32
    %rem3A_483 = arith.remsi %squeeze3A_438, %jit3A_466 : i32
    %ne3A_484 = arith.constant 0 : i32
    %ne3A_485 = arith.cmpi ne, %rem3A_483, %ne3A_484 : i32
    %and3A_486 = arith.andi %ne3A_482, %ne3A_485 : i1
    %sub3A_487 = arith.constant 1 : i32
    %sub3A_488 = arith.subi %div3A_467, %sub3A_487 : i32
    %select_n3A_489 = arith.select %and3A_486, %sub3A_488, %div3A_467 : i32
    %mul3A_490 = arith.constant 128 : i32
    %mul3A_491 = arith.muli %select_n3A_489, %mul3A_490 : i32
    %multiple_of3A_492 = tpu.assume_multiple %mul3A_491, 128 : i32
    %dma_start3A_493 = arith.constant 160 : i32
    %dma_start3A_494 = arith.constant 0 : i32
    %dma_start3A_495 = tpu.memref_slice %arg10[%dma_start3A_493, %dma_start3A_494] : memref<256x128xf32, #tpu.memory_space<vmem>> -> memref<32x128xf32, #tpu.memory_space<vmem>>
    %dma_start3A_496 = arith.constant 0 : i32
    %dma_start3A_497 = tpu.memref_slice %arg4[%dma_start3A_496, %multiple_of3A_465] : memref<32x1000000xf32, #tpu.memory_space<hbm>> -> memref<32x128xf32, #tpu.memory_space<hbm>>
    %dma_start3A_498 = arith.constant 160 : i32
    %dma_start3A_499 = arith.constant 0 : i32
    %dma_start3A_500 = tpu.memref_slice %arg10[%dma_start3A_498, %dma_start3A_499] : memref<256x128xf32, #tpu.memory_space<vmem>> -> memref<32x128xf32, #tpu.memory_space<vmem>>
    %dma_start3A_501 = arith.constant 0 : i32
    %dma_start3A_502 = tpu.memref_slice %arg4[%dma_start3A_501, %multiple_of3A_465] : memref<32x1000000xf32, #tpu.memory_space<hbm>> -> memref<32x128xf32, #tpu.memory_space<hbm>>
    tpu.enqueue_dma source(%dma_start3A_502 : memref<32x128xf32, #tpu.memory_space<hbm>>) target(%dma_start3A_500 : memref<32x128xf32, #tpu.memory_space<vmem>>) target_semaphore(%arg16 : memref<!tpu.dma_semaphore, #tpu.memory_space<semaphore_mem>>)
    %dma_start3A_503 = arith.constant 160 : i32
    %dma_start3A_504 = arith.constant 0 : i32
    %dma_start3A_505 = tpu.memref_slice %arg11[%dma_start3A_503, %dma_start3A_504] : memref<256x128xf32, #tpu.memory_space<vmem>> -> memref<32x128xf32, #tpu.memory_space<vmem>>
    %dma_start3A_506 = arith.constant 0 : i32
    %dma_start3A_507 = tpu.memref_slice %arg5[%dma_start3A_506, %multiple_of3A_492] : memref<32x1000001xf32, #tpu.memory_space<hbm>> -> memref<32x128xf32, #tpu.memory_space<hbm>>
    %dma_start3A_508 = arith.constant 160 : i32
    %dma_start3A_509 = arith.constant 0 : i32
    %dma_start3A_510 = tpu.memref_slice %arg11[%dma_start3A_508, %dma_start3A_509] : memref<256x128xf32, #tpu.memory_space<vmem>> -> memref<32x128xf32, #tpu.memory_space<vmem>>
    %dma_start3A_511 = arith.constant 0 : i32
    %dma_start3A_512 = tpu.memref_slice %arg5[%dma_start3A_511, %multiple_of3A_492] : memref<32x1000001xf32, #tpu.memory_space<hbm>> -> memref<32x128xf32, #tpu.memory_space<hbm>>
    tpu.enqueue_dma source(%dma_start3A_512 : memref<32x128xf32, #tpu.memory_space<hbm>>) target(%dma_start3A_510 : memref<32x128xf32, #tpu.memory_space<vmem>>) target_semaphore(%arg20 : memref<!tpu.dma_semaphore, #tpu.memory_space<semaphore_mem>>)
    %scan3A = arith.constant 0 : i32
    %scan3A_513 = arith.constant 0 : i32
    %scan3A_514 = arith.constant 32 : i32
    %scan3A_515 = arith.addi %scan3A_513, %scan3A_514 : i32
    %scan3A_516 = arith.constant 1 : i32
    scf.for %scan3A_554 = %scan3A_513 to %scan3A_515 step %scan3A_516  : i32 {
      %mul3A_555 = arith.constant 16 : i32
      %mul3A_556 = arith.muli %scan3A_554, %mul3A_555 : i32
      %get3A_557 = arith.index_cast %mul3A_556 : i32 to index
      %get3A_558 = tpu.vector_load %arg8[%get3A_557] {strides = array<i32>} : memref<512xi32, #tpu.memory_space<vmem>>, vector<16xi32>,
      %get3A_559 = arith.index_cast %mul3A_556 : i32 to index
      %get3A_560 = tpu.vector_load %arg9[%get3A_559] {strides = array<i32>} : memref<512xi32, #tpu.memory_space<vmem>>, vector<16xi32>,
      %add3A_561 = arith.constant 1 : i32
      %add3A_562 = arith.addi %scan3A_554, %add3A_561 : i32
      %mul3A_563 = arith.constant 16 : i32
      %mul3A_564 = arith.muli %add3A_562, %mul3A_563 : i32
      %rem3A_565 = arith.constant 512 : i32
      %rem3A_566 = arith.remsi %mul3A_564, %rem3A_565 : i32
      %get3A_567 = arith.index_cast %rem3A_566 : i32 to index
      %get3A_568 = tpu.vector_load %arg8[%get3A_567] {strides = array<i32>} : memref<512xi32, #tpu.memory_space<vmem>>, vector<16xi32>,
      %get3A_569 = arith.index_cast %rem3A_566 : i32 to index
      %get3A_570 = tpu.vector_load %arg9[%get3A_569] {strides = array<i32>} : memref<512xi32, #tpu.memory_space<vmem>>, vector<16xi32>,
      %slice3A_571 = vector.extract_strided_slice %get3A_558 {offsets = [6], sizes = [1], strides = [1]} : vector<16xi32> to vector<1xi32>
      %squeeze3A_572 = vector.extract %slice3A_571[0] : i32 from vector<1xi32>
      %slice3A_573 = vector.extract_strided_slice %get3A_560 {offsets = [6], sizes = [1], strides = [1]} : vector<16xi32> to vector<1xi32>
      %squeeze3A_574 = vector.extract %slice3A_573[0] : i32 from vector<1xi32>
      %jit3A_575 = arith.constant 128 : i32
      %div3A_576 = arith.divsi %squeeze3A_572, %jit3A_575 : i32
      %sign3A_577 = arith.constant 0 : i32
      %sign3A_578 = arith.cmpi sgt, %squeeze3A_572, %sign3A_577 : i32
      %sign3A_579 = arith.extui %sign3A_578 : i1 to i32
      %sign3A_580 = arith.constant 0 : i32
      %sign3A_581 = arith.cmpi slt, %squeeze3A_572, %sign3A_580 : i32
      %sign3A_582 = arith.extui %sign3A_581 : i1 to i32
      %sign3A_583 = arith.subi %sign3A_579, %sign3A_582 : i32
      %sign3A_584 = arith.constant 0 : i32
      %sign3A_585 = arith.cmpi sgt, %jit3A_575, %sign3A_584 : i32
      %sign3A_586 = arith.extui %sign3A_585 : i1 to i32
      %sign3A_587 = arith.constant 0 : i32
      %sign3A_588 = arith.cmpi slt, %jit3A_575, %sign3A_587 : i32
      %sign3A_589 = arith.extui %sign3A_588 : i1 to i32
      %sign3A_590 = arith.subi %sign3A_586, %sign3A_589 : i32
      %ne3A_591 = arith.cmpi ne, %sign3A_583, %sign3A_590 : i32
      %rem3A_592 = arith.remsi %squeeze3A_572, %jit3A_575 : i32
      %ne3A_593 = arith.constant 0 : i32
      %ne3A_594 = arith.cmpi ne, %rem3A_592, %ne3A_593 : i32
      %and3A_595 = arith.andi %ne3A_591, %ne3A_594 : i1
      %sub3A_596 = arith.constant 1 : i32
      %sub3A_597 = arith.subi %div3A_576, %sub3A_596 : i32
      %select_n3A_598 = arith.select %and3A_595, %sub3A_597, %div3A_576 : i32
      %mul3A_599 = arith.constant 128 : i32
      %mul3A_600 = arith.muli %select_n3A_598, %mul3A_599 : i32
      %multiple_of3A_601 = tpu.assume_multiple %mul3A_600, 128 : i32
      %jit3A_602 = arith.constant 128 : i32
      %div3A_603 = arith.divsi %squeeze3A_574, %jit3A_602 : i32
      %sign3A_604 = arith.constant 0 : i32
      %sign3A_605 = arith.cmpi sgt, %squeeze3A_574, %sign3A_604 : i32
      %sign3A_606 = arith.extui %sign3A_605 : i1 to i32
      %sign3A_607 = arith.constant 0 : i32
      %sign3A_608 = arith.cmpi slt, %squeeze3A_574, %sign3A_607 : i32
      %sign3A_609 = arith.extui %sign3A_608 : i1 to i32
      %sign3A_610 = arith.subi %sign3A_606, %sign3A_609 : i32
      %sign3A_611 = arith.constant 0 : i32
      %sign3A_612 = arith.cmpi sgt, %jit3A_602, %sign3A_611 : i32
      %sign3A_613 = arith.extui %sign3A_612 : i1 to i32
      %sign3A_614 = arith.constant 0 : i32
      %sign3A_615 = arith.cmpi slt, %jit3A_602, %sign3A_614 : i32
      %sign3A_616 = arith.extui %sign3A_615 : i1 to i32
      %sign3A_617 = arith.subi %sign3A_613, %sign3A_616 : i32
      %ne3A_618 = arith.cmpi ne, %sign3A_610, %sign3A_617 : i32
      %rem3A_619 = arith.remsi %squeeze3A_574, %jit3A_602 : i32
      %ne3A_620 = arith.constant 0 : i32
      %ne3A_621 = arith.cmpi ne, %rem3A_619, %ne3A_620 : i32
      %and3A_622 = arith.andi %ne3A_618, %ne3A_621 : i1
      %sub3A_623 = arith.constant 1 : i32
      %sub3A_624 = arith.subi %div3A_603, %sub3A_623 : i32
      %select_n3A_625 = arith.select %and3A_622, %sub3A_624, %div3A_603 : i32
      %mul3A_626 = arith.constant 128 : i32
      %mul3A_627 = arith.muli %select_n3A_625, %mul3A_626 : i32
      %multiple_of3A_628 = tpu.assume_multiple %mul3A_627, 128 : i32
      %dma_start3A_629 = arith.constant 192 : i32
      %dma_start3A_630 = arith.constant 0 : i32
      %dma_start3A_631 = tpu.memref_slice %arg10[%dma_start3A_629, %dma_start3A_630] : memref<256x128xf32, #tpu.memory_space<vmem>> -> memref<32x128xf32, #tpu.memory_space<vmem>>
      %dma_start3A_632 = arith.constant 0 : i32
      %dma_start3A_633 = tpu.memref_slice %arg4[%dma_start3A_632, %multiple_of3A_601] : memref<32x1000000xf32, #tpu.memory_space<hbm>> -> memref<32x128xf32, #tpu.memory_space<hbm>>
      %dma_start3A_634 = arith.constant 192 : i32
      %dma_start3A_635 = arith.constant 0 : i32
      %dma_start3A_636 = tpu.memref_slice %arg10[%dma_start3A_634, %dma_start3A_635] : memref<256x128xf32, #tpu.memory_space<vmem>> -> memref<32x128xf32, #tpu.memory_space<vmem>>
      %dma_start3A_637 = arith.constant 0 : i32
      %dma_start3A_638 = tpu.memref_slice %arg4[%dma_start3A_637, %multiple_of3A_601] : memref<32x1000000xf32, #tpu.memory_space<hbm>> -> memref<32x128xf32, #tpu.memory_space<hbm>>
      tpu.enqueue_dma source(%dma_start3A_638 : memref<32x128xf32, #tpu.memory_space<hbm>>) target(%dma_start3A_636 : memref<32x128xf32, #tpu.memory_space<vmem>>) target_semaphore(%arg17 : memref<!tpu.dma_semaphore, #tpu.memory_space<semaphore_mem>>)
      %dma_start3A_639 = arith.constant 192 : i32
      %dma_start3A_640 = arith.constant 0 : i32
      %dma_start3A_641 = tpu.memref_slice %arg11[%dma_start3A_639, %dma_start3A_640] : memref<256x128xf32, #tpu.memory_space<vmem>> -> memref<32x128xf32, #tpu.memory_space<vmem>>
      %dma_start3A_642 = arith.constant 0 : i32
      %dma_start3A_643 = tpu.memref_slice %arg5[%dma_start3A_642, %multiple_of3A_628] : memref<32x1000001xf32, #tpu.memory_space<hbm>> -> memref<32x128xf32, #tpu.memory_space<hbm>>
      %dma_start3A_644 = arith.constant 192 : i32
      %dma_start3A_645 = arith.constant 0 : i32
      %dma_start3A_646 = tpu.memref_slice %arg11[%dma_start3A_644, %dma_start3A_645] : memref<256x128xf32, #tpu.memory_space<vmem>> -> memref<32x128xf32, #tpu.memory_space<vmem>>
      %dma_start3A_647 = arith.constant 0 : i32
      %dma_start3A_648 = tpu.memref_slice %arg5[%dma_start3A_647, %multiple_of3A_628] : memref<32x1000001xf32, #tpu.memory_space<hbm>> -> memref<32x128xf32, #tpu.memory_space<hbm>>
      tpu.enqueue_dma source(%dma_start3A_648 : memref<32x128xf32, #tpu.memory_space<hbm>>) target(%dma_start3A_646 : memref<32x128xf32, #tpu.memory_space<vmem>>) target_semaphore(%arg21 : memref<!tpu.dma_semaphore, #tpu.memory_space<semaphore_mem>>)
      %slice3A_649 = vector.extract_strided_slice %get3A_558 {offsets = [7], sizes = [1], strides = [1]} : vector<16xi32> to vector<1xi32>
      %squeeze3A_650 = vector.extract %slice3A_649[0] : i32 from vector<1xi32>
      %slice3A_651 = vector.extract_strided_slice %get3A_560 {offsets = [7], sizes = [1], strides = [1]} : vector<16xi32> to vector<1xi32>
      %squeeze3A_652 = vector.extract %slice3A_651[0] : i32 from vector<1xi32>
      %jit3A_653 = arith.constant 128 : i32
      %div3A_654 = arith.divsi %squeeze3A_650, %jit3A_653 : i32
      %sign3A_655 = arith.constant 0 : i32
      %sign3A_656 = arith.cmpi sgt, %squeeze3A_650, %sign3A_655 : i32
      %sign3A_657 = arith.extui %sign3A_656 : i1 to i32
      %sign3A_658 = arith.constant 0 : i32
      %sign3A_659 = arith.cmpi slt, %squeeze3A_650, %sign3A_658 : i32
      %sign3A_660 = arith.extui %sign3A_659 : i1 to i32
      %sign3A_661 = arith.subi %sign3A_657, %sign3A_660 : i32
      %sign3A_662 = arith.constant 0 : i32
      %sign3A_663 = arith.cmpi sgt, %jit3A_653, %sign3A_662 : i32
      %sign3A_664 = arith.extui %sign3A_663 : i1 to i32
      %sign3A_665 = arith.constant 0 : i32
      %sign3A_666 = arith.cmpi slt, %jit3A_653, %sign3A_665 : i32
      %sign3A_667 = arith.extui %sign3A_666 : i1 to i32
      %sign3A_668 = arith.subi %sign3A_664, %sign3A_667 : i32
      %ne3A_669 = arith.cmpi ne, %sign3A_661, %sign3A_668 : i32
      %rem3A_670 = arith.remsi %squeeze3A_650, %jit3A_653 : i32
      %ne3A_671 = arith.constant 0 : i32
      %ne3A_672 = arith.cmpi ne, %rem3A_670, %ne3A_671 : i32
      %and3A_673 = arith.andi %ne3A_669, %ne3A_672 : i1
      %sub3A_674 = arith.constant 1 : i32
      %sub3A_675 = arith.subi %div3A_654, %sub3A_674 : i32
      %select_n3A_676 = arith.select %and3A_673, %sub3A_675, %div3A_654 : i32
      %mul3A_677 = arith.constant 128 : i32
      %mul3A_678 = arith.muli %select_n3A_676, %mul3A_677 : i32
      %multiple_of3A_679 = tpu.assume_multiple %mul3A_678, 128 : i32
      %jit3A_680 = arith.constant 128 : i32
      %div3A_681 = arith.divsi %squeeze3A_652, %jit3A_680 : i32
      %sign3A_682 = arith.constant 0 : i32
      %sign3A_683 = arith.cmpi sgt, %squeeze3A_652, %sign3A_682 : i32
      %sign3A_684 = arith.extui %sign3A_683 : i1 to i32
      %sign3A_685 = arith.constant 0 : i32
      %sign3A_686 = arith.cmpi slt, %squeeze3A_652, %sign3A_685 : i32
      %sign3A_687 = arith.extui %sign3A_686 : i1 to i32
      %sign3A_688 = arith.subi %sign3A_684, %sign3A_687 : i32
      %sign3A_689 = arith.constant 0 : i32
      %sign3A_690 = arith.cmpi sgt, %jit3A_680, %sign3A_689 : i32
      %sign3A_691 = arith.extui %sign3A_690 : i1 to i32
      %sign3A_692 = arith.constant 0 : i32
      %sign3A_693 = arith.cmpi slt, %jit3A_680, %sign3A_692 : i32
      %sign3A_694 = arith.extui %sign3A_693 : i1 to i32
      %sign3A_695 = arith.subi %sign3A_691, %sign3A_694 : i32
      %ne3A_696 = arith.cmpi ne, %sign3A_688, %sign3A_695 : i32
      %rem3A_697 = arith.remsi %squeeze3A_652, %jit3A_680 : i32
      %ne3A_698 = arith.constant 0 : i32
      %ne3A_699 = arith.cmpi ne, %rem3A_697, %ne3A_698 : i32
      %and3A_700 = arith.andi %ne3A_696, %ne3A_699 : i1
      %sub3A_701 = arith.constant 1 : i32
      %sub3A_702 = arith.subi %div3A_681, %sub3A_701 : i32
      %select_n3A_703 = arith.select %and3A_700, %sub3A_702, %div3A_681 : i32
      %mul3A_704 = arith.constant 128 : i32
      %mul3A_705 = arith.muli %select_n3A_703, %mul3A_704 : i32
      %multiple_of3A_706 = tpu.assume_multiple %mul3A_705, 128 : i32
      %dma_start3A_707 = arith.constant 224 : i32
      %dma_start3A_708 = arith.constant 0 : i32
      %dma_start3A_709 = tpu.memref_slice %arg10[%dma_start3A_707, %dma_start3A_708] : memref<256x128xf32, #tpu.memory_space<vmem>> -> memref<32x128xf32, #tpu.memory_space<vmem>>
      %dma_start3A_710 = arith.constant 0 : i32
      %dma_start3A_711 = tpu.memref_slice %arg4[%dma_start3A_710, %multiple_of3A_679] : memref<32x1000000xf32, #tpu.memory_space<hbm>> -> memref<32x128xf32, #tpu.memory_space<hbm>>
      %dma_start3A_712 = arith.constant 224 : i32
      %dma_start3A_713 = arith.constant 0 : i32
      %dma_start3A_714 = tpu.memref_slice %arg10[%dma_start3A_712, %dma_start3A_713] : memref<256x128xf32, #tpu.memory_space<vmem>> -> memref<32x128xf32, #tpu.memory_space<vmem>>
      %dma_start3A_715 = arith.constant 0 : i32
      %dma_start3A_716 = tpu.memref_slice %arg4[%dma_start3A_715, %multiple_of3A_679] : memref<32x1000000xf32, #tpu.memory_space<hbm>> -> memref<32x128xf32, #tpu.memory_space<hbm>>
      tpu.enqueue_dma source(%dma_start3A_716 : memref<32x128xf32, #tpu.memory_space<hbm>>) target(%dma_start3A_714 : memref<32x128xf32, #tpu.memory_space<vmem>>) target_semaphore(%arg17 : memref<!tpu.dma_semaphore, #tpu.memory_space<semaphore_mem>>)
      %dma_start3A_717 = arith.constant 224 : i32
      %dma_start3A_718 = arith.constant 0 : i32
      %dma_start3A_719 = tpu.memref_slice %arg11[%dma_start3A_717, %dma_start3A_718] : memref<256x128xf32, #tpu.memory_space<vmem>> -> memref<32x128xf32, #tpu.memory_space<vmem>>
      %dma_start3A_720 = arith.constant 0 : i32
      %dma_start3A_721 = tpu.memref_slice %arg5[%dma_start3A_720, %multiple_of3A_706] : memref<32x1000001xf32, #tpu.memory_space<hbm>> -> memref<32x128xf32, #tpu.memory_space<hbm>>
      %dma_start3A_722 = arith.constant 224 : i32
      %dma_start3A_723 = arith.constant 0 : i32
      %dma_start3A_724 = tpu.memref_slice %arg11[%dma_start3A_722, %dma_start3A_723] : memref<256x128xf32, #tpu.memory_space<vmem>> -> memref<32x128xf32, #tpu.memory_space<vmem>>
      %dma_start3A_725 = arith.constant 0 : i32
      %dma_start3A_726 = tpu.memref_slice %arg5[%dma_start3A_725, %multiple_of3A_706] : memref<32x1000001xf32, #tpu.memory_space<hbm>> -> memref<32x128xf32, #tpu.memory_space<hbm>>
      tpu.enqueue_dma source(%dma_start3A_726 : memref<32x128xf32, #tpu.memory_space<hbm>>) target(%dma_start3A_724 : memref<32x128xf32, #tpu.memory_space<vmem>>) target_semaphore(%arg21 : memref<!tpu.dma_semaphore, #tpu.memory_space<semaphore_mem>>)
      %dma_wait3A_727 = arith.constant 0 : i32
      %dma_wait3A_728 = arith.constant 0 : i32
      %dma_wait3A_729 = tpu.memref_slice %arg10[%dma_wait3A_727, %dma_wait3A_728] : memref<256x128xf32, #tpu.memory_space<vmem>> -> memref<64x128xf32, #tpu.memory_space<vmem>>
      %dma_wait3A_730 = arith.constant 0 : i32
      %dma_wait3A_731 = arith.constant 0 : i32
      %dma_wait3A_732 = tpu.memref_slice %arg10[%dma_wait3A_730, %dma_wait3A_731] : memref<256x128xf32, #tpu.memory_space<vmem>> -> memref<64x128xf32, #tpu.memory_space<vmem>>
      tpu.wait_dma2 semaphore(%arg14 : memref<!tpu.dma_semaphore, #tpu.memory_space<semaphore_mem>>) src(%arg6 : memref<64x128xf32, #tpu.memory_space<hbm>>) dst(%dma_wait3A_732 : memref<64x128xf32, #tpu.memory_space<vmem>>)
      %dma_wait3A_733 = arith.constant 0 : i32
      %dma_wait3A_734 = arith.constant 0 : i32
      %dma_wait3A_735 = tpu.memref_slice %arg11[%dma_wait3A_733, %dma_wait3A_734] : memref<256x128xf32, #tpu.memory_space<vmem>> -> memref<64x128xf32, #tpu.memory_space<vmem>>
      %dma_wait3A_736 = arith.constant 0 : i32
      %dma_wait3A_737 = arith.constant 0 : i32
      %dma_wait3A_738 = tpu.memref_slice %arg11[%dma_wait3A_736, %dma_wait3A_737] : memref<256x128xf32, #tpu.memory_space<vmem>> -> memref<64x128xf32, #tpu.memory_space<vmem>>
      tpu.wait_dma2 semaphore(%arg18 : memref<!tpu.dma_semaphore, #tpu.memory_space<semaphore_mem>>) src(%arg6 : memref<64x128xf32, #tpu.memory_space<hbm>>) dst(%dma_wait3A_738 : memref<64x128xf32, #tpu.memory_space<vmem>>)
      %add3A_739 = arith.constant 0 : i32
      %add3A_740 = arith.addi %mul3A_556, %add3A_739 : i32
      %add3A_741 = arith.constant 0 : i32
      %add3A_742 = arith.addi %add3A_740, %add3A_741 : i32
      %slice3A_743 = vector.extract_strided_slice %get3A_558 {offsets = [0], sizes = [1], strides = [1]} : vector<16xi32> to vector<1xi32>
      %squeeze3A_744 = vector.extract %slice3A_743[0] : i32 from vector<1xi32>
      %jit3A_745 = arith.constant 128 : i32
      %eq3A = arith.constant 0 : i32
      %eq3A_746 = arith.cmpi eq, %jit3A_745, %eq3A : i32
      %jit3A_747 = arith.constant 1 : i32
      %select_n3A_748 = arith.select %eq3A_746, %jit3A_747, %jit3A_745 : i32
      %rem3A_749 = arith.remsi %squeeze3A_744, %select_n3A_748 : i32
      %ne3A_750 = arith.constant 0 : i32
      %ne3A_751 = arith.cmpi ne, %rem3A_749, %ne3A_750 : i32
      %lt3A = arith.constant 0 : i32
      %lt3A_752 = arith.cmpi slt, %rem3A_749, %lt3A : i32
      %lt3A_753 = arith.constant 0 : i32
      %lt3A_754 = arith.cmpi slt, %select_n3A_748, %lt3A_753 : i32
      %ne3A_755 = arith.xori %lt3A_752, %lt3A_754 : i1
      %and3A_756 = arith.andi %ne3A_755, %ne3A_751 : i1
      %add3A_757 = arith.addi %rem3A_749, %select_n3A_748 : i32
      %select_n3A_758 = arith.select %and3A_756, %add3A_757, %rem3A_749 : i32
      %broadcast_in_dim3A = vector.broadcast %select_n3A_758 : i32 to vector<16xi32>
      %slice3A_759 = vector.extract_strided_slice %get3A_560 {offsets = [0], sizes = [1], strides = [1]} : vector<16xi32> to vector<1xi32>
      %squeeze3A_760 = vector.extract %slice3A_759[0] : i32 from vector<1xi32>
      %jit3A_761 = arith.constant 128 : i32
      %eq3A_762 = arith.constant 0 : i32
      %eq3A_763 = arith.cmpi eq, %jit3A_761, %eq3A_762 : i32
      %jit3A_764 = arith.constant 1 : i32
      %select_n3A_765 = arith.select %eq3A_763, %jit3A_764, %jit3A_761 : i32
      %rem3A_766 = arith.remsi %squeeze3A_760, %select_n3A_765 : i32
      %ne3A_767 = arith.constant 0 : i32
      %ne3A_768 = arith.cmpi ne, %rem3A_766, %ne3A_767 : i32
      %lt3A_769 = arith.constant 0 : i32
      %lt3A_770 = arith.cmpi slt, %rem3A_766, %lt3A_769 : i32
      %lt3A_771 = arith.constant 0 : i32
      %lt3A_772 = arith.cmpi slt, %select_n3A_765, %lt3A_771 : i32
      %ne3A_773 = arith.xori %lt3A_770, %lt3A_772 : i1
      %and3A_774 = arith.andi %ne3A_773, %ne3A_768 : i1
      %add3A_775 = arith.addi %rem3A_766, %select_n3A_765 : i32
      %select_n3A_776 = arith.select %and3A_774, %add3A_775, %rem3A_766 : i32
      %broadcast_in_dim3A_777 = vector.broadcast %select_n3A_776 : i32 to vector<16xi32>
      %broadcast_in_dim3A_778 = vector.broadcast %add3A_742 : i32 to vector<16xi32>
      %gather3A = tpu.vector_load_idx %arg10[%add3A_8, %broadcast_in_dim3A] : memref<256x128xf32, #tpu.memory_space<vmem>>[vector<16xi32>, vector<16xi32>], vector<16xf32>,
      %gather3A_779 = tpu.vector_load_idx %arg10[%add3A_32, %broadcast_in_dim3A] : memref<256x128xf32, #tpu.memory_space<vmem>>[vector<16xi32>, vector<16xi32>], vector<16xf32>,
      %gather3A_780 = tpu.vector_load_idx %arg11[%add3A_8, %broadcast_in_dim3A_777] : memref<256x128xf32, #tpu.memory_space<vmem>>[vector<16xi32>, vector<16xi32>], vector<16xf32>,
      %gather3A_781 = tpu.vector_load_idx %arg11[%add3A_32, %broadcast_in_dim3A_777] : memref<256x128xf32, #tpu.memory_space<vmem>>[vector<16xi32>, vector<16xi32>], vector<16xf32>,
      tpu.vector_store_idx %arg12[%iota3A, %broadcast_in_dim3A_778], %gather3A : memref<32x512xf32, #tpu.memory_space<vmem>>[vector<16xi32>, vector<16xi32>], vector<16xf32>,
      tpu.vector_store_idx %arg12[%add3A_5, %broadcast_in_dim3A_778], %gather3A_779 : memref<32x512xf32, #tpu.memory_space<vmem>>[vector<16xi32>, vector<16xi32>], vector<16xf32>,
      tpu.vector_store_idx %arg13[%iota3A, %broadcast_in_dim3A_778], %gather3A_780 : memref<32x512xf32, #tpu.memory_space<vmem>>[vector<16xi32>, vector<16xi32>], vector<16xf32>,
      tpu.vector_store_idx %arg13[%add3A_5, %broadcast_in_dim3A_778], %gather3A_781 : memref<32x512xf32, #tpu.memory_space<vmem>>[vector<16xi32>, vector<16xi32>], vector<16xf32>,
      %add3A_782 = arith.constant 0 : i32
      %add3A_783 = arith.addi %mul3A_556, %add3A_782 : i32
      %add3A_784 = arith.constant 1 : i32
      %add3A_785 = arith.addi %add3A_783, %add3A_784 : i32
      %slice3A_786 = vector.extract_strided_slice %get3A_558 {offsets = [1], sizes = [1], strides = [1]} : vector<16xi32> to vector<1xi32>
      %squeeze3A_787 = vector.extract %slice3A_786[0] : i32 from vector<1xi32>
      %jit3A_788 = arith.constant 128 : i32
      %eq3A_789 = arith.constant 0 : i32
      %eq3A_790 = arith.cmpi eq, %jit3A_788, %eq3A_789 : i32
      %jit3A_791 = arith.constant 1 : i32
      %select_n3A_792 = arith.select %eq3A_790, %jit3A_791, %jit3A_788 : i32
      %rem3A_793 = arith.remsi %squeeze3A_787, %select_n3A_792 : i32
      %ne3A_794 = arith.constant 0 : i32
      %ne3A_795 = arith.cmpi ne, %rem3A_793, %ne3A_794 : i32
      %lt3A_796 = arith.constant 0 : i32
      %lt3A_797 = arith.cmpi slt, %rem3A_793, %lt3A_796 : i32
      %lt3A_798 = arith.constant 0 : i32
      %lt3A_799 = arith.cmpi slt, %select_n3A_792, %lt3A_798 : i32
      %ne3A_800 = arith.xori %lt3A_797, %lt3A_799 : i1
      %and3A_801 = arith.andi %ne3A_800, %ne3A_795 : i1
      %add3A_802 = arith.addi %rem3A_793, %select_n3A_792 : i32
      %select_n3A_803 = arith.select %and3A_801, %add3A_802, %rem3A_793 : i32
      %broadcast_in_dim3A_804 = vector.broadcast %select_n3A_803 : i32 to vector<16xi32>
      %slice3A_805 = vector.extract_strided_slice %get3A_560 {offsets = [1], sizes = [1], strides = [1]} : vector<16xi32> to vector<1xi32>
      %squeeze3A_806 = vector.extract %slice3A_805[0] : i32 from vector<1xi32>
      %jit3A_807 = arith.constant 128 : i32
      %eq3A_808 = arith.constant 0 : i32
      %eq3A_809 = arith.cmpi eq, %jit3A_807, %eq3A_808 : i32
      %jit3A_810 = arith.constant 1 : i32
      %select_n3A_811 = arith.select %eq3A_809, %jit3A_810, %jit3A_807 : i32
      %rem3A_812 = arith.remsi %squeeze3A_806, %select_n3A_811 : i32
      %ne3A_813 = arith.constant 0 : i32
      %ne3A_814 = arith.cmpi ne, %rem3A_812, %ne3A_813 : i32
      %lt3A_815 = arith.constant 0 : i32
      %lt3A_816 = arith.cmpi slt, %rem3A_812, %lt3A_815 : i32
      %lt3A_817 = arith.constant 0 : i32
      %lt3A_818 = arith.cmpi slt, %select_n3A_811, %lt3A_817 : i32
      %ne3A_819 = arith.xori %lt3A_816, %lt3A_818 : i1
      %and3A_820 = arith.andi %ne3A_819, %ne3A_814 : i1
      %add3A_821 = arith.addi %rem3A_812, %select_n3A_811 : i32
      %select_n3A_822 = arith.select %and3A_820, %add3A_821, %rem3A_812 : i32
      %broadcast_in_dim3A_823 = vector.broadcast %select_n3A_822 : i32 to vector<16xi32>
      %broadcast_in_dim3A_824 = vector.broadcast %add3A_785 : i32 to vector<16xi32>
      %gather3A_825 = tpu.vector_load_idx %arg10[%add3A_11, %broadcast_in_dim3A_804] : memref<256x128xf32, #tpu.memory_space<vmem>>[vector<16xi32>, vector<16xi32>], vector<16xf32>,
      %gather3A_826 = tpu.vector_load_idx %arg10[%add3A_35, %broadcast_in_dim3A_804] : memref<256x128xf32, #tpu.memory_space<vmem>>[vector<16xi32>, vector<16xi32>], vector<16xf32>,
      %gather3A_827 = tpu.vector_load_idx %arg11[%add3A_11, %broadcast_in_dim3A_823] : memref<256x128xf32, #tpu.memory_space<vmem>>[vector<16xi32>, vector<16xi32>], vector<16xf32>,
      %gather3A_828 = tpu.vector_load_idx %arg11[%add3A_35, %broadcast_in_dim3A_823] : memref<256x128xf32, #tpu.memory_space<vmem>>[vector<16xi32>, vector<16xi32>], vector<16xf32>,
      tpu.vector_store_idx %arg12[%iota3A, %broadcast_in_dim3A_824], %gather3A_825 : memref<32x512xf32, #tpu.memory_space<vmem>>[vector<16xi32>, vector<16xi32>], vector<16xf32>,
      tpu.vector_store_idx %arg12[%add3A_5, %broadcast_in_dim3A_824], %gather3A_826 : memref<32x512xf32, #tpu.memory_space<vmem>>[vector<16xi32>, vector<16xi32>], vector<16xf32>,
      tpu.vector_store_idx %arg13[%iota3A, %broadcast_in_dim3A_824], %gather3A_827 : memref<32x512xf32, #tpu.memory_space<vmem>>[vector<16xi32>, vector<16xi32>], vector<16xf32>,
      tpu.vector_store_idx %arg13[%add3A_5, %broadcast_in_dim3A_824], %gather3A_828 : memref<32x512xf32, #tpu.memory_space<vmem>>[vector<16xi32>, vector<16xi32>], vector<16xf32>,
      %slice3A_829 = vector.extract_strided_slice %get3A_558 {offsets = [8], sizes = [1], strides = [1]} : vector<16xi32> to vector<1xi32>
      %squeeze3A_830 = vector.extract %slice3A_829[0] : i32 from vector<1xi32>
      %slice3A_831 = vector.extract_strided_slice %get3A_560 {offsets = [8], sizes = [1], strides = [1]} : vector<16xi32> to vector<1xi32>
      %squeeze3A_832 = vector.extract %slice3A_831[0] : i32 from vector<1xi32>
      %jit3A_833 = arith.constant 128 : i32
      %div3A_834 = arith.divsi %squeeze3A_830, %jit3A_833 : i32
      %sign3A_835 = arith.constant 0 : i32
      %sign3A_836 = arith.cmpi sgt, %squeeze3A_830, %sign3A_835 : i32
      %sign3A_837 = arith.extui %sign3A_836 : i1 to i32
      %sign3A_838 = arith.constant 0 : i32
      %sign3A_839 = arith.cmpi slt, %squeeze3A_830, %sign3A_838 : i32
      %sign3A_840 = arith.extui %sign3A_839 : i1 to i32
      %sign3A_841 = arith.subi %sign3A_837, %sign3A_840 : i32
      %sign3A_842 = arith.constant 0 : i32
      %sign3A_843 = arith.cmpi sgt, %jit3A_833, %sign3A_842 : i32
      %sign3A_844 = arith.extui %sign3A_843 : i1 to i32
      %sign3A_845 = arith.constant 0 : i32
      %sign3A_846 = arith.cmpi slt, %jit3A_833, %sign3A_845 : i32
      %sign3A_847 = arith.extui %sign3A_846 : i1 to i32
      %sign3A_848 = arith.subi %sign3A_844, %sign3A_847 : i32
      %ne3A_849 = arith.cmpi ne, %sign3A_841, %sign3A_848 : i32
      %rem3A_850 = arith.remsi %squeeze3A_830, %jit3A_833 : i32
      %ne3A_851 = arith.constant 0 : i32
      %ne3A_852 = arith.cmpi ne, %rem3A_850, %ne3A_851 : i32
      %and3A_853 = arith.andi %ne3A_849, %ne3A_852 : i1
      %sub3A_854 = arith.constant 1 : i32
      %sub3A_855 = arith.subi %div3A_834, %sub3A_854 : i32
      %select_n3A_856 = arith.select %and3A_853, %sub3A_855, %div3A_834 : i32
      %mul3A_857 = arith.constant 128 : i32
      %mul3A_858 = arith.muli %select_n3A_856, %mul3A_857 : i32
      %multiple_of3A_859 = tpu.assume_multiple %mul3A_858, 128 : i32
      %jit3A_860 = arith.constant 128 : i32
      %div3A_861 = arith.divsi %squeeze3A_832, %jit3A_860 : i32
      %sign3A_862 = arith.constant 0 : i32
      %sign3A_863 = arith.cmpi sgt, %squeeze3A_832, %sign3A_862 : i32
      %sign3A_864 = arith.extui %sign3A_863 : i1 to i32
      %sign3A_865 = arith.constant 0 : i32
      %sign3A_866 = arith.cmpi slt, %squeeze3A_832, %sign3A_865 : i32
      %sign3A_867 = arith.extui %sign3A_866 : i1 to i32
      %sign3A_868 = arith.subi %sign3A_864, %sign3A_867 : i32
      %sign3A_869 = arith.constant 0 : i32
      %sign3A_870 = arith.cmpi sgt, %jit3A_860, %sign3A_869 : i32
      %sign3A_871 = arith.extui %sign3A_870 : i1 to i32
      %sign3A_872 = arith.constant 0 : i32
      %sign3A_873 = arith.cmpi slt, %jit3A_860, %sign3A_872 : i32
      %sign3A_874 = arith.extui %sign3A_873 : i1 to i32
      %sign3A_875 = arith.subi %sign3A_871, %sign3A_874 : i32
      %ne3A_876 = arith.cmpi ne, %sign3A_868, %sign3A_875 : i32
      %rem3A_877 = arith.remsi %squeeze3A_832, %jit3A_860 : i32
      %ne3A_878 = arith.constant 0 : i32
      %ne3A_879 = arith.cmpi ne, %rem3A_877, %ne3A_878 : i32
      %and3A_880 = arith.andi %ne3A_876, %ne3A_879 : i1
      %sub3A_881 = arith.constant 1 : i32
      %sub3A_882 = arith.subi %div3A_861, %sub3A_881 : i32
      %select_n3A_883 = arith.select %and3A_880, %sub3A_882, %div3A_861 : i32
      %mul3A_884 = arith.constant 128 : i32
      %mul3A_885 = arith.muli %select_n3A_883, %mul3A_884 : i32
      %multiple_of3A_886 = tpu.assume_multiple %mul3A_885, 128 : i32
      %dma_start3A_887 = arith.constant 0 : i32
      %dma_start3A_888 = arith.constant 0 : i32
      %dma_start3A_889 = tpu.memref_slice %arg10[%dma_start3A_887, %dma_start3A_888] : memref<256x128xf32, #tpu.memory_space<vmem>> -> memref<32x128xf32, #tpu.memory_space<vmem>>
      %dma_start3A_890 = arith.constant 0 : i32
      %dma_start3A_891 = tpu.memref_slice %arg4[%dma_start3A_890, %multiple_of3A_859] : memref<32x1000000xf32, #tpu.memory_space<hbm>> -> memref<32x128xf32, #tpu.memory_space<hbm>>
      %dma_start3A_892 = arith.constant 0 : i32
      %dma_start3A_893 = arith.constant 0 : i32
      %dma_start3A_894 = tpu.memref_slice %arg10[%dma_start3A_892, %dma_start3A_893] : memref<256x128xf32, #tpu.memory_space<vmem>> -> memref<32x128xf32, #tpu.memory_space<vmem>>
      %dma_start3A_895 = arith.constant 0 : i32
      %dma_start3A_896 = tpu.memref_slice %arg4[%dma_start3A_895, %multiple_of3A_859] : memref<32x1000000xf32, #tpu.memory_space<hbm>> -> memref<32x128xf32, #tpu.memory_space<hbm>>
      tpu.enqueue_dma source(%dma_start3A_896 : memref<32x128xf32, #tpu.memory_space<hbm>>) target(%dma_start3A_894 : memref<32x128xf32, #tpu.memory_space<vmem>>) target_semaphore(%arg14 : memref<!tpu.dma_semaphore, #tpu.memory_space<semaphore_mem>>)
      %dma_start3A_897 = arith.constant 0 : i32
      %dma_start3A_898 = arith.constant 0 : i32
      %dma_start3A_899 = tpu.memref_slice %arg11[%dma_start3A_897, %dma_start3A_898] : memref<256x128xf32, #tpu.memory_space<vmem>> -> memref<32x128xf32, #tpu.memory_space<vmem>>
      %dma_start3A_900 = arith.constant 0 : i32
      %dma_start3A_901 = tpu.memref_slice %arg5[%dma_start3A_900, %multiple_of3A_886] : memref<32x1000001xf32, #tpu.memory_space<hbm>> -> memref<32x128xf32, #tpu.memory_space<hbm>>
      %dma_start3A_902 = arith.constant 0 : i32
      %dma_start3A_903 = arith.constant 0 : i32
      %dma_start3A_904 = tpu.memref_slice %arg11[%dma_start3A_902, %dma_start3A_903] : memref<256x128xf32, #tpu.memory_space<vmem>> -> memref<32x128xf32, #tpu.memory_space<vmem>>
      %dma_start3A_905 = arith.constant 0 : i32
      %dma_start3A_906 = tpu.memref_slice %arg5[%dma_start3A_905, %multiple_of3A_886] : memref<32x1000001xf32, #tpu.memory_space<hbm>> -> memref<32x128xf32, #tpu.memory_space<hbm>>
      tpu.enqueue_dma source(%dma_start3A_906 : memref<32x128xf32, #tpu.memory_space<hbm>>) target(%dma_start3A_904 : memref<32x128xf32, #tpu.memory_space<vmem>>) target_semaphore(%arg18 : memref<!tpu.dma_semaphore, #tpu.memory_space<semaphore_mem>>)
      %slice3A_907 = vector.extract_strided_slice %get3A_558 {offsets = [9], sizes = [1], strides = [1]} : vector<16xi32> to vector<1xi32>
      %squeeze3A_908 = vector.extract %slice3A_907[0] : i32 from vector<1xi32>
      %slice3A_909 = vector.extract_strided_slice %get3A_560 {offsets = [9], sizes = [1], strides = [1]} : vector<16xi32> to vector<1xi32>
      %squeeze3A_910 = vector.extract %slice3A_909[0] : i32 from vector<1xi32>
      %jit3A_911 = arith.constant 128 : i32
      %div3A_912 = arith.divsi %squeeze3A_908, %jit3A_911 : i32
      %sign3A_913 = arith.constant 0 : i32
      %sign3A_914 = arith.cmpi sgt, %squeeze3A_908, %sign3A_913 : i32
      %sign3A_915 = arith.extui %sign3A_914 : i1 to i32
      %sign3A_916 = arith.constant 0 : i32
      %sign3A_917 = arith.cmpi slt, %squeeze3A_908, %sign3A_916 : i32
      %sign3A_918 = arith.extui %sign3A_917 : i1 to i32
      %sign3A_919 = arith.subi %sign3A_915, %sign3A_918 : i32
      %sign3A_920 = arith.constant 0 : i32
      %sign3A_921 = arith.cmpi sgt, %jit3A_911, %sign3A_920 : i32
      %sign3A_922 = arith.extui %sign3A_921 : i1 to i32
      %sign3A_923 = arith.constant 0 : i32
      %sign3A_924 = arith.cmpi slt, %jit3A_911, %sign3A_923 : i32
      %sign3A_925 = arith.extui %sign3A_924 : i1 to i32
      %sign3A_926 = arith.subi %sign3A_922, %sign3A_925 : i32
      %ne3A_927 = arith.cmpi ne, %sign3A_919, %sign3A_926 : i32
      %rem3A_928 = arith.remsi %squeeze3A_908, %jit3A_911 : i32
      %ne3A_929 = arith.constant 0 : i32
      %ne3A_930 = arith.cmpi ne, %rem3A_928, %ne3A_929 : i32
      %and3A_931 = arith.andi %ne3A_927, %ne3A_930 : i1
      %sub3A_932 = arith.constant 1 : i32
      %sub3A_933 = arith.subi %div3A_912, %sub3A_932 : i32
      %select_n3A_934 = arith.select %and3A_931, %sub3A_933, %div3A_912 : i32
      %mul3A_935 = arith.constant 128 : i32
      %mul3A_936 = arith.muli %select_n3A_934, %mul3A_935 : i32
      %multiple_of3A_937 = tpu.assume_multiple %mul3A_936, 128 : i32
      %jit3A_938 = arith.constant 128 : i32
      %div3A_939 = arith.divsi %squeeze3A_910, %jit3A_938 : i32
      %sign3A_940 = arith.constant 0 : i32
      %sign3A_941 = arith.cmpi sgt, %squeeze3A_910, %sign3A_940 : i32
      %sign3A_942 = arith.extui %sign3A_941 : i1 to i32
      %sign3A_943 = arith.constant 0 : i32
      %sign3A_944 = arith.cmpi slt, %squeeze3A_910, %sign3A_943 : i32
      %sign3A_945 = arith.extui %sign3A_944 : i1 to i32
      %sign3A_946 = arith.subi %sign3A_942, %sign3A_945 : i32
      %sign3A_947 = arith.constant 0 : i32
      %sign3A_948 = arith.cmpi sgt, %jit3A_938, %sign3A_947 : i32
      %sign3A_949 = arith.extui %sign3A_948 : i1 to i32
      %sign3A_950 = arith.constant 0 : i32
      %sign3A_951 = arith.cmpi slt, %jit3A_938, %sign3A_950 : i32
      %sign3A_952 = arith.extui %sign3A_951 : i1 to i32
      %sign3A_953 = arith.subi %sign3A_949, %sign3A_952 : i32
      %ne3A_954 = arith.cmpi ne, %sign3A_946, %sign3A_953 : i32
      %rem3A_955 = arith.remsi %squeeze3A_910, %jit3A_938 : i32
      %ne3A_956 = arith.constant 0 : i32
      %ne3A_957 = arith.cmpi ne, %rem3A_955, %ne3A_956 : i32
      %and3A_958 = arith.andi %ne3A_954, %ne3A_957 : i1
      %sub3A_959 = arith.constant 1 : i32
      %sub3A_960 = arith.subi %div3A_939, %sub3A_959 : i32
      %select_n3A_961 = arith.select %and3A_958, %sub3A_960, %div3A_939 : i32
      %mul3A_962 = arith.constant 128 : i32
      %mul3A_963 = arith.muli %select_n3A_961, %mul3A_962 : i32
      %multiple_of3A_964 = tpu.assume_multiple %mul3A_963, 128 : i32
      %dma_start3A_965 = arith.constant 32 : i32
      %dma_start3A_966 = arith.constant 0 : i32
      %dma_start3A_967 = tpu.memref_slice %arg10[%dma_start3A_965, %dma_start3A_966] : memref<256x128xf32, #tpu.memory_space<vmem>> -> memref<32x128xf32, #tpu.memory_space<vmem>>
      %dma_start3A_968 = arith.constant 0 : i32
      %dma_start3A_969 = tpu.memref_slice %arg4[%dma_start3A_968, %multiple_of3A_937] : memref<32x1000000xf32, #tpu.memory_space<hbm>> -> memref<32x128xf32, #tpu.memory_space<hbm>>
      %dma_start3A_970 = arith.constant 32 : i32
      %dma_start3A_971 = arith.constant 0 : i32
      %dma_start3A_972 = tpu.memref_slice %arg10[%dma_start3A_970, %dma_start3A_971] : memref<256x128xf32, #tpu.memory_space<vmem>> -> memref<32x128xf32, #tpu.memory_space<vmem>>
      %dma_start3A_973 = arith.constant 0 : i32
      %dma_start3A_974 = tpu.memref_slice %arg4[%dma_start3A_973, %multiple_of3A_937] : memref<32x1000000xf32, #tpu.memory_space<hbm>> -> memref<32x128xf32, #tpu.memory_space<hbm>>
      tpu.enqueue_dma source(%dma_start3A_974 : memref<32x128xf32, #tpu.memory_space<hbm>>) target(%dma_start3A_972 : memref<32x128xf32, #tpu.memory_space<vmem>>) target_semaphore(%arg14 : memref<!tpu.dma_semaphore, #tpu.memory_space<semaphore_mem>>)
      %dma_start3A_975 = arith.constant 32 : i32
      %dma_start3A_976 = arith.constant 0 : i32
      %dma_start3A_977 = tpu.memref_slice %arg11[%dma_start3A_975, %dma_start3A_976] : memref<256x128xf32, #tpu.memory_space<vmem>> -> memref<32x128xf32, #tpu.memory_space<vmem>>
      %dma_start3A_978 = arith.constant 0 : i32
      %dma_start3A_979 = tpu.memref_slice %arg5[%dma_start3A_978, %multiple_of3A_964] : memref<32x1000001xf32, #tpu.memory_space<hbm>> -> memref<32x128xf32, #tpu.memory_space<hbm>>
      %dma_start3A_980 = arith.constant 32 : i32
      %dma_start3A_981 = arith.constant 0 : i32
      %dma_start3A_982 = tpu.memref_slice %arg11[%dma_start3A_980, %dma_start3A_981] : memref<256x128xf32, #tpu.memory_space<vmem>> -> memref<32x128xf32, #tpu.memory_space<vmem>>
      %dma_start3A_983 = arith.constant 0 : i32
      %dma_start3A_984 = tpu.memref_slice %arg5[%dma_start3A_983, %multiple_of3A_964] : memref<32x1000001xf32, #tpu.memory_space<hbm>> -> memref<32x128xf32, #tpu.memory_space<hbm>>
      tpu.enqueue_dma source(%dma_start3A_984 : memref<32x128xf32, #tpu.memory_space<hbm>>) target(%dma_start3A_982 : memref<32x128xf32, #tpu.memory_space<vmem>>) target_semaphore(%arg18 : memref<!tpu.dma_semaphore, #tpu.memory_space<semaphore_mem>>)
      %dma_wait3A_985 = arith.constant 64 : i32
      %dma_wait3A_986 = arith.constant 0 : i32
      %dma_wait3A_987 = tpu.memref_slice %arg10[%dma_wait3A_985, %dma_wait3A_986] : memref<256x128xf32, #tpu.memory_space<vmem>> -> memref<64x128xf32, #tpu.memory_space<vmem>>
      %dma_wait3A_988 = arith.constant 64 : i32
      %dma_wait3A_989 = arith.constant 0 : i32
      %dma_wait3A_990 = tpu.memref_slice %arg10[%dma_wait3A_988, %dma_wait3A_989] : memref<256x128xf32, #tpu.memory_space<vmem>> -> memref<64x128xf32, #tpu.memory_space<vmem>>
      tpu.wait_dma2 semaphore(%arg15 : memref<!tpu.dma_semaphore, #tpu.memory_space<semaphore_mem>>) src(%arg6 : memref<64x128xf32, #tpu.memory_space<hbm>>) dst(%dma_wait3A_990 : memref<64x128xf32, #tpu.memory_space<vmem>>)
      %dma_wait3A_991 = arith.constant 64 : i32
      %dma_wait3A_992 = arith.constant 0 : i32
      %dma_wait3A_993 = tpu.memref_slice %arg11[%dma_wait3A_991, %dma_wait3A_992] : memref<256x128xf32, #tpu.memory_space<vmem>> -> memref<64x128xf32, #tpu.memory_space<vmem>>
      %dma_wait3A_994 = arith.constant 64 : i32
      %dma_wait3A_995 = arith.constant 0 : i32
      %dma_wait3A_996 = tpu.memref_slice %arg11[%dma_wait3A_994, %dma_wait3A_995] : memref<256x128xf32, #tpu.memory_space<vmem>> -> memref<64x128xf32, #tpu.memory_space<vmem>>
      tpu.wait_dma2 semaphore(%arg19 : memref<!tpu.dma_semaphore, #tpu.memory_space<semaphore_mem>>) src(%arg6 : memref<64x128xf32, #tpu.memory_space<hbm>>) dst(%dma_wait3A_996 : memref<64x128xf32, #tpu.memory_space<vmem>>)
      %add3A_997 = arith.constant 2 : i32
      %add3A_998 = arith.addi %mul3A_556, %add3A_997 : i32
      %add3A_999 = arith.constant 0 : i32
      %add3A_1000 = arith.addi %add3A_998, %add3A_999 : i32
      %slice3A_1001 = vector.extract_strided_slice %get3A_558 {offsets = [2], sizes = [1], strides = [1]} : vector<16xi32> to vector<1xi32>
      %squeeze3A_1002 = vector.extract %slice3A_1001[0] : i32 from vector<1xi32>
      %jit3A_1003 = arith.constant 128 : i32
      %eq3A_1004 = arith.constant 0 : i32
      %eq3A_1005 = arith.cmpi eq, %jit3A_1003, %eq3A_1004 : i32
      %jit3A_1006 = arith.constant 1 : i32
      %select_n3A_1007 = arith.select %eq3A_1005, %jit3A_1006, %jit3A_1003 : i32
      %rem3A_1008 = arith.remsi %squeeze3A_1002, %select_n3A_1007 : i32
      %ne3A_1009 = arith.constant 0 : i32
      %ne3A_1010 = arith.cmpi ne, %rem3A_1008, %ne3A_1009 : i32
      %lt3A_1011 = arith.constant 0 : i32
      %lt3A_1012 = arith.cmpi slt, %rem3A_1008, %lt3A_1011 : i32
      %lt3A_1013 = arith.constant 0 : i32
      %lt3A_1014 = arith.cmpi slt, %select_n3A_1007, %lt3A_1013 : i32
      %ne3A_1015 = arith.xori %lt3A_1012, %lt3A_1014 : i1
      %and3A_1016 = arith.andi %ne3A_1015, %ne3A_1010 : i1
      %add3A_1017 = arith.addi %rem3A_1008, %select_n3A_1007 : i32
      %select_n3A_1018 = arith.select %and3A_1016, %add3A_1017, %rem3A_1008 : i32
      %broadcast_in_dim3A_1019 = vector.broadcast %select_n3A_1018 : i32 to vector<16xi32>
      %slice3A_1020 = vector.extract_strided_slice %get3A_560 {offsets = [2], sizes = [1], strides = [1]} : vector<16xi32> to vector<1xi32>
      %squeeze3A_1021 = vector.extract %slice3A_1020[0] : i32 from vector<1xi32>
      %jit3A_1022 = arith.constant 128 : i32
      %eq3A_1023 = arith.constant 0 : i32
      %eq3A_1024 = arith.cmpi eq, %jit3A_1022, %eq3A_1023 : i32
      %jit3A_1025 = arith.constant 1 : i32
      %select_n3A_1026 = arith.select %eq3A_1024, %jit3A_1025, %jit3A_1022 : i32
      %rem3A_1027 = arith.remsi %squeeze3A_1021, %select_n3A_1026 : i32
      %ne3A_1028 = arith.constant 0 : i32
      %ne3A_1029 = arith.cmpi ne, %rem3A_1027, %ne3A_1028 : i32
      %lt3A_1030 = arith.constant 0 : i32
      %lt3A_1031 = arith.cmpi slt, %rem3A_1027, %lt3A_1030 : i32
      %lt3A_1032 = arith.constant 0 : i32
      %lt3A_1033 = arith.cmpi slt, %select_n3A_1026, %lt3A_1032 : i32
      %ne3A_1034 = arith.xori %lt3A_1031, %lt3A_1033 : i1
      %and3A_1035 = arith.andi %ne3A_1034, %ne3A_1029 : i1
      %add3A_1036 = arith.addi %rem3A_1027, %select_n3A_1026 : i32
      %select_n3A_1037 = arith.select %and3A_1035, %add3A_1036, %rem3A_1027 : i32
      %broadcast_in_dim3A_1038 = vector.broadcast %select_n3A_1037 : i32 to vector<16xi32>
      %broadcast_in_dim3A_1039 = vector.broadcast %add3A_1000 : i32 to vector<16xi32>
      %gather3A_1040 = tpu.vector_load_idx %arg10[%add3A_14, %broadcast_in_dim3A_1019] : memref<256x128xf32, #tpu.memory_space<vmem>>[vector<16xi32>, vector<16xi32>], vector<16xf32>,
      %gather3A_1041 = tpu.vector_load_idx %arg10[%add3A_38, %broadcast_in_dim3A_1019] : memref<256x128xf32, #tpu.memory_space<vmem>>[vector<16xi32>, vector<16xi32>], vector<16xf32>,
      %gather3A_1042 = tpu.vector_load_idx %arg11[%add3A_14, %broadcast_in_dim3A_1038] : memref<256x128xf32, #tpu.memory_space<vmem>>[vector<16xi32>, vector<16xi32>], vector<16xf32>,
      %gather3A_1043 = tpu.vector_load_idx %arg11[%add3A_38, %broadcast_in_dim3A_1038] : memref<256x128xf32, #tpu.memory_space<vmem>>[vector<16xi32>, vector<16xi32>], vector<16xf32>,
      tpu.vector_store_idx %arg12[%iota3A, %broadcast_in_dim3A_1039], %gather3A_1040 : memref<32x512xf32, #tpu.memory_space<vmem>>[vector<16xi32>, vector<16xi32>], vector<16xf32>,
      tpu.vector_store_idx %arg12[%add3A_5, %broadcast_in_dim3A_1039], %gather3A_1041 : memref<32x512xf32, #tpu.memory_space<vmem>>[vector<16xi32>, vector<16xi32>], vector<16xf32>,
      tpu.vector_store_idx %arg13[%iota3A, %broadcast_in_dim3A_1039], %gather3A_1042 : memref<32x512xf32, #tpu.memory_space<vmem>>[vector<16xi32>, vector<16xi32>], vector<16xf32>,
      tpu.vector_store_idx %arg13[%add3A_5, %broadcast_in_dim3A_1039], %gather3A_1043 : memref<32x512xf32, #tpu.memory_space<vmem>>[vector<16xi32>, vector<16xi32>], vector<16xf32>,
      %add3A_1044 = arith.constant 2 : i32
      %add3A_1045 = arith.addi %mul3A_556, %add3A_1044 : i32
      %add3A_1046 = arith.constant 1 : i32
      %add3A_1047 = arith.addi %add3A_1045, %add3A_1046 : i32
      %slice3A_1048 = vector.extract_strided_slice %get3A_558 {offsets = [3], sizes = [1], strides = [1]} : vector<16xi32> to vector<1xi32>
      %squeeze3A_1049 = vector.extract %slice3A_1048[0] : i32 from vector<1xi32>
      %jit3A_1050 = arith.constant 128 : i32
      %eq3A_1051 = arith.constant 0 : i32
      %eq3A_1052 = arith.cmpi eq, %jit3A_1050, %eq3A_1051 : i32
      %jit3A_1053 = arith.constant 1 : i32
      %select_n3A_1054 = arith.select %eq3A_1052, %jit3A_1053, %jit3A_1050 : i32
      %rem3A_1055 = arith.remsi %squeeze3A_1049, %select_n3A_1054 : i32
      %ne3A_1056 = arith.constant 0 : i32
      %ne3A_1057 = arith.cmpi ne, %rem3A_1055, %ne3A_1056 : i32
      %lt3A_1058 = arith.constant 0 : i32
      %lt3A_1059 = arith.cmpi slt, %rem3A_1055, %lt3A_1058 : i32
      %lt3A_1060 = arith.constant 0 : i32
      %lt3A_1061 = arith.cmpi slt, %select_n3A_1054, %lt3A_1060 : i32
      %ne3A_1062 = arith.xori %lt3A_1059, %lt3A_1061 : i1
      %and3A_1063 = arith.andi %ne3A_1062, %ne3A_1057 : i1
      %add3A_1064 = arith.addi %rem3A_1055, %select_n3A_1054 : i32
      %select_n3A_1065 = arith.select %and3A_1063, %add3A_1064, %rem3A_1055 : i32
      %broadcast_in_dim3A_1066 = vector.broadcast %select_n3A_1065 : i32 to vector<16xi32>
      %slice3A_1067 = vector.extract_strided_slice %get3A_560 {offsets = [3], sizes = [1], strides = [1]} : vector<16xi32> to vector<1xi32>
      %squeeze3A_1068 = vector.extract %slice3A_1067[0] : i32 from vector<1xi32>
      %jit3A_1069 = arith.constant 128 : i32
      %eq3A_1070 = arith.constant 0 : i32
      %eq3A_1071 = arith.cmpi eq, %jit3A_1069, %eq3A_1070 : i32
      %jit3A_1072 = arith.constant 1 : i32
      %select_n3A_1073 = arith.select %eq3A_1071, %jit3A_1072, %jit3A_1069 : i32
      %rem3A_1074 = arith.remsi %squeeze3A_1068, %select_n3A_1073 : i32
      %ne3A_1075 = arith.constant 0 : i32
      %ne3A_1076 = arith.cmpi ne, %rem3A_1074, %ne3A_1075 : i32
      %lt3A_1077 = arith.constant 0 : i32
      %lt3A_1078 = arith.cmpi slt, %rem3A_1074, %lt3A_1077 : i32
      %lt3A_1079 = arith.constant 0 : i32
      %lt3A_1080 = arith.cmpi slt, %select_n3A_1073, %lt3A_1079 : i32
      %ne3A_1081 = arith.xori %lt3A_1078, %lt3A_1080 : i1
      %and3A_1082 = arith.andi %ne3A_1081, %ne3A_1076 : i1
      %add3A_1083 = arith.addi %rem3A_1074, %select_n3A_1073 : i32
      %select_n3A_1084 = arith.select %and3A_1082, %add3A_1083, %rem3A_1074 : i32
      %broadcast_in_dim3A_1085 = vector.broadcast %select_n3A_1084 : i32 to vector<16xi32>
      %broadcast_in_dim3A_1086 = vector.broadcast %add3A_1047 : i32 to vector<16xi32>
      %gather3A_1087 = tpu.vector_load_idx %arg10[%add3A_17, %broadcast_in_dim3A_1066] : memref<256x128xf32, #tpu.memory_space<vmem>>[vector<16xi32>, vector<16xi32>], vector<16xf32>,
      %gather3A_1088 = tpu.vector_load_idx %arg10[%add3A_41, %broadcast_in_dim3A_1066] : memref<256x128xf32, #tpu.memory_space<vmem>>[vector<16xi32>, vector<16xi32>], vector<16xf32>,
      %gather3A_1089 = tpu.vector_load_idx %arg11[%add3A_17, %broadcast_in_dim3A_1085] : memref<256x128xf32, #tpu.memory_space<vmem>>[vector<16xi32>, vector<16xi32>], vector<16xf32>,
      %gather3A_1090 = tpu.vector_load_idx %arg11[%add3A_41, %broadcast_in_dim3A_1085] : memref<256x128xf32, #tpu.memory_space<vmem>>[vector<16xi32>, vector<16xi32>], vector<16xf32>,
      tpu.vector_store_idx %arg12[%iota3A, %broadcast_in_dim3A_1086], %gather3A_1087 : memref<32x512xf32, #tpu.memory_space<vmem>>[vector<16xi32>, vector<16xi32>], vector<16xf32>,
      tpu.vector_store_idx %arg12[%add3A_5, %broadcast_in_dim3A_1086], %gather3A_1088 : memref<32x512xf32, #tpu.memory_space<vmem>>[vector<16xi32>, vector<16xi32>], vector<16xf32>,
      tpu.vector_store_idx %arg13[%iota3A, %broadcast_in_dim3A_1086], %gather3A_1089 : memref<32x512xf32, #tpu.memory_space<vmem>>[vector<16xi32>, vector<16xi32>], vector<16xf32>,
      tpu.vector_store_idx %arg13[%add3A_5, %broadcast_in_dim3A_1086], %gather3A_1090 : memref<32x512xf32, #tpu.memory_space<vmem>>[vector<16xi32>, vector<16xi32>], vector<16xf32>,
      %slice3A_1091 = vector.extract_strided_slice %get3A_558 {offsets = [10], sizes = [1], strides = [1]} : vector<16xi32> to vector<1xi32>
      %squeeze3A_1092 = vector.extract %slice3A_1091[0] : i32 from vector<1xi32>
      %slice3A_1093 = vector.extract_strided_slice %get3A_560 {offsets = [10], sizes = [1], strides = [1]} : vector<16xi32> to vector<1xi32>
      %squeeze3A_1094 = vector.extract %slice3A_1093[0] : i32 from vector<1xi32>
      %jit3A_1095 = arith.constant 128 : i32
      %div3A_1096 = arith.divsi %squeeze3A_1092, %jit3A_1095 : i32
      %sign3A_1097 = arith.constant 0 : i32
      %sign3A_1098 = arith.cmpi sgt, %squeeze3A_1092, %sign3A_1097 : i32
      %sign3A_1099 = arith.extui %sign3A_1098 : i1 to i32
      %sign3A_1100 = arith.constant 0 : i32
      %sign3A_1101 = arith.cmpi slt, %squeeze3A_1092, %sign3A_1100 : i32
      %sign3A_1102 = arith.extui %sign3A_1101 : i1 to i32
      %sign3A_1103 = arith.subi %sign3A_1099, %sign3A_1102 : i32
      %sign3A_1104 = arith.constant 0 : i32
      %sign3A_1105 = arith.cmpi sgt, %jit3A_1095, %sign3A_1104 : i32
      %sign3A_1106 = arith.extui %sign3A_1105 : i1 to i32
      %sign3A_1107 = arith.constant 0 : i32
      %sign3A_1108 = arith.cmpi slt, %jit3A_1095, %sign3A_1107 : i32
      %sign3A_1109 = arith.extui %sign3A_1108 : i1 to i32
      %sign3A_1110 = arith.subi %sign3A_1106, %sign3A_1109 : i32
      %ne3A_1111 = arith.cmpi ne, %sign3A_1103, %sign3A_1110 : i32
      %rem3A_1112 = arith.remsi %squeeze3A_1092, %jit3A_1095 : i32
      %ne3A_1113 = arith.constant 0 : i32
      %ne3A_1114 = arith.cmpi ne, %rem3A_1112, %ne3A_1113 : i32
      %and3A_1115 = arith.andi %ne3A_1111, %ne3A_1114 : i1
      %sub3A_1116 = arith.constant 1 : i32
      %sub3A_1117 = arith.subi %div3A_1096, %sub3A_1116 : i32
      %select_n3A_1118 = arith.select %and3A_1115, %sub3A_1117, %div3A_1096 : i32
      %mul3A_1119 = arith.constant 128 : i32
      %mul3A_1120 = arith.muli %select_n3A_1118, %mul3A_1119 : i32
      %multiple_of3A_1121 = tpu.assume_multiple %mul3A_1120, 128 : i32
      %jit3A_1122 = arith.constant 128 : i32
      %div3A_1123 = arith.divsi %squeeze3A_1094, %jit3A_1122 : i32
      %sign3A_1124 = arith.constant 0 : i32
      %sign3A_1125 = arith.cmpi sgt, %squeeze3A_1094, %sign3A_1124 : i32
      %sign3A_1126 = arith.extui %sign3A_1125 : i1 to i32
      %sign3A_1127 = arith.constant 0 : i32
      %sign3A_1128 = arith.cmpi slt, %squeeze3A_1094, %sign3A_1127 : i32
      %sign3A_1129 = arith.extui %sign3A_1128 : i1 to i32
      %sign3A_1130 = arith.subi %sign3A_1126, %sign3A_1129 : i32
      %sign3A_1131 = arith.constant 0 : i32
      %sign3A_1132 = arith.cmpi sgt, %jit3A_1122, %sign3A_1131 : i32
      %sign3A_1133 = arith.extui %sign3A_1132 : i1 to i32
      %sign3A_1134 = arith.constant 0 : i32
      %sign3A_1135 = arith.cmpi slt, %jit3A_1122, %sign3A_1134 : i32
      %sign3A_1136 = arith.extui %sign3A_1135 : i1 to i32
      %sign3A_1137 = arith.subi %sign3A_1133, %sign3A_1136 : i32
      %ne3A_1138 = arith.cmpi ne, %sign3A_1130, %sign3A_1137 : i32
      %rem3A_1139 = arith.remsi %squeeze3A_1094, %jit3A_1122 : i32
      %ne3A_1140 = arith.constant 0 : i32
      %ne3A_1141 = arith.cmpi ne, %rem3A_1139, %ne3A_1140 : i32
      %and3A_1142 = arith.andi %ne3A_1138, %ne3A_1141 : i1
      %sub3A_1143 = arith.constant 1 : i32
      %sub3A_1144 = arith.subi %div3A_1123, %sub3A_1143 : i32
      %select_n3A_1145 = arith.select %and3A_1142, %sub3A_1144, %div3A_1123 : i32
      %mul3A_1146 = arith.constant 128 : i32
      %mul3A_1147 = arith.muli %select_n3A_1145, %mul3A_1146 : i32
      %multiple_of3A_1148 = tpu.assume_multiple %mul3A_1147, 128 : i32
      %dma_start3A_1149 = arith.constant 64 : i32
      %dma_start3A_1150 = arith.constant 0 : i32
      %dma_start3A_1151 = tpu.memref_slice %arg10[%dma_start3A_1149, %dma_start3A_1150] : memref<256x128xf32, #tpu.memory_space<vmem>> -> memref<32x128xf32, #tpu.memory_space<vmem>>
      %dma_start3A_1152 = arith.constant 0 : i32
      %dma_start3A_1153 = tpu.memref_slice %arg4[%dma_start3A_1152, %multiple_of3A_1121] : memref<32x1000000xf32, #tpu.memory_space<hbm>> -> memref<32x128xf32, #tpu.memory_space<hbm>>
      %dma_start3A_1154 = arith.constant 64 : i32
      %dma_start3A_1155 = arith.constant 0 : i32
      %dma_start3A_1156 = tpu.memref_slice %arg10[%dma_start3A_1154, %dma_start3A_1155] : memref<256x128xf32, #tpu.memory_space<vmem>> -> memref<32x128xf32, #tpu.memory_space<vmem>>
      %dma_start3A_1157 = arith.constant 0 : i32
      %dma_start3A_1158 = tpu.memref_slice %arg4[%dma_start3A_1157, %multiple_of3A_1121] : memref<32x1000000xf32, #tpu.memory_space<hbm>> -> memref<32x128xf32, #tpu.memory_space<hbm>>
      tpu.enqueue_dma source(%dma_start3A_1158 : memref<32x128xf32, #tpu.memory_space<hbm>>) target(%dma_start3A_1156 : memref<32x128xf32, #tpu.memory_space<vmem>>) target_semaphore(%arg15 : memref<!tpu.dma_semaphore, #tpu.memory_space<semaphore_mem>>)
      %dma_start3A_1159 = arith.constant 64 : i32
      %dma_start3A_1160 = arith.constant 0 : i32
      %dma_start3A_1161 = tpu.memref_slice %arg11[%dma_start3A_1159, %dma_start3A_1160] : memref<256x128xf32, #tpu.memory_space<vmem>> -> memref<32x128xf32, #tpu.memory_space<vmem>>
      %dma_start3A_1162 = arith.constant 0 : i32
      %dma_start3A_1163 = tpu.memref_slice %arg5[%dma_start3A_1162, %multiple_of3A_1148] : memref<32x1000001xf32, #tpu.memory_space<hbm>> -> memref<32x128xf32, #tpu.memory_space<hbm>>
      %dma_start3A_1164 = arith.constant 64 : i32
      %dma_start3A_1165 = arith.constant 0 : i32
      %dma_start3A_1166 = tpu.memref_slice %arg11[%dma_start3A_1164, %dma_start3A_1165] : memref<256x128xf32, #tpu.memory_space<vmem>> -> memref<32x128xf32, #tpu.memory_space<vmem>>
      %dma_start3A_1167 = arith.constant 0 : i32
      %dma_start3A_1168 = tpu.memref_slice %arg5[%dma_start3A_1167, %multiple_of3A_1148] : memref<32x1000001xf32, #tpu.memory_space<hbm>> -> memref<32x128xf32, #tpu.memory_space<hbm>>
      tpu.enqueue_dma source(%dma_start3A_1168 : memref<32x128xf32, #tpu.memory_space<hbm>>) target(%dma_start3A_1166 : memref<32x128xf32, #tpu.memory_space<vmem>>) target_semaphore(%arg19 : memref<!tpu.dma_semaphore, #tpu.memory_space<semaphore_mem>>)
      %slice3A_1169 = vector.extract_strided_slice %get3A_558 {offsets = [11], sizes = [1], strides = [1]} : vector<16xi32> to vector<1xi32>
      %squeeze3A_1170 = vector.extract %slice3A_1169[0] : i32 from vector<1xi32>
      %slice3A_1171 = vector.extract_strided_slice %get3A_560 {offsets = [11], sizes = [1], strides = [1]} : vector<16xi32> to vector<1xi32>
      %squeeze3A_1172 = vector.extract %slice3A_1171[0] : i32 from vector<1xi32>
      %jit3A_1173 = arith.constant 128 : i32
      %div3A_1174 = arith.divsi %squeeze3A_1170, %jit3A_1173 : i32
      %sign3A_1175 = arith.constant 0 : i32
      %sign3A_1176 = arith.cmpi sgt, %squeeze3A_1170, %sign3A_1175 : i32
      %sign3A_1177 = arith.extui %sign3A_1176 : i1 to i32
      %sign3A_1178 = arith.constant 0 : i32
      %sign3A_1179 = arith.cmpi slt, %squeeze3A_1170, %sign3A_1178 : i32
      %sign3A_1180 = arith.extui %sign3A_1179 : i1 to i32
      %sign3A_1181 = arith.subi %sign3A_1177, %sign3A_1180 : i32
      %sign3A_1182 = arith.constant 0 : i32
      %sign3A_1183 = arith.cmpi sgt, %jit3A_1173, %sign3A_1182 : i32
      %sign3A_1184 = arith.extui %sign3A_1183 : i1 to i32
      %sign3A_1185 = arith.constant 0 : i32
      %sign3A_1186 = arith.cmpi slt, %jit3A_1173, %sign3A_1185 : i32
      %sign3A_1187 = arith.extui %sign3A_1186 : i1 to i32
      %sign3A_1188 = arith.subi %sign3A_1184, %sign3A_1187 : i32
      %ne3A_1189 = arith.cmpi ne, %sign3A_1181, %sign3A_1188 : i32
      %rem3A_1190 = arith.remsi %squeeze3A_1170, %jit3A_1173 : i32
      %ne3A_1191 = arith.constant 0 : i32
      %ne3A_1192 = arith.cmpi ne, %rem3A_1190, %ne3A_1191 : i32
      %and3A_1193 = arith.andi %ne3A_1189, %ne3A_1192 : i1
      %sub3A_1194 = arith.constant 1 : i32
      %sub3A_1195 = arith.subi %div3A_1174, %sub3A_1194 : i32
      %select_n3A_1196 = arith.select %and3A_1193, %sub3A_1195, %div3A_1174 : i32
      %mul3A_1197 = arith.constant 128 : i32
      %mul3A_1198 = arith.muli %select_n3A_1196, %mul3A_1197 : i32
      %multiple_of3A_1199 = tpu.assume_multiple %mul3A_1198, 128 : i32
      %jit3A_1200 = arith.constant 128 : i32
      %div3A_1201 = arith.divsi %squeeze3A_1172, %jit3A_1200 : i32
      %sign3A_1202 = arith.constant 0 : i32
      %sign3A_1203 = arith.cmpi sgt, %squeeze3A_1172, %sign3A_1202 : i32
      %sign3A_1204 = arith.extui %sign3A_1203 : i1 to i32
      %sign3A_1205 = arith.constant 0 : i32
      %sign3A_1206 = arith.cmpi slt, %squeeze3A_1172, %sign3A_1205 : i32
      %sign3A_1207 = arith.extui %sign3A_1206 : i1 to i32
      %sign3A_1208 = arith.subi %sign3A_1204, %sign3A_1207 : i32
      %sign3A_1209 = arith.constant 0 : i32
      %sign3A_1210 = arith.cmpi sgt, %jit3A_1200, %sign3A_1209 : i32
      %sign3A_1211 = arith.extui %sign3A_1210 : i1 to i32
      %sign3A_1212 = arith.constant 0 : i32
      %sign3A_1213 = arith.cmpi slt, %jit3A_1200, %sign3A_1212 : i32
      %sign3A_1214 = arith.extui %sign3A_1213 : i1 to i32
      %sign3A_1215 = arith.subi %sign3A_1211, %sign3A_1214 : i32
      %ne3A_1216 = arith.cmpi ne, %sign3A_1208, %sign3A_1215 : i32
      %rem3A_1217 = arith.remsi %squeeze3A_1172, %jit3A_1200 : i32
      %ne3A_1218 = arith.constant 0 : i32
      %ne3A_1219 = arith.cmpi ne, %rem3A_1217, %ne3A_1218 : i32
      %and3A_1220 = arith.andi %ne3A_1216, %ne3A_1219 : i1
      %sub3A_1221 = arith.constant 1 : i32
      %sub3A_1222 = arith.subi %div3A_1201, %sub3A_1221 : i32
      %select_n3A_1223 = arith.select %and3A_1220, %sub3A_1222, %div3A_1201 : i32
      %mul3A_1224 = arith.constant 128 : i32
      %mul3A_1225 = arith.muli %select_n3A_1223, %mul3A_1224 : i32
      %multiple_of3A_1226 = tpu.assume_multiple %mul3A_1225, 128 : i32
      %dma_start3A_1227 = arith.constant 96 : i32
      %dma_start3A_1228 = arith.constant 0 : i32
      %dma_start3A_1229 = tpu.memref_slice %arg10[%dma_start3A_1227, %dma_start3A_1228] : memref<256x128xf32, #tpu.memory_space<vmem>> -> memref<32x128xf32, #tpu.memory_space<vmem>>
      %dma_start3A_1230 = arith.constant 0 : i32
      %dma_start3A_1231 = tpu.memref_slice %arg4[%dma_start3A_1230, %multiple_of3A_1199] : memref<32x1000000xf32, #tpu.memory_space<hbm>> -> memref<32x128xf32, #tpu.memory_space<hbm>>
      %dma_start3A_1232 = arith.constant 96 : i32
      %dma_start3A_1233 = arith.constant 0 : i32
      %dma_start3A_1234 = tpu.memref_slice %arg10[%dma_start3A_1232, %dma_start3A_1233] : memref<256x128xf32, #tpu.memory_space<vmem>> -> memref<32x128xf32, #tpu.memory_space<vmem>>
      %dma_start3A_1235 = arith.constant 0 : i32
      %dma_start3A_1236 = tpu.memref_slice %arg4[%dma_start3A_1235, %multiple_of3A_1199] : memref<32x1000000xf32, #tpu.memory_space<hbm>> -> memref<32x128xf32, #tpu.memory_space<hbm>>
      tpu.enqueue_dma source(%dma_start3A_1236 : memref<32x128xf32, #tpu.memory_space<hbm>>) target(%dma_start3A_1234 : memref<32x128xf32, #tpu.memory_space<vmem>>) target_semaphore(%arg15 : memref<!tpu.dma_semaphore, #tpu.memory_space<semaphore_mem>>)
      %dma_start3A_1237 = arith.constant 96 : i32
      %dma_start3A_1238 = arith.constant 0 : i32
      %dma_start3A_1239 = tpu.memref_slice %arg11[%dma_start3A_1237, %dma_start3A_1238] : memref<256x128xf32, #tpu.memory_space<vmem>> -> memref<32x128xf32, #tpu.memory_space<vmem>>
      %dma_start3A_1240 = arith.constant 0 : i32
      %dma_start3A_1241 = tpu.memref_slice %arg5[%dma_start3A_1240, %multiple_of3A_1226] : memref<32x1000001xf32, #tpu.memory_space<hbm>> -> memref<32x128xf32, #tpu.memory_space<hbm>>
      %dma_start3A_1242 = arith.constant 96 : i32
      %dma_start3A_1243 = arith.constant 0 : i32
      %dma_start3A_1244 = tpu.memref_slice %arg11[%dma_start3A_1242, %dma_start3A_1243] : memref<256x128xf32, #tpu.memory_space<vmem>> -> memref<32x128xf32, #tpu.memory_space<vmem>>
      %dma_start3A_1245 = arith.constant 0 : i32
      %dma_start3A_1246 = tpu.memref_slice %arg5[%dma_start3A_1245, %multiple_of3A_1226] : memref<32x1000001xf32, #tpu.memory_space<hbm>> -> memref<32x128xf32, #tpu.memory_space<hbm>>
      tpu.enqueue_dma source(%dma_start3A_1246 : memref<32x128xf32, #tpu.memory_space<hbm>>) target(%dma_start3A_1244 : memref<32x128xf32, #tpu.memory_space<vmem>>) target_semaphore(%arg19 : memref<!tpu.dma_semaphore, #tpu.memory_space<semaphore_mem>>)
      %dma_wait3A_1247 = arith.constant 128 : i32
      %dma_wait3A_1248 = arith.constant 0 : i32
      %dma_wait3A_1249 = tpu.memref_slice %arg10[%dma_wait3A_1247, %dma_wait3A_1248] : memref<256x128xf32, #tpu.memory_space<vmem>> -> memref<64x128xf32, #tpu.memory_space<vmem>>
      %dma_wait3A_1250 = arith.constant 128 : i32
      %dma_wait3A_1251 = arith.constant 0 : i32
      %dma_wait3A_1252 = tpu.memref_slice %arg10[%dma_wait3A_1250, %dma_wait3A_1251] : memref<256x128xf32, #tpu.memory_space<vmem>> -> memref<64x128xf32, #tpu.memory_space<vmem>>
      tpu.wait_dma2 semaphore(%arg16 : memref<!tpu.dma_semaphore, #tpu.memory_space<semaphore_mem>>) src(%arg6 : memref<64x128xf32, #tpu.memory_space<hbm>>) dst(%dma_wait3A_1252 : memref<64x128xf32, #tpu.memory_space<vmem>>)
      %dma_wait3A_1253 = arith.constant 128 : i32
      %dma_wait3A_1254 = arith.constant 0 : i32
      %dma_wait3A_1255 = tpu.memref_slice %arg11[%dma_wait3A_1253, %dma_wait3A_1254] : memref<256x128xf32, #tpu.memory_space<vmem>> -> memref<64x128xf32, #tpu.memory_space<vmem>>
      %dma_wait3A_1256 = arith.constant 128 : i32
      %dma_wait3A_1257 = arith.constant 0 : i32
      %dma_wait3A_1258 = tpu.memref_slice %arg11[%dma_wait3A_1256, %dma_wait3A_1257] : memref<256x128xf32, #tpu.memory_space<vmem>> -> memref<64x128xf32, #tpu.memory_space<vmem>>
      tpu.wait_dma2 semaphore(%arg20 : memref<!tpu.dma_semaphore, #tpu.memory_space<semaphore_mem>>) src(%arg6 : memref<64x128xf32, #tpu.memory_space<hbm>>) dst(%dma_wait3A_1258 : memref<64x128xf32, #tpu.memory_space<vmem>>)
      %add3A_1259 = arith.constant 4 : i32
      %add3A_1260 = arith.addi %mul3A_556, %add3A_1259 : i32
      %add3A_1261 = arith.constant 0 : i32
      %add3A_1262 = arith.addi %add3A_1260, %add3A_1261 : i32
      %slice3A_1263 = vector.extract_strided_slice %get3A_558 {offsets = [4], sizes = [1], strides = [1]} : vector<16xi32> to vector<1xi32>
      %squeeze3A_1264 = vector.extract %slice3A_1263[0] : i32 from vector<1xi32>
      %jit3A_1265 = arith.constant 128 : i32
      %eq3A_1266 = arith.constant 0 : i32
      %eq3A_1267 = arith.cmpi eq, %jit3A_1265, %eq3A_1266 : i32
      %jit3A_1268 = arith.constant 1 : i32
      %select_n3A_1269 = arith.select %eq3A_1267, %jit3A_1268, %jit3A_1265 : i32
      %rem3A_1270 = arith.remsi %squeeze3A_1264, %select_n3A_1269 : i32
      %ne3A_1271 = arith.constant 0 : i32
      %ne3A_1272 = arith.cmpi ne, %rem3A_1270, %ne3A_1271 : i32
      %lt3A_1273 = arith.constant 0 : i32
      %lt3A_1274 = arith.cmpi slt, %rem3A_1270, %lt3A_1273 : i32
      %lt3A_1275 = arith.constant 0 : i32
      %lt3A_1276 = arith.cmpi slt, %select_n3A_1269, %lt3A_1275 : i32
      %ne3A_1277 = arith.xori %lt3A_1274, %lt3A_1276 : i1
      %and3A_1278 = arith.andi %ne3A_1277, %ne3A_1272 : i1
      %add3A_1279 = arith.addi %rem3A_1270, %select_n3A_1269 : i32
      %select_n3A_1280 = arith.select %and3A_1278, %add3A_1279, %rem3A_1270 : i32
      %broadcast_in_dim3A_1281 = vector.broadcast %select_n3A_1280 : i32 to vector<16xi32>
      %slice3A_1282 = vector.extract_strided_slice %get3A_560 {offsets = [4], sizes = [1], strides = [1]} : vector<16xi32> to vector<1xi32>
      %squeeze3A_1283 = vector.extract %slice3A_1282[0] : i32 from vector<1xi32>
      %jit3A_1284 = arith.constant 128 : i32
      %eq3A_1285 = arith.constant 0 : i32
      %eq3A_1286 = arith.cmpi eq, %jit3A_1284, %eq3A_1285 : i32
      %jit3A_1287 = arith.constant 1 : i32
      %select_n3A_1288 = arith.select %eq3A_1286, %jit3A_1287, %jit3A_1284 : i32
      %rem3A_1289 = arith.remsi %squeeze3A_1283, %select_n3A_1288 : i32
      %ne3A_1290 = arith.constant 0 : i32
      %ne3A_1291 = arith.cmpi ne, %rem3A_1289, %ne3A_1290 : i32
      %lt3A_1292 = arith.constant 0 : i32
      %lt3A_1293 = arith.cmpi slt, %rem3A_1289, %lt3A_1292 : i32
      %lt3A_1294 = arith.constant 0 : i32
      %lt3A_1295 = arith.cmpi slt, %select_n3A_1288, %lt3A_1294 : i32
      %ne3A_1296 = arith.xori %lt3A_1293, %lt3A_1295 : i1
      %and3A_1297 = arith.andi %ne3A_1296, %ne3A_1291 : i1
      %add3A_1298 = arith.addi %rem3A_1289, %select_n3A_1288 : i32
      %select_n3A_1299 = arith.select %and3A_1297, %add3A_1298, %rem3A_1289 : i32
      %broadcast_in_dim3A_1300 = vector.broadcast %select_n3A_1299 : i32 to vector<16xi32>
      %broadcast_in_dim3A_1301 = vector.broadcast %add3A_1262 : i32 to vector<16xi32>
      %gather3A_1302 = tpu.vector_load_idx %arg10[%add3A_20, %broadcast_in_dim3A_1281] : memref<256x128xf32, #tpu.memory_space<vmem>>[vector<16xi32>, vector<16xi32>], vector<16xf32>,
      %gather3A_1303 = tpu.vector_load_idx %arg10[%add3A_44, %broadcast_in_dim3A_1281] : memref<256x128xf32, #tpu.memory_space<vmem>>[vector<16xi32>, vector<16xi32>], vector<16xf32>,
      %gather3A_1304 = tpu.vector_load_idx %arg11[%add3A_20, %broadcast_in_dim3A_1300] : memref<256x128xf32, #tpu.memory_space<vmem>>[vector<16xi32>, vector<16xi32>], vector<16xf32>,
      %gather3A_1305 = tpu.vector_load_idx %arg11[%add3A_44, %broadcast_in_dim3A_1300] : memref<256x128xf32, #tpu.memory_space<vmem>>[vector<16xi32>, vector<16xi32>], vector<16xf32>,
      tpu.vector_store_idx %arg12[%iota3A, %broadcast_in_dim3A_1301], %gather3A_1302 : memref<32x512xf32, #tpu.memory_space<vmem>>[vector<16xi32>, vector<16xi32>], vector<16xf32>,
      tpu.vector_store_idx %arg12[%add3A_5, %broadcast_in_dim3A_1301], %gather3A_1303 : memref<32x512xf32, #tpu.memory_space<vmem>>[vector<16xi32>, vector<16xi32>], vector<16xf32>,
      tpu.vector_store_idx %arg13[%iota3A, %broadcast_in_dim3A_1301], %gather3A_1304 : memref<32x512xf32, #tpu.memory_space<vmem>>[vector<16xi32>, vector<16xi32>], vector<16xf32>,
      tpu.vector_store_idx %arg13[%add3A_5, %broadcast_in_dim3A_1301], %gather3A_1305 : memref<32x512xf32, #tpu.memory_space<vmem>>[vector<16xi32>, vector<16xi32>], vector<16xf32>,
      %add3A_1306 = arith.constant 4 : i32
      %add3A_1307 = arith.addi %mul3A_556, %add3A_1306 : i32
      %add3A_1308 = arith.constant 1 : i32
      %add3A_1309 = arith.addi %add3A_1307, %add3A_1308 : i32
      %slice3A_1310 = vector.extract_strided_slice %get3A_558 {offsets = [5], sizes = [1], strides = [1]} : vector<16xi32> to vector<1xi32>
      %squeeze3A_1311 = vector.extract %slice3A_1310[0] : i32 from vector<1xi32>
      %jit3A_1312 = arith.constant 128 : i32
      %eq3A_1313 = arith.constant 0 : i32
      %eq3A_1314 = arith.cmpi eq, %jit3A_1312, %eq3A_1313 : i32
      %jit3A_1315 = arith.constant 1 : i32
      %select_n3A_1316 = arith.select %eq3A_1314, %jit3A_1315, %jit3A_1312 : i32
      %rem3A_1317 = arith.remsi %squeeze3A_1311, %select_n3A_1316 : i32
      %ne3A_1318 = arith.constant 0 : i32
      %ne3A_1319 = arith.cmpi ne, %rem3A_1317, %ne3A_1318 : i32
      %lt3A_1320 = arith.constant 0 : i32
      %lt3A_1321 = arith.cmpi slt, %rem3A_1317, %lt3A_1320 : i32
      %lt3A_1322 = arith.constant 0 : i32
      %lt3A_1323 = arith.cmpi slt, %select_n3A_1316, %lt3A_1322 : i32
      %ne3A_1324 = arith.xori %lt3A_1321, %lt3A_1323 : i1
      %and3A_1325 = arith.andi %ne3A_1324, %ne3A_1319 : i1
      %add3A_1326 = arith.addi %rem3A_1317, %select_n3A_1316 : i32
      %select_n3A_1327 = arith.select %and3A_1325, %add3A_1326, %rem3A_1317 : i32
      %broadcast_in_dim3A_1328 = vector.broadcast %select_n3A_1327 : i32 to vector<16xi32>
      %slice3A_1329 = vector.extract_strided_slice %get3A_560 {offsets = [5], sizes = [1], strides = [1]} : vector<16xi32> to vector<1xi32>
      %squeeze3A_1330 = vector.extract %slice3A_1329[0] : i32 from vector<1xi32>
      %jit3A_1331 = arith.constant 128 : i32
      %eq3A_1332 = arith.constant 0 : i32
      %eq3A_1333 = arith.cmpi eq, %jit3A_1331, %eq3A_1332 : i32
      %jit3A_1334 = arith.constant 1 : i32
      %select_n3A_1335 = arith.select %eq3A_1333, %jit3A_1334, %jit3A_1331 : i32
      %rem3A_1336 = arith.remsi %squeeze3A_1330, %select_n3A_1335 : i32
      %ne3A_1337 = arith.constant 0 : i32
      %ne3A_1338 = arith.cmpi ne, %rem3A_1336, %ne3A_1337 : i32
      %lt3A_1339 = arith.constant 0 : i32
      %lt3A_1340 = arith.cmpi slt, %rem3A_1336, %lt3A_1339 : i32
      %lt3A_1341 = arith.constant 0 : i32
      %lt3A_1342 = arith.cmpi slt, %select_n3A_1335, %lt3A_1341 : i32
      %ne3A_1343 = arith.xori %lt3A_1340, %lt3A_1342 : i1
      %and3A_1344 = arith.andi %ne3A_1343, %ne3A_1338 : i1
      %add3A_1345 = arith.addi %rem3A_1336, %select_n3A_1335 : i32
      %select_n3A_1346 = arith.select %and3A_1344, %add3A_1345, %rem3A_1336 : i32
      %broadcast_in_dim3A_1347 = vector.broadcast %select_n3A_1346 : i32 to vector<16xi32>
      %broadcast_in_dim3A_1348 = vector.broadcast %add3A_1309 : i32 to vector<16xi32>
      %gather3A_1349 = tpu.vector_load_idx %arg10[%add3A_23, %broadcast_in_dim3A_1328] : memref<256x128xf32, #tpu.memory_space<vmem>>[vector<16xi32>, vector<16xi32>], vector<16xf32>,
      %gather3A_1350 = tpu.vector_load_idx %arg10[%add3A_47, %broadcast_in_dim3A_1328] : memref<256x128xf32, #tpu.memory_space<vmem>>[vector<16xi32>, vector<16xi32>], vector<16xf32>,
      %gather3A_1351 = tpu.vector_load_idx %arg11[%add3A_23, %broadcast_in_dim3A_1347] : memref<256x128xf32, #tpu.memory_space<vmem>>[vector<16xi32>, vector<16xi32>], vector<16xf32>,
      %gather3A_1352 = tpu.vector_load_idx %arg11[%add3A_47, %broadcast_in_dim3A_1347] : memref<256x128xf32, #tpu.memory_space<vmem>>[vector<16xi32>, vector<16xi32>], vector<16xf32>,
      tpu.vector_store_idx %arg12[%iota3A, %broadcast_in_dim3A_1348], %gather3A_1349 : memref<32x512xf32, #tpu.memory_space<vmem>>[vector<16xi32>, vector<16xi32>], vector<16xf32>,
      tpu.vector_store_idx %arg12[%add3A_5, %broadcast_in_dim3A_1348], %gather3A_1350 : memref<32x512xf32, #tpu.memory_space<vmem>>[vector<16xi32>, vector<16xi32>], vector<16xf32>,
      tpu.vector_store_idx %arg13[%iota3A, %broadcast_in_dim3A_1348], %gather3A_1351 : memref<32x512xf32, #tpu.memory_space<vmem>>[vector<16xi32>, vector<16xi32>], vector<16xf32>,
      tpu.vector_store_idx %arg13[%add3A_5, %broadcast_in_dim3A_1348], %gather3A_1352 : memref<32x512xf32, #tpu.memory_space<vmem>>[vector<16xi32>, vector<16xi32>], vector<16xf32>,
      %slice3A_1353 = vector.extract_strided_slice %get3A_558 {offsets = [12], sizes = [1], strides = [1]} : vector<16xi32> to vector<1xi32>
      %squeeze3A_1354 = vector.extract %slice3A_1353[0] : i32 from vector<1xi32>
      %slice3A_1355 = vector.extract_strided_slice %get3A_560 {offsets = [12], sizes = [1], strides = [1]} : vector<16xi32> to vector<1xi32>
      %squeeze3A_1356 = vector.extract %slice3A_1355[0] : i32 from vector<1xi32>
      %jit3A_1357 = arith.constant 128 : i32
      %div3A_1358 = arith.divsi %squeeze3A_1354, %jit3A_1357 : i32
      %sign3A_1359 = arith.constant 0 : i32
      %sign3A_1360 = arith.cmpi sgt, %squeeze3A_1354, %sign3A_1359 : i32
      %sign3A_1361 = arith.extui %sign3A_1360 : i1 to i32
      %sign3A_1362 = arith.constant 0 : i32
      %sign3A_1363 = arith.cmpi slt, %squeeze3A_1354, %sign3A_1362 : i32
      %sign3A_1364 = arith.extui %sign3A_1363 : i1 to i32
      %sign3A_1365 = arith.subi %sign3A_1361, %sign3A_1364 : i32
      %sign3A_1366 = arith.constant 0 : i32
      %sign3A_1367 = arith.cmpi sgt, %jit3A_1357, %sign3A_1366 : i32
      %sign3A_1368 = arith.extui %sign3A_1367 : i1 to i32
      %sign3A_1369 = arith.constant 0 : i32
      %sign3A_1370 = arith.cmpi slt, %jit3A_1357, %sign3A_1369 : i32
      %sign3A_1371 = arith.extui %sign3A_1370 : i1 to i32
      %sign3A_1372 = arith.subi %sign3A_1368, %sign3A_1371 : i32
      %ne3A_1373 = arith.cmpi ne, %sign3A_1365, %sign3A_1372 : i32
      %rem3A_1374 = arith.remsi %squeeze3A_1354, %jit3A_1357 : i32
      %ne3A_1375 = arith.constant 0 : i32
      %ne3A_1376 = arith.cmpi ne, %rem3A_1374, %ne3A_1375 : i32
      %and3A_1377 = arith.andi %ne3A_1373, %ne3A_1376 : i1
      %sub3A_1378 = arith.constant 1 : i32
      %sub3A_1379 = arith.subi %div3A_1358, %sub3A_1378 : i32
      %select_n3A_1380 = arith.select %and3A_1377, %sub3A_1379, %div3A_1358 : i32
      %mul3A_1381 = arith.constant 128 : i32
      %mul3A_1382 = arith.muli %select_n3A_1380, %mul3A_1381 : i32
      %multiple_of3A_1383 = tpu.assume_multiple %mul3A_1382, 128 : i32
      %jit3A_1384 = arith.constant 128 : i32
      %div3A_1385 = arith.divsi %squeeze3A_1356, %jit3A_1384 : i32
      %sign3A_1386 = arith.constant 0 : i32
      %sign3A_1387 = arith.cmpi sgt, %squeeze3A_1356, %sign3A_1386 : i32
      %sign3A_1388 = arith.extui %sign3A_1387 : i1 to i32
      %sign3A_1389 = arith.constant 0 : i32
      %sign3A_1390 = arith.cmpi slt, %squeeze3A_1356, %sign3A_1389 : i32
      %sign3A_1391 = arith.extui %sign3A_1390 : i1 to i32
      %sign3A_1392 = arith.subi %sign3A_1388, %sign3A_1391 : i32
      %sign3A_1393 = arith.constant 0 : i32
      %sign3A_1394 = arith.cmpi sgt, %jit3A_1384, %sign3A_1393 : i32
      %sign3A_1395 = arith.extui %sign3A_1394 : i1 to i32
      %sign3A_1396 = arith.constant 0 : i32
      %sign3A_1397 = arith.cmpi slt, %jit3A_1384, %sign3A_1396 : i32
      %sign3A_1398 = arith.extui %sign3A_1397 : i1 to i32
      %sign3A_1399 = arith.subi %sign3A_1395, %sign3A_1398 : i32
      %ne3A_1400 = arith.cmpi ne, %sign3A_1392, %sign3A_1399 : i32
      %rem3A_1401 = arith.remsi %squeeze3A_1356, %jit3A_1384 : i32
      %ne3A_1402 = arith.constant 0 : i32
      %ne3A_1403 = arith.cmpi ne, %rem3A_1401, %ne3A_1402 : i32
      %and3A_1404 = arith.andi %ne3A_1400, %ne3A_1403 : i1
      %sub3A_1405 = arith.constant 1 : i32
      %sub3A_1406 = arith.subi %div3A_1385, %sub3A_1405 : i32
      %select_n3A_1407 = arith.select %and3A_1404, %sub3A_1406, %div3A_1385 : i32
      %mul3A_1408 = arith.constant 128 : i32
      %mul3A_1409 = arith.muli %select_n3A_1407, %mul3A_1408 : i32
      %multiple_of3A_1410 = tpu.assume_multiple %mul3A_1409, 128 : i32
      %dma_start3A_1411 = arith.constant 128 : i32
      %dma_start3A_1412 = arith.constant 0 : i32
      %dma_start3A_1413 = tpu.memref_slice %arg10[%dma_start3A_1411, %dma_start3A_1412] : memref<256x128xf32, #tpu.memory_space<vmem>> -> memref<32x128xf32, #tpu.memory_space<vmem>>
      %dma_start3A_1414 = arith.constant 0 : i32
      %dma_start3A_1415 = tpu.memref_slice %arg4[%dma_start3A_1414, %multiple_of3A_1383] : memref<32x1000000xf32, #tpu.memory_space<hbm>> -> memref<32x128xf32, #tpu.memory_space<hbm>>
      %dma_start3A_1416 = arith.constant 128 : i32
      %dma_start3A_1417 = arith.constant 0 : i32
      %dma_start3A_1418 = tpu.memref_slice %arg10[%dma_start3A_1416, %dma_start3A_1417] : memref<256x128xf32, #tpu.memory_space<vmem>> -> memref<32x128xf32, #tpu.memory_space<vmem>>
      %dma_start3A_1419 = arith.constant 0 : i32
      %dma_start3A_1420 = tpu.memref_slice %arg4[%dma_start3A_1419, %multiple_of3A_1383] : memref<32x1000000xf32, #tpu.memory_space<hbm>> -> memref<32x128xf32, #tpu.memory_space<hbm>>
      tpu.enqueue_dma source(%dma_start3A_1420 : memref<32x128xf32, #tpu.memory_space<hbm>>) target(%dma_start3A_1418 : memref<32x128xf32, #tpu.memory_space<vmem>>) target_semaphore(%arg16 : memref<!tpu.dma_semaphore, #tpu.memory_space<semaphore_mem>>)
      %dma_start3A_1421 = arith.constant 128 : i32
      %dma_start3A_1422 = arith.constant 0 : i32
      %dma_start3A_1423 = tpu.memref_slice %arg11[%dma_start3A_1421, %dma_start3A_1422] : memref<256x128xf32, #tpu.memory_space<vmem>> -> memref<32x128xf32, #tpu.memory_space<vmem>>
      %dma_start3A_1424 = arith.constant 0 : i32
      %dma_start3A_1425 = tpu.memref_slice %arg5[%dma_start3A_1424, %multiple_of3A_1410] : memref<32x1000001xf32, #tpu.memory_space<hbm>> -> memref<32x128xf32, #tpu.memory_space<hbm>>
      %dma_start3A_1426 = arith.constant 128 : i32
      %dma_start3A_1427 = arith.constant 0 : i32
      %dma_start3A_1428 = tpu.memref_slice %arg11[%dma_start3A_1426, %dma_start3A_1427] : memref<256x128xf32, #tpu.memory_space<vmem>> -> memref<32x128xf32, #tpu.memory_space<vmem>>
      %dma_start3A_1429 = arith.constant 0 : i32
      %dma_start3A_1430 = tpu.memref_slice %arg5[%dma_start3A_1429, %multiple_of3A_1410] : memref<32x1000001xf32, #tpu.memory_space<hbm>> -> memref<32x128xf32, #tpu.memory_space<hbm>>
      tpu.enqueue_dma source(%dma_start3A_1430 : memref<32x128xf32, #tpu.memory_space<hbm>>) target(%dma_start3A_1428 : memref<32x128xf32, #tpu.memory_space<vmem>>) target_semaphore(%arg20 : memref<!tpu.dma_semaphore, #tpu.memory_space<semaphore_mem>>)
      %slice3A_1431 = vector.extract_strided_slice %get3A_558 {offsets = [13], sizes = [1], strides = [1]} : vector<16xi32> to vector<1xi32>
      %squeeze3A_1432 = vector.extract %slice3A_1431[0] : i32 from vector<1xi32>
      %slice3A_1433 = vector.extract_strided_slice %get3A_560 {offsets = [13], sizes = [1], strides = [1]} : vector<16xi32> to vector<1xi32>
      %squeeze3A_1434 = vector.extract %slice3A_1433[0] : i32 from vector<1xi32>
      %jit3A_1435 = arith.constant 128 : i32
      %div3A_1436 = arith.divsi %squeeze3A_1432, %jit3A_1435 : i32
      %sign3A_1437 = arith.constant 0 : i32
      %sign3A_1438 = arith.cmpi sgt, %squeeze3A_1432, %sign3A_1437 : i32
      %sign3A_1439 = arith.extui %sign3A_1438 : i1 to i32
      %sign3A_1440 = arith.constant 0 : i32
      %sign3A_1441 = arith.cmpi slt, %squeeze3A_1432, %sign3A_1440 : i32
      %sign3A_1442 = arith.extui %sign3A_1441 : i1 to i32
      %sign3A_1443 = arith.subi %sign3A_1439, %sign3A_1442 : i32
      %sign3A_1444 = arith.constant 0 : i32
      %sign3A_1445 = arith.cmpi sgt, %jit3A_1435, %sign3A_1444 : i32
      %sign3A_1446 = arith.extui %sign3A_1445 : i1 to i32
      %sign3A_1447 = arith.constant 0 : i32
      %sign3A_1448 = arith.cmpi slt, %jit3A_1435, %sign3A_1447 : i32
      %sign3A_1449 = arith.extui %sign3A_1448 : i1 to i32
      %sign3A_1450 = arith.subi %sign3A_1446, %sign3A_1449 : i32
      %ne3A_1451 = arith.cmpi ne, %sign3A_1443, %sign3A_1450 : i32
      %rem3A_1452 = arith.remsi %squeeze3A_1432, %jit3A_1435 : i32
      %ne3A_1453 = arith.constant 0 : i32
      %ne3A_1454 = arith.cmpi ne, %rem3A_1452, %ne3A_1453 : i32
      %and3A_1455 = arith.andi %ne3A_1451, %ne3A_1454 : i1
      %sub3A_1456 = arith.constant 1 : i32
      %sub3A_1457 = arith.subi %div3A_1436, %sub3A_1456 : i32
      %select_n3A_1458 = arith.select %and3A_1455, %sub3A_1457, %div3A_1436 : i32
      %mul3A_1459 = arith.constant 128 : i32
      %mul3A_1460 = arith.muli %select_n3A_1458, %mul3A_1459 : i32
      %multiple_of3A_1461 = tpu.assume_multiple %mul3A_1460, 128 : i32
      %jit3A_1462 = arith.constant 128 : i32
      %div3A_1463 = arith.divsi %squeeze3A_1434, %jit3A_1462 : i32
      %sign3A_1464 = arith.constant 0 : i32
      %sign3A_1465 = arith.cmpi sgt, %squeeze3A_1434, %sign3A_1464 : i32
      %sign3A_1466 = arith.extui %sign3A_1465 : i1 to i32
      %sign3A_1467 = arith.constant 0 : i32
      %sign3A_1468 = arith.cmpi slt, %squeeze3A_1434, %sign3A_1467 : i32
      %sign3A_1469 = arith.extui %sign3A_1468 : i1 to i32
      %sign3A_1470 = arith.subi %sign3A_1466, %sign3A_1469 : i32
      %sign3A_1471 = arith.constant 0 : i32
      %sign3A_1472 = arith.cmpi sgt, %jit3A_1462, %sign3A_1471 : i32
      %sign3A_1473 = arith.extui %sign3A_1472 : i1 to i32
      %sign3A_1474 = arith.constant 0 : i32
      %sign3A_1475 = arith.cmpi slt, %jit3A_1462, %sign3A_1474 : i32
      %sign3A_1476 = arith.extui %sign3A_1475 : i1 to i32
      %sign3A_1477 = arith.subi %sign3A_1473, %sign3A_1476 : i32
      %ne3A_1478 = arith.cmpi ne, %sign3A_1470, %sign3A_1477 : i32
      %rem3A_1479 = arith.remsi %squeeze3A_1434, %jit3A_1462 : i32
      %ne3A_1480 = arith.constant 0 : i32
      %ne3A_1481 = arith.cmpi ne, %rem3A_1479, %ne3A_1480 : i32
      %and3A_1482 = arith.andi %ne3A_1478, %ne3A_1481 : i1
      %sub3A_1483 = arith.constant 1 : i32
      %sub3A_1484 = arith.subi %div3A_1463, %sub3A_1483 : i32
      %select_n3A_1485 = arith.select %and3A_1482, %sub3A_1484, %div3A_1463 : i32
      %mul3A_1486 = arith.constant 128 : i32
      %mul3A_1487 = arith.muli %select_n3A_1485, %mul3A_1486 : i32
      %multiple_of3A_1488 = tpu.assume_multiple %mul3A_1487, 128 : i32
      %dma_start3A_1489 = arith.constant 160 : i32
      %dma_start3A_1490 = arith.constant 0 : i32
      %dma_start3A_1491 = tpu.memref_slice %arg10[%dma_start3A_1489, %dma_start3A_1490] : memref<256x128xf32, #tpu.memory_space<vmem>> -> memref<32x128xf32, #tpu.memory_space<vmem>>
      %dma_start3A_1492 = arith.constant 0 : i32
      %dma_start3A_1493 = tpu.memref_slice %arg4[%dma_start3A_1492, %multiple_of3A_1461] : memref<32x1000000xf32, #tpu.memory_space<hbm>> -> memref<32x128xf32, #tpu.memory_space<hbm>>
      %dma_start3A_1494 = arith.constant 160 : i32
      %dma_start3A_1495 = arith.constant 0 : i32
      %dma_start3A_1496 = tpu.memref_slice %arg10[%dma_start3A_1494, %dma_start3A_1495] : memref<256x128xf32, #tpu.memory_space<vmem>> -> memref<32x128xf32, #tpu.memory_space<vmem>>
      %dma_start3A_1497 = arith.constant 0 : i32
      %dma_start3A_1498 = tpu.memref_slice %arg4[%dma_start3A_1497, %multiple_of3A_1461] : memref<32x1000000xf32, #tpu.memory_space<hbm>> -> memref<32x128xf32, #tpu.memory_space<hbm>>
      tpu.enqueue_dma source(%dma_start3A_1498 : memref<32x128xf32, #tpu.memory_space<hbm>>) target(%dma_start3A_1496 : memref<32x128xf32, #tpu.memory_space<vmem>>) target_semaphore(%arg16 : memref<!tpu.dma_semaphore, #tpu.memory_space<semaphore_mem>>)
      %dma_start3A_1499 = arith.constant 160 : i32
      %dma_start3A_1500 = arith.constant 0 : i32
      %dma_start3A_1501 = tpu.memref_slice %arg11[%dma_start3A_1499, %dma_start3A_1500] : memref<256x128xf32, #tpu.memory_space<vmem>> -> memref<32x128xf32, #tpu.memory_space<vmem>>
      %dma_start3A_1502 = arith.constant 0 : i32
      %dma_start3A_1503 = tpu.memref_slice %arg5[%dma_start3A_1502, %multiple_of3A_1488] : memref<32x1000001xf32, #tpu.memory_space<hbm>> -> memref<32x128xf32, #tpu.memory_space<hbm>>
      %dma_start3A_1504 = arith.constant 160 : i32
      %dma_start3A_1505 = arith.constant 0 : i32
      %dma_start3A_1506 = tpu.memref_slice %arg11[%dma_start3A_1504, %dma_start3A_1505] : memref<256x128xf32, #tpu.memory_space<vmem>> -> memref<32x128xf32, #tpu.memory_space<vmem>>
      %dma_start3A_1507 = arith.constant 0 : i32
      %dma_start3A_1508 = tpu.memref_slice %arg5[%dma_start3A_1507, %multiple_of3A_1488] : memref<32x1000001xf32, #tpu.memory_space<hbm>> -> memref<32x128xf32, #tpu.memory_space<hbm>>
      tpu.enqueue_dma source(%dma_start3A_1508 : memref<32x128xf32, #tpu.memory_space<hbm>>) target(%dma_start3A_1506 : memref<32x128xf32, #tpu.memory_space<vmem>>) target_semaphore(%arg20 : memref<!tpu.dma_semaphore, #tpu.memory_space<semaphore_mem>>)
      %dma_wait3A_1509 = arith.constant 192 : i32
      %dma_wait3A_1510 = arith.constant 0 : i32
      %dma_wait3A_1511 = tpu.memref_slice %arg10[%dma_wait3A_1509, %dma_wait3A_1510] : memref<256x128xf32, #tpu.memory_space<vmem>> -> memref<64x128xf32, #tpu.memory_space<vmem>>
      %dma_wait3A_1512 = arith.constant 192 : i32
      %dma_wait3A_1513 = arith.constant 0 : i32
      %dma_wait3A_1514 = tpu.memref_slice %arg10[%dma_wait3A_1512, %dma_wait3A_1513] : memref<256x128xf32, #tpu.memory_space<vmem>> -> memref<64x128xf32, #tpu.memory_space<vmem>>
      tpu.wait_dma2 semaphore(%arg17 : memref<!tpu.dma_semaphore, #tpu.memory_space<semaphore_mem>>) src(%arg6 : memref<64x128xf32, #tpu.memory_space<hbm>>) dst(%dma_wait3A_1514 : memref<64x128xf32, #tpu.memory_space<vmem>>)
      %dma_wait3A_1515 = arith.constant 192 : i32
      %dma_wait3A_1516 = arith.constant 0 : i32
      %dma_wait3A_1517 = tpu.memref_slice %arg11[%dma_wait3A_1515, %dma_wait3A_1516] : memref<256x128xf32, #tpu.memory_space<vmem>> -> memref<64x128xf32, #tpu.memory_space<vmem>>
      %dma_wait3A_1518 = arith.constant 192 : i32
      %dma_wait3A_1519 = arith.constant 0 : i32
      %dma_wait3A_1520 = tpu.memref_slice %arg11[%dma_wait3A_1518, %dma_wait3A_1519] : memref<256x128xf32, #tpu.memory_space<vmem>> -> memref<64x128xf32, #tpu.memory_space<vmem>>
      tpu.wait_dma2 semaphore(%arg21 : memref<!tpu.dma_semaphore, #tpu.memory_space<semaphore_mem>>) src(%arg6 : memref<64x128xf32, #tpu.memory_space<hbm>>) dst(%dma_wait3A_1520 : memref<64x128xf32, #tpu.memory_space<vmem>>)
      %add3A_1521 = arith.constant 6 : i32
      %add3A_1522 = arith.addi %mul3A_556, %add3A_1521 : i32
      %add3A_1523 = arith.constant 0 : i32
      %add3A_1524 = arith.addi %add3A_1522, %add3A_1523 : i32
      %slice3A_1525 = vector.extract_strided_slice %get3A_558 {offsets = [6], sizes = [1], strides = [1]} : vector<16xi32> to vector<1xi32>
      %squeeze3A_1526 = vector.extract %slice3A_1525[0] : i32 from vector<1xi32>
      %jit3A_1527 = arith.constant 128 : i32
      %eq3A_1528 = arith.constant 0 : i32
      %eq3A_1529 = arith.cmpi eq, %jit3A_1527, %eq3A_1528 : i32
      %jit3A_1530 = arith.constant 1 : i32
      %select_n3A_1531 = arith.select %eq3A_1529, %jit3A_1530, %jit3A_1527 : i32
      %rem3A_1532 = arith.remsi %squeeze3A_1526, %select_n3A_1531 : i32
      %ne3A_1533 = arith.constant 0 : i32
      %ne3A_1534 = arith.cmpi ne, %rem3A_1532, %ne3A_1533 : i32
      %lt3A_1535 = arith.constant 0 : i32
      %lt3A_1536 = arith.cmpi slt, %rem3A_1532, %lt3A_1535 : i32
      %lt3A_1537 = arith.constant 0 : i32
      %lt3A_1538 = arith.cmpi slt, %select_n3A_1531, %lt3A_1537 : i32
      %ne3A_1539 = arith.xori %lt3A_1536, %lt3A_1538 : i1
      %and3A_1540 = arith.andi %ne3A_1539, %ne3A_1534 : i1
      %add3A_1541 = arith.addi %rem3A_1532, %select_n3A_1531 : i32
      %select_n3A_1542 = arith.select %and3A_1540, %add3A_1541, %rem3A_1532 : i32
      %broadcast_in_dim3A_1543 = vector.broadcast %select_n3A_1542 : i32 to vector<16xi32>
      %slice3A_1544 = vector.extract_strided_slice %get3A_560 {offsets = [6], sizes = [1], strides = [1]} : vector<16xi32> to vector<1xi32>
      %squeeze3A_1545 = vector.extract %slice3A_1544[0] : i32 from vector<1xi32>
      %jit3A_1546 = arith.constant 128 : i32
      %eq3A_1547 = arith.constant 0 : i32
      %eq3A_1548 = arith.cmpi eq, %jit3A_1546, %eq3A_1547 : i32
      %jit3A_1549 = arith.constant 1 : i32
      %select_n3A_1550 = arith.select %eq3A_1548, %jit3A_1549, %jit3A_1546 : i32
      %rem3A_1551 = arith.remsi %squeeze3A_1545, %select_n3A_1550 : i32
      %ne3A_1552 = arith.constant 0 : i32
      %ne3A_1553 = arith.cmpi ne, %rem3A_1551, %ne3A_1552 : i32
      %lt3A_1554 = arith.constant 0 : i32
      %lt3A_1555 = arith.cmpi slt, %rem3A_1551, %lt3A_1554 : i32
      %lt3A_1556 = arith.constant 0 : i32
      %lt3A_1557 = arith.cmpi slt, %select_n3A_1550, %lt3A_1556 : i32
      %ne3A_1558 = arith.xori %lt3A_1555, %lt3A_1557 : i1
      %and3A_1559 = arith.andi %ne3A_1558, %ne3A_1553 : i1
      %add3A_1560 = arith.addi %rem3A_1551, %select_n3A_1550 : i32
      %select_n3A_1561 = arith.select %and3A_1559, %add3A_1560, %rem3A_1551 : i32
      %broadcast_in_dim3A_1562 = vector.broadcast %select_n3A_1561 : i32 to vector<16xi32>
      %broadcast_in_dim3A_1563 = vector.broadcast %add3A_1524 : i32 to vector<16xi32>
      %gather3A_1564 = tpu.vector_load_idx %arg10[%add3A_26, %broadcast_in_dim3A_1543] : memref<256x128xf32, #tpu.memory_space<vmem>>[vector<16xi32>, vector<16xi32>], vector<16xf32>,
      %gather3A_1565 = tpu.vector_load_idx %arg10[%add3A_50, %broadcast_in_dim3A_1543] : memref<256x128xf32, #tpu.memory_space<vmem>>[vector<16xi32>, vector<16xi32>], vector<16xf32>,
      %gather3A_1566 = tpu.vector_load_idx %arg11[%add3A_26, %broadcast_in_dim3A_1562] : memref<256x128xf32, #tpu.memory_space<vmem>>[vector<16xi32>, vector<16xi32>], vector<16xf32>,
      %gather3A_1567 = tpu.vector_load_idx %arg11[%add3A_50, %broadcast_in_dim3A_1562] : memref<256x128xf32, #tpu.memory_space<vmem>>[vector<16xi32>, vector<16xi32>], vector<16xf32>,
      tpu.vector_store_idx %arg12[%iota3A, %broadcast_in_dim3A_1563], %gather3A_1564 : memref<32x512xf32, #tpu.memory_space<vmem>>[vector<16xi32>, vector<16xi32>], vector<16xf32>,
      tpu.vector_store_idx %arg12[%add3A_5, %broadcast_in_dim3A_1563], %gather3A_1565 : memref<32x512xf32, #tpu.memory_space<vmem>>[vector<16xi32>, vector<16xi32>], vector<16xf32>,
      tpu.vector_store_idx %arg13[%iota3A, %broadcast_in_dim3A_1563], %gather3A_1566 : memref<32x512xf32, #tpu.memory_space<vmem>>[vector<16xi32>, vector<16xi32>], vector<16xf32>,
      tpu.vector_store_idx %arg13[%add3A_5, %broadcast_in_dim3A_1563], %gather3A_1567 : memref<32x512xf32, #tpu.memory_space<vmem>>[vector<16xi32>, vector<16xi32>], vector<16xf32>,
      %add3A_1568 = arith.constant 6 : i32
      %add3A_1569 = arith.addi %mul3A_556, %add3A_1568 : i32
      %add3A_1570 = arith.constant 1 : i32
      %add3A_1571 = arith.addi %add3A_1569, %add3A_1570 : i32
      %slice3A_1572 = vector.extract_strided_slice %get3A_558 {offsets = [7], sizes = [1], strides = [1]} : vector<16xi32> to vector<1xi32>
      %squeeze3A_1573 = vector.extract %slice3A_1572[0] : i32 from vector<1xi32>
      %jit3A_1574 = arith.constant 128 : i32
      %eq3A_1575 = arith.constant 0 : i32
      %eq3A_1576 = arith.cmpi eq, %jit3A_1574, %eq3A_1575 : i32
      %jit3A_1577 = arith.constant 1 : i32
      %select_n3A_1578 = arith.select %eq3A_1576, %jit3A_1577, %jit3A_1574 : i32
      %rem3A_1579 = arith.remsi %squeeze3A_1573, %select_n3A_1578 : i32
      %ne3A_1580 = arith.constant 0 : i32
      %ne3A_1581 = arith.cmpi ne, %rem3A_1579, %ne3A_1580 : i32
      %lt3A_1582 = arith.constant 0 : i32
      %lt3A_1583 = arith.cmpi slt, %rem3A_1579, %lt3A_1582 : i32
      %lt3A_1584 = arith.constant 0 : i32
      %lt3A_1585 = arith.cmpi slt, %select_n3A_1578, %lt3A_1584 : i32
      %ne3A_1586 = arith.xori %lt3A_1583, %lt3A_1585 : i1
      %and3A_1587 = arith.andi %ne3A_1586, %ne3A_1581 : i1
      %add3A_1588 = arith.addi %rem3A_1579, %select_n3A_1578 : i32
      %select_n3A_1589 = arith.select %and3A_1587, %add3A_1588, %rem3A_1579 : i32
      %broadcast_in_dim3A_1590 = vector.broadcast %select_n3A_1589 : i32 to vector<16xi32>
      %slice3A_1591 = vector.extract_strided_slice %get3A_560 {offsets = [7], sizes = [1], strides = [1]} : vector<16xi32> to vector<1xi32>
      %squeeze3A_1592 = vector.extract %slice3A_1591[0] : i32 from vector<1xi32>
      %jit3A_1593 = arith.constant 128 : i32
      %eq3A_1594 = arith.constant 0 : i32
      %eq3A_1595 = arith.cmpi eq, %jit3A_1593, %eq3A_1594 : i32
      %jit3A_1596 = arith.constant 1 : i32
      %select_n3A_1597 = arith.select %eq3A_1595, %jit3A_1596, %jit3A_1593 : i32
      %rem3A_1598 = arith.remsi %squeeze3A_1592, %select_n3A_1597 : i32
      %ne3A_1599 = arith.constant 0 : i32
      %ne3A_1600 = arith.cmpi ne, %rem3A_1598, %ne3A_1599 : i32
      %lt3A_1601 = arith.constant 0 : i32
      %lt3A_1602 = arith.cmpi slt, %rem3A_1598, %lt3A_1601 : i32
      %lt3A_1603 = arith.constant 0 : i32
      %lt3A_1604 = arith.cmpi slt, %select_n3A_1597, %lt3A_1603 : i32
      %ne3A_1605 = arith.xori %lt3A_1602, %lt3A_1604 : i1
      %and3A_1606 = arith.andi %ne3A_1605, %ne3A_1600 : i1
      %add3A_1607 = arith.addi %rem3A_1598, %select_n3A_1597 : i32
      %select_n3A_1608 = arith.select %and3A_1606, %add3A_1607, %rem3A_1598 : i32
      %broadcast_in_dim3A_1609 = vector.broadcast %select_n3A_1608 : i32 to vector<16xi32>
      %broadcast_in_dim3A_1610 = vector.broadcast %add3A_1571 : i32 to vector<16xi32>
      %gather3A_1611 = tpu.vector_load_idx %arg10[%add3A_29, %broadcast_in_dim3A_1590] : memref<256x128xf32, #tpu.memory_space<vmem>>[vector<16xi32>, vector<16xi32>], vector<16xf32>,
      %gather3A_1612 = tpu.vector_load_idx %arg10[%add3A_53, %broadcast_in_dim3A_1590] : memref<256x128xf32, #tpu.memory_space<vmem>>[vector<16xi32>, vector<16xi32>], vector<16xf32>,
      %gather3A_1613 = tpu.vector_load_idx %arg11[%add3A_29, %broadcast_in_dim3A_1609] : memref<256x128xf32, #tpu.memory_space<vmem>>[vector<16xi32>, vector<16xi32>], vector<16xf32>,
      %gather3A_1614 = tpu.vector_load_idx %arg11[%add3A_53, %broadcast_in_dim3A_1609] : memref<256x128xf32, #tpu.memory_space<vmem>>[vector<16xi32>, vector<16xi32>], vector<16xf32>,
      tpu.vector_store_idx %arg12[%iota3A, %broadcast_in_dim3A_1610], %gather3A_1611 : memref<32x512xf32, #tpu.memory_space<vmem>>[vector<16xi32>, vector<16xi32>], vector<16xf32>,
      tpu.vector_store_idx %arg12[%add3A_5, %broadcast_in_dim3A_1610], %gather3A_1612 : memref<32x512xf32, #tpu.memory_space<vmem>>[vector<16xi32>, vector<16xi32>], vector<16xf32>,
      tpu.vector_store_idx %arg13[%iota3A, %broadcast_in_dim3A_1610], %gather3A_1613 : memref<32x512xf32, #tpu.memory_space<vmem>>[vector<16xi32>, vector<16xi32>], vector<16xf32>,
      tpu.vector_store_idx %arg13[%add3A_5, %broadcast_in_dim3A_1610], %gather3A_1614 : memref<32x512xf32, #tpu.memory_space<vmem>>[vector<16xi32>, vector<16xi32>], vector<16xf32>,
      %slice3A_1615 = vector.extract_strided_slice %get3A_558 {offsets = [14], sizes = [1], strides = [1]} : vector<16xi32> to vector<1xi32>
      %squeeze3A_1616 = vector.extract %slice3A_1615[0] : i32 from vector<1xi32>
      %slice3A_1617 = vector.extract_strided_slice %get3A_560 {offsets = [14], sizes = [1], strides = [1]} : vector<16xi32> to vector<1xi32>
      %squeeze3A_1618 = vector.extract %slice3A_1617[0] : i32 from vector<1xi32>
      %jit3A_1619 = arith.constant 128 : i32
      %div3A_1620 = arith.divsi %squeeze3A_1616, %jit3A_1619 : i32
      %sign3A_1621 = arith.constant 0 : i32
      %sign3A_1622 = arith.cmpi sgt, %squeeze3A_1616, %sign3A_1621 : i32
      %sign3A_1623 = arith.extui %sign3A_1622 : i1 to i32
      %sign3A_1624 = arith.constant 0 : i32
      %sign3A_1625 = arith.cmpi slt, %squeeze3A_1616, %sign3A_1624 : i32
      %sign3A_1626 = arith.extui %sign3A_1625 : i1 to i32
      %sign3A_1627 = arith.subi %sign3A_1623, %sign3A_1626 : i32
      %sign3A_1628 = arith.constant 0 : i32
      %sign3A_1629 = arith.cmpi sgt, %jit3A_1619, %sign3A_1628 : i32
      %sign3A_1630 = arith.extui %sign3A_1629 : i1 to i32
      %sign3A_1631 = arith.constant 0 : i32
      %sign3A_1632 = arith.cmpi slt, %jit3A_1619, %sign3A_1631 : i32
      %sign3A_1633 = arith.extui %sign3A_1632 : i1 to i32
      %sign3A_1634 = arith.subi %sign3A_1630, %sign3A_1633 : i32
      %ne3A_1635 = arith.cmpi ne, %sign3A_1627, %sign3A_1634 : i32
      %rem3A_1636 = arith.remsi %squeeze3A_1616, %jit3A_1619 : i32
      %ne3A_1637 = arith.constant 0 : i32
      %ne3A_1638 = arith.cmpi ne, %rem3A_1636, %ne3A_1637 : i32
      %and3A_1639 = arith.andi %ne3A_1635, %ne3A_1638 : i1
      %sub3A_1640 = arith.constant 1 : i32
      %sub3A_1641 = arith.subi %div3A_1620, %sub3A_1640 : i32
      %select_n3A_1642 = arith.select %and3A_1639, %sub3A_1641, %div3A_1620 : i32
      %mul3A_1643 = arith.constant 128 : i32
      %mul3A_1644 = arith.muli %select_n3A_1642, %mul3A_1643 : i32
      %multiple_of3A_1645 = tpu.assume_multiple %mul3A_1644, 128 : i32
      %jit3A_1646 = arith.constant 128 : i32
      %div3A_1647 = arith.divsi %squeeze3A_1618, %jit3A_1646 : i32
      %sign3A_1648 = arith.constant 0 : i32
      %sign3A_1649 = arith.cmpi sgt, %squeeze3A_1618, %sign3A_1648 : i32
      %sign3A_1650 = arith.extui %sign3A_1649 : i1 to i32
      %sign3A_1651 = arith.constant 0 : i32
      %sign3A_1652 = arith.cmpi slt, %squeeze3A_1618, %sign3A_1651 : i32
      %sign3A_1653 = arith.extui %sign3A_1652 : i1 to i32
      %sign3A_1654 = arith.subi %sign3A_1650, %sign3A_1653 : i32
      %sign3A_1655 = arith.constant 0 : i32
      %sign3A_1656 = arith.cmpi sgt, %jit3A_1646, %sign3A_1655 : i32
      %sign3A_1657 = arith.extui %sign3A_1656 : i1 to i32
      %sign3A_1658 = arith.constant 0 : i32
      %sign3A_1659 = arith.cmpi slt, %jit3A_1646, %sign3A_1658 : i32
      %sign3A_1660 = arith.extui %sign3A_1659 : i1 to i32
      %sign3A_1661 = arith.subi %sign3A_1657, %sign3A_1660 : i32
      %ne3A_1662 = arith.cmpi ne, %sign3A_1654, %sign3A_1661 : i32
      %rem3A_1663 = arith.remsi %squeeze3A_1618, %jit3A_1646 : i32
      %ne3A_1664 = arith.constant 0 : i32
      %ne3A_1665 = arith.cmpi ne, %rem3A_1663, %ne3A_1664 : i32
      %and3A_1666 = arith.andi %ne3A_1662, %ne3A_1665 : i1
      %sub3A_1667 = arith.constant 1 : i32
      %sub3A_1668 = arith.subi %div3A_1647, %sub3A_1667 : i32
      %select_n3A_1669 = arith.select %and3A_1666, %sub3A_1668, %div3A_1647 : i32
      %mul3A_1670 = arith.constant 128 : i32
      %mul3A_1671 = arith.muli %select_n3A_1669, %mul3A_1670 : i32
      %multiple_of3A_1672 = tpu.assume_multiple %mul3A_1671, 128 : i32
      %dma_start3A_1673 = arith.constant 192 : i32
      %dma_start3A_1674 = arith.constant 0 : i32
      %dma_start3A_1675 = tpu.memref_slice %arg10[%dma_start3A_1673, %dma_start3A_1674] : memref<256x128xf32, #tpu.memory_space<vmem>> -> memref<32x128xf32, #tpu.memory_space<vmem>>
      %dma_start3A_1676 = arith.constant 0 : i32
      %dma_start3A_1677 = tpu.memref_slice %arg4[%dma_start3A_1676, %multiple_of3A_1645] : memref<32x1000000xf32, #tpu.memory_space<hbm>> -> memref<32x128xf32, #tpu.memory_space<hbm>>
      %dma_start3A_1678 = arith.constant 192 : i32
      %dma_start3A_1679 = arith.constant 0 : i32
      %dma_start3A_1680 = tpu.memref_slice %arg10[%dma_start3A_1678, %dma_start3A_1679] : memref<256x128xf32, #tpu.memory_space<vmem>> -> memref<32x128xf32, #tpu.memory_space<vmem>>
      %dma_start3A_1681 = arith.constant 0 : i32
      %dma_start3A_1682 = tpu.memref_slice %arg4[%dma_start3A_1681, %multiple_of3A_1645] : memref<32x1000000xf32, #tpu.memory_space<hbm>> -> memref<32x128xf32, #tpu.memory_space<hbm>>
      tpu.enqueue_dma source(%dma_start3A_1682 : memref<32x128xf32, #tpu.memory_space<hbm>>) target(%dma_start3A_1680 : memref<32x128xf32, #tpu.memory_space<vmem>>) target_semaphore(%arg17 : memref<!tpu.dma_semaphore, #tpu.memory_space<semaphore_mem>>)
      %dma_start3A_1683 = arith.constant 192 : i32
      %dma_start3A_1684 = arith.constant 0 : i32
      %dma_start3A_1685 = tpu.memref_slice %arg11[%dma_start3A_1683, %dma_start3A_1684] : memref<256x128xf32, #tpu.memory_space<vmem>> -> memref<32x128xf32, #tpu.memory_space<vmem>>
      %dma_start3A_1686 = arith.constant 0 : i32
      %dma_start3A_1687 = tpu.memref_slice %arg5[%dma_start3A_1686, %multiple_of3A_1672] : memref<32x1000001xf32, #tpu.memory_space<hbm>> -> memref<32x128xf32, #tpu.memory_space<hbm>>
      %dma_start3A_1688 = arith.constant 192 : i32
      %dma_start3A_1689 = arith.constant 0 : i32
      %dma_start3A_1690 = tpu.memref_slice %arg11[%dma_start3A_1688, %dma_start3A_1689] : memref<256x128xf32, #tpu.memory_space<vmem>> -> memref<32x128xf32, #tpu.memory_space<vmem>>
      %dma_start3A_1691 = arith.constant 0 : i32
      %dma_start3A_1692 = tpu.memref_slice %arg5[%dma_start3A_1691, %multiple_of3A_1672] : memref<32x1000001xf32, #tpu.memory_space<hbm>> -> memref<32x128xf32, #tpu.memory_space<hbm>>
      tpu.enqueue_dma source(%dma_start3A_1692 : memref<32x128xf32, #tpu.memory_space<hbm>>) target(%dma_start3A_1690 : memref<32x128xf32, #tpu.memory_space<vmem>>) target_semaphore(%arg21 : memref<!tpu.dma_semaphore, #tpu.memory_space<semaphore_mem>>)
      %slice3A_1693 = vector.extract_strided_slice %get3A_558 {offsets = [15], sizes = [1], strides = [1]} : vector<16xi32> to vector<1xi32>
      %squeeze3A_1694 = vector.extract %slice3A_1693[0] : i32 from vector<1xi32>
      %slice3A_1695 = vector.extract_strided_slice %get3A_560 {offsets = [15], sizes = [1], strides = [1]} : vector<16xi32> to vector<1xi32>
      %squeeze3A_1696 = vector.extract %slice3A_1695[0] : i32 from vector<1xi32>
      %jit3A_1697 = arith.constant 128 : i32
      %div3A_1698 = arith.divsi %squeeze3A_1694, %jit3A_1697 : i32
      %sign3A_1699 = arith.constant 0 : i32
      %sign3A_1700 = arith.cmpi sgt, %squeeze3A_1694, %sign3A_1699 : i32
      %sign3A_1701 = arith.extui %sign3A_1700 : i1 to i32
      %sign3A_1702 = arith.constant 0 : i32
      %sign3A_1703 = arith.cmpi slt, %squeeze3A_1694, %sign3A_1702 : i32
      %sign3A_1704 = arith.extui %sign3A_1703 : i1 to i32
      %sign3A_1705 = arith.subi %sign3A_1701, %sign3A_1704 : i32
      %sign3A_1706 = arith.constant 0 : i32
      %sign3A_1707 = arith.cmpi sgt, %jit3A_1697, %sign3A_1706 : i32
      %sign3A_1708 = arith.extui %sign3A_1707 : i1 to i32
      %sign3A_1709 = arith.constant 0 : i32
      %sign3A_1710 = arith.cmpi slt, %jit3A_1697, %sign3A_1709 : i32
      %sign3A_1711 = arith.extui %sign3A_1710 : i1 to i32
      %sign3A_1712 = arith.subi %sign3A_1708, %sign3A_1711 : i32
      %ne3A_1713 = arith.cmpi ne, %sign3A_1705, %sign3A_1712 : i32
      %rem3A_1714 = arith.remsi %squeeze3A_1694, %jit3A_1697 : i32
      %ne3A_1715 = arith.constant 0 : i32
      %ne3A_1716 = arith.cmpi ne, %rem3A_1714, %ne3A_1715 : i32
      %and3A_1717 = arith.andi %ne3A_1713, %ne3A_1716 : i1
      %sub3A_1718 = arith.constant 1 : i32
      %sub3A_1719 = arith.subi %div3A_1698, %sub3A_1718 : i32
      %select_n3A_1720 = arith.select %and3A_1717, %sub3A_1719, %div3A_1698 : i32
      %mul3A_1721 = arith.constant 128 : i32
      %mul3A_1722 = arith.muli %select_n3A_1720, %mul3A_1721 : i32
      %multiple_of3A_1723 = tpu.assume_multiple %mul3A_1722, 128 : i32
      %jit3A_1724 = arith.constant 128 : i32
      %div3A_1725 = arith.divsi %squeeze3A_1696, %jit3A_1724 : i32
      %sign3A_1726 = arith.constant 0 : i32
      %sign3A_1727 = arith.cmpi sgt, %squeeze3A_1696, %sign3A_1726 : i32
      %sign3A_1728 = arith.extui %sign3A_1727 : i1 to i32
      %sign3A_1729 = arith.constant 0 : i32
      %sign3A_1730 = arith.cmpi slt, %squeeze3A_1696, %sign3A_1729 : i32
      %sign3A_1731 = arith.extui %sign3A_1730 : i1 to i32
      %sign3A_1732 = arith.subi %sign3A_1728, %sign3A_1731 : i32
      %sign3A_1733 = arith.constant 0 : i32
      %sign3A_1734 = arith.cmpi sgt, %jit3A_1724, %sign3A_1733 : i32
      %sign3A_1735 = arith.extui %sign3A_1734 : i1 to i32
      %sign3A_1736 = arith.constant 0 : i32
      %sign3A_1737 = arith.cmpi slt, %jit3A_1724, %sign3A_1736 : i32
      %sign3A_1738 = arith.extui %sign3A_1737 : i1 to i32
      %sign3A_1739 = arith.subi %sign3A_1735, %sign3A_1738 : i32
      %ne3A_1740 = arith.cmpi ne, %sign3A_1732, %sign3A_1739 : i32
      %rem3A_1741 = arith.remsi %squeeze3A_1696, %jit3A_1724 : i32
      %ne3A_1742 = arith.constant 0 : i32
      %ne3A_1743 = arith.cmpi ne, %rem3A_1741, %ne3A_1742 : i32
      %and3A_1744 = arith.andi %ne3A_1740, %ne3A_1743 : i1
      %sub3A_1745 = arith.constant 1 : i32
      %sub3A_1746 = arith.subi %div3A_1725, %sub3A_1745 : i32
      %select_n3A_1747 = arith.select %and3A_1744, %sub3A_1746, %div3A_1725 : i32
      %mul3A_1748 = arith.constant 128 : i32
      %mul3A_1749 = arith.muli %select_n3A_1747, %mul3A_1748 : i32
      %multiple_of3A_1750 = tpu.assume_multiple %mul3A_1749, 128 : i32
      %dma_start3A_1751 = arith.constant 224 : i32
      %dma_start3A_1752 = arith.constant 0 : i32
      %dma_start3A_1753 = tpu.memref_slice %arg10[%dma_start3A_1751, %dma_start3A_1752] : memref<256x128xf32, #tpu.memory_space<vmem>> -> memref<32x128xf32, #tpu.memory_space<vmem>>
      %dma_start3A_1754 = arith.constant 0 : i32
      %dma_start3A_1755 = tpu.memref_slice %arg4[%dma_start3A_1754, %multiple_of3A_1723] : memref<32x1000000xf32, #tpu.memory_space<hbm>> -> memref<32x128xf32, #tpu.memory_space<hbm>>
      %dma_start3A_1756 = arith.constant 224 : i32
      %dma_start3A_1757 = arith.constant 0 : i32
      %dma_start3A_1758 = tpu.memref_slice %arg10[%dma_start3A_1756, %dma_start3A_1757] : memref<256x128xf32, #tpu.memory_space<vmem>> -> memref<32x128xf32, #tpu.memory_space<vmem>>
      %dma_start3A_1759 = arith.constant 0 : i32
      %dma_start3A_1760 = tpu.memref_slice %arg4[%dma_start3A_1759, %multiple_of3A_1723] : memref<32x1000000xf32, #tpu.memory_space<hbm>> -> memref<32x128xf32, #tpu.memory_space<hbm>>
      tpu.enqueue_dma source(%dma_start3A_1760 : memref<32x128xf32, #tpu.memory_space<hbm>>) target(%dma_start3A_1758 : memref<32x128xf32, #tpu.memory_space<vmem>>) target_semaphore(%arg17 : memref<!tpu.dma_semaphore, #tpu.memory_space<semaphore_mem>>)
      %dma_start3A_1761 = arith.constant 224 : i32
      %dma_start3A_1762 = arith.constant 0 : i32
      %dma_start3A_1763 = tpu.memref_slice %arg11[%dma_start3A_1761, %dma_start3A_1762] : memref<256x128xf32, #tpu.memory_space<vmem>> -> memref<32x128xf32, #tpu.memory_space<vmem>>
      %dma_start3A_1764 = arith.constant 0 : i32
      %dma_start3A_1765 = tpu.memref_slice %arg5[%dma_start3A_1764, %multiple_of3A_1750] : memref<32x1000001xf32, #tpu.memory_space<hbm>> -> memref<32x128xf32, #tpu.memory_space<hbm>>
      %dma_start3A_1766 = arith.constant 224 : i32
      %dma_start3A_1767 = arith.constant 0 : i32
      %dma_start3A_1768 = tpu.memref_slice %arg11[%dma_start3A_1766, %dma_start3A_1767] : memref<256x128xf32, #tpu.memory_space<vmem>> -> memref<32x128xf32, #tpu.memory_space<vmem>>
      %dma_start3A_1769 = arith.constant 0 : i32
      %dma_start3A_1770 = tpu.memref_slice %arg5[%dma_start3A_1769, %multiple_of3A_1750] : memref<32x1000001xf32, #tpu.memory_space<hbm>> -> memref<32x128xf32, #tpu.memory_space<hbm>>
      tpu.enqueue_dma source(%dma_start3A_1770 : memref<32x128xf32, #tpu.memory_space<hbm>>) target(%dma_start3A_1768 : memref<32x128xf32, #tpu.memory_space<vmem>>) target_semaphore(%arg21 : memref<!tpu.dma_semaphore, #tpu.memory_space<semaphore_mem>>)
      %dma_wait3A_1771 = arith.constant 0 : i32
      %dma_wait3A_1772 = arith.constant 0 : i32
      %dma_wait3A_1773 = tpu.memref_slice %arg10[%dma_wait3A_1771, %dma_wait3A_1772] : memref<256x128xf32, #tpu.memory_space<vmem>> -> memref<64x128xf32, #tpu.memory_space<vmem>>
      %dma_wait3A_1774 = arith.constant 0 : i32
      %dma_wait3A_1775 = arith.constant 0 : i32
      %dma_wait3A_1776 = tpu.memref_slice %arg10[%dma_wait3A_1774, %dma_wait3A_1775] : memref<256x128xf32, #tpu.memory_space<vmem>> -> memref<64x128xf32, #tpu.memory_space<vmem>>
      tpu.wait_dma2 semaphore(%arg14 : memref<!tpu.dma_semaphore, #tpu.memory_space<semaphore_mem>>) src(%arg6 : memref<64x128xf32, #tpu.memory_space<hbm>>) dst(%dma_wait3A_1776 : memref<64x128xf32, #tpu.memory_space<vmem>>)
      %dma_wait3A_1777 = arith.constant 0 : i32
      %dma_wait3A_1778 = arith.constant 0 : i32
      %dma_wait3A_1779 = tpu.memref_slice %arg11[%dma_wait3A_1777, %dma_wait3A_1778] : memref<256x128xf32, #tpu.memory_space<vmem>> -> memref<64x128xf32, #tpu.memory_space<vmem>>
      %dma_wait3A_1780 = arith.constant 0 : i32
      %dma_wait3A_1781 = arith.constant 0 : i32
      %dma_wait3A_1782 = tpu.memref_slice %arg11[%dma_wait3A_1780, %dma_wait3A_1781] : memref<256x128xf32, #tpu.memory_space<vmem>> -> memref<64x128xf32, #tpu.memory_space<vmem>>
      tpu.wait_dma2 semaphore(%arg18 : memref<!tpu.dma_semaphore, #tpu.memory_space<semaphore_mem>>) src(%arg6 : memref<64x128xf32, #tpu.memory_space<hbm>>) dst(%dma_wait3A_1782 : memref<64x128xf32, #tpu.memory_space<vmem>>)
      %add3A_1783 = arith.constant 8 : i32
      %add3A_1784 = arith.addi %mul3A_556, %add3A_1783 : i32
      %add3A_1785 = arith.constant 0 : i32
      %add3A_1786 = arith.addi %add3A_1784, %add3A_1785 : i32
      %slice3A_1787 = vector.extract_strided_slice %get3A_558 {offsets = [8], sizes = [1], strides = [1]} : vector<16xi32> to vector<1xi32>
      %squeeze3A_1788 = vector.extract %slice3A_1787[0] : i32 from vector<1xi32>
      %jit3A_1789 = arith.constant 128 : i32
      %eq3A_1790 = arith.constant 0 : i32
      %eq3A_1791 = arith.cmpi eq, %jit3A_1789, %eq3A_1790 : i32
      %jit3A_1792 = arith.constant 1 : i32
      %select_n3A_1793 = arith.select %eq3A_1791, %jit3A_1792, %jit3A_1789 : i32
      %rem3A_1794 = arith.remsi %squeeze3A_1788, %select_n3A_1793 : i32
      %ne3A_1795 = arith.constant 0 : i32
      %ne3A_1796 = arith.cmpi ne, %rem3A_1794, %ne3A_1795 : i32
      %lt3A_1797 = arith.constant 0 : i32
      %lt3A_1798 = arith.cmpi slt, %rem3A_1794, %lt3A_1797 : i32
      %lt3A_1799 = arith.constant 0 : i32
      %lt3A_1800 = arith.cmpi slt, %select_n3A_1793, %lt3A_1799 : i32
      %ne3A_1801 = arith.xori %lt3A_1798, %lt3A_1800 : i1
      %and3A_1802 = arith.andi %ne3A_1801, %ne3A_1796 : i1
      %add3A_1803 = arith.addi %rem3A_1794, %select_n3A_1793 : i32
      %select_n3A_1804 = arith.select %and3A_1802, %add3A_1803, %rem3A_1794 : i32
      %broadcast_in_dim3A_1805 = vector.broadcast %select_n3A_1804 : i32 to vector<16xi32>
      %slice3A_1806 = vector.extract_strided_slice %get3A_560 {offsets = [8], sizes = [1], strides = [1]} : vector<16xi32> to vector<1xi32>
      %squeeze3A_1807 = vector.extract %slice3A_1806[0] : i32 from vector<1xi32>
      %jit3A_1808 = arith.constant 128 : i32
      %eq3A_1809 = arith.constant 0 : i32
      %eq3A_1810 = arith.cmpi eq, %jit3A_1808, %eq3A_1809 : i32
      %jit3A_1811 = arith.constant 1 : i32
      %select_n3A_1812 = arith.select %eq3A_1810, %jit3A_1811, %jit3A_1808 : i32
      %rem3A_1813 = arith.remsi %squeeze3A_1807, %select_n3A_1812 : i32
      %ne3A_1814 = arith.constant 0 : i32
      %ne3A_1815 = arith.cmpi ne, %rem3A_1813, %ne3A_1814 : i32
      %lt3A_1816 = arith.constant 0 : i32
      %lt3A_1817 = arith.cmpi slt, %rem3A_1813, %lt3A_1816 : i32
      %lt3A_1818 = arith.constant 0 : i32
      %lt3A_1819 = arith.cmpi slt, %select_n3A_1812, %lt3A_1818 : i32
      %ne3A_1820 = arith.xori %lt3A_1817, %lt3A_1819 : i1
      %and3A_1821 = arith.andi %ne3A_1820, %ne3A_1815 : i1
      %add3A_1822 = arith.addi %rem3A_1813, %select_n3A_1812 : i32
      %select_n3A_1823 = arith.select %and3A_1821, %add3A_1822, %rem3A_1813 : i32
      %broadcast_in_dim3A_1824 = vector.broadcast %select_n3A_1823 : i32 to vector<16xi32>
      %broadcast_in_dim3A_1825 = vector.broadcast %add3A_1786 : i32 to vector<16xi32>
      %gather3A_1826 = tpu.vector_load_idx %arg10[%add3A_8, %broadcast_in_dim3A_1805] : memref<256x128xf32, #tpu.memory_space<vmem>>[vector<16xi32>, vector<16xi32>], vector<16xf32>,
      %gather3A_1827 = tpu.vector_load_idx %arg10[%add3A_32, %broadcast_in_dim3A_1805] : memref<256x128xf32, #tpu.memory_space<vmem>>[vector<16xi32>, vector<16xi32>], vector<16xf32>,
      %gather3A_1828 = tpu.vector_load_idx %arg11[%add3A_8, %broadcast_in_dim3A_1824] : memref<256x128xf32, #tpu.memory_space<vmem>>[vector<16xi32>, vector<16xi32>], vector<16xf32>,
      %gather3A_1829 = tpu.vector_load_idx %arg11[%add3A_32, %broadcast_in_dim3A_1824] : memref<256x128xf32, #tpu.memory_space<vmem>>[vector<16xi32>, vector<16xi32>], vector<16xf32>,
      tpu.vector_store_idx %arg12[%iota3A, %broadcast_in_dim3A_1825], %gather3A_1826 : memref<32x512xf32, #tpu.memory_space<vmem>>[vector<16xi32>, vector<16xi32>], vector<16xf32>,
      tpu.vector_store_idx %arg12[%add3A_5, %broadcast_in_dim3A_1825], %gather3A_1827 : memref<32x512xf32, #tpu.memory_space<vmem>>[vector<16xi32>, vector<16xi32>], vector<16xf32>,
      tpu.vector_store_idx %arg13[%iota3A, %broadcast_in_dim3A_1825], %gather3A_1828 : memref<32x512xf32, #tpu.memory_space<vmem>>[vector<16xi32>, vector<16xi32>], vector<16xf32>,
      tpu.vector_store_idx %arg13[%add3A_5, %broadcast_in_dim3A_1825], %gather3A_1829 : memref<32x512xf32, #tpu.memory_space<vmem>>[vector<16xi32>, vector<16xi32>], vector<16xf32>,
      %add3A_1830 = arith.constant 8 : i32
      %add3A_1831 = arith.addi %mul3A_556, %add3A_1830 : i32
      %add3A_1832 = arith.constant 1 : i32
      %add3A_1833 = arith.addi %add3A_1831, %add3A_1832 : i32
      %slice3A_1834 = vector.extract_strided_slice %get3A_558 {offsets = [9], sizes = [1], strides = [1]} : vector<16xi32> to vector<1xi32>
      %squeeze3A_1835 = vector.extract %slice3A_1834[0] : i32 from vector<1xi32>
      %jit3A_1836 = arith.constant 128 : i32
      %eq3A_1837 = arith.constant 0 : i32
      %eq3A_1838 = arith.cmpi eq, %jit3A_1836, %eq3A_1837 : i32
      %jit3A_1839 = arith.constant 1 : i32
      %select_n3A_1840 = arith.select %eq3A_1838, %jit3A_1839, %jit3A_1836 : i32
      %rem3A_1841 = arith.remsi %squeeze3A_1835, %select_n3A_1840 : i32
      %ne3A_1842 = arith.constant 0 : i32
      %ne3A_1843 = arith.cmpi ne, %rem3A_1841, %ne3A_1842 : i32
      %lt3A_1844 = arith.constant 0 : i32
      %lt3A_1845 = arith.cmpi slt, %rem3A_1841, %lt3A_1844 : i32
      %lt3A_1846 = arith.constant 0 : i32
      %lt3A_1847 = arith.cmpi slt, %select_n3A_1840, %lt3A_1846 : i32
      %ne3A_1848 = arith.xori %lt3A_1845, %lt3A_1847 : i1
      %and3A_1849 = arith.andi %ne3A_1848, %ne3A_1843 : i1
      %add3A_1850 = arith.addi %rem3A_1841, %select_n3A_1840 : i32
      %select_n3A_1851 = arith.select %and3A_1849, %add3A_1850, %rem3A_1841 : i32
      %broadcast_in_dim3A_1852 = vector.broadcast %select_n3A_1851 : i32 to vector<16xi32>
      %slice3A_1853 = vector.extract_strided_slice %get3A_560 {offsets = [9], sizes = [1], strides = [1]} : vector<16xi32> to vector<1xi32>
      %squeeze3A_1854 = vector.extract %slice3A_1853[0] : i32 from vector<1xi32>
      %jit3A_1855 = arith.constant 128 : i32
      %eq3A_1856 = arith.constant 0 : i32
      %eq3A_1857 = arith.cmpi eq, %jit3A_1855, %eq3A_1856 : i32
      %jit3A_1858 = arith.constant 1 : i32
      %select_n3A_1859 = arith.select %eq3A_1857, %jit3A_1858, %jit3A_1855 : i32
      %rem3A_1860 = arith.remsi %squeeze3A_1854, %select_n3A_1859 : i32
      %ne3A_1861 = arith.constant 0 : i32
      %ne3A_1862 = arith.cmpi ne, %rem3A_1860, %ne3A_1861 : i32
      %lt3A_1863 = arith.constant 0 : i32
      %lt3A_1864 = arith.cmpi slt, %rem3A_1860, %lt3A_1863 : i32
      %lt3A_1865 = arith.constant 0 : i32
      %lt3A_1866 = arith.cmpi slt, %select_n3A_1859, %lt3A_1865 : i32
      %ne3A_1867 = arith.xori %lt3A_1864, %lt3A_1866 : i1
      %and3A_1868 = arith.andi %ne3A_1867, %ne3A_1862 : i1
      %add3A_1869 = arith.addi %rem3A_1860, %select_n3A_1859 : i32
      %select_n3A_1870 = arith.select %and3A_1868, %add3A_1869, %rem3A_1860 : i32
      %broadcast_in_dim3A_1871 = vector.broadcast %select_n3A_1870 : i32 to vector<16xi32>
      %broadcast_in_dim3A_1872 = vector.broadcast %add3A_1833 : i32 to vector<16xi32>
      %gather3A_1873 = tpu.vector_load_idx %arg10[%add3A_11, %broadcast_in_dim3A_1852] : memref<256x128xf32, #tpu.memory_space<vmem>>[vector<16xi32>, vector<16xi32>], vector<16xf32>,
      %gather3A_1874 = tpu.vector_load_idx %arg10[%add3A_35, %broadcast_in_dim3A_1852] : memref<256x128xf32, #tpu.memory_space<vmem>>[vector<16xi32>, vector<16xi32>], vector<16xf32>,
      %gather3A_1875 = tpu.vector_load_idx %arg11[%add3A_11, %broadcast_in_dim3A_1871] : memref<256x128xf32, #tpu.memory_space<vmem>>[vector<16xi32>, vector<16xi32>], vector<16xf32>,
      %gather3A_1876 = tpu.vector_load_idx %arg11[%add3A_35, %broadcast_in_dim3A_1871] : memref<256x128xf32, #tpu.memory_space<vmem>>[vector<16xi32>, vector<16xi32>], vector<16xf32>,
      tpu.vector_store_idx %arg12[%iota3A, %broadcast_in_dim3A_1872], %gather3A_1873 : memref<32x512xf32, #tpu.memory_space<vmem>>[vector<16xi32>, vector<16xi32>], vector<16xf32>,
      tpu.vector_store_idx %arg12[%add3A_5, %broadcast_in_dim3A_1872], %gather3A_1874 : memref<32x512xf32, #tpu.memory_space<vmem>>[vector<16xi32>, vector<16xi32>], vector<16xf32>,
      tpu.vector_store_idx %arg13[%iota3A, %broadcast_in_dim3A_1872], %gather3A_1875 : memref<32x512xf32, #tpu.memory_space<vmem>>[vector<16xi32>, vector<16xi32>], vector<16xf32>,
      tpu.vector_store_idx %arg13[%add3A_5, %broadcast_in_dim3A_1872], %gather3A_1876 : memref<32x512xf32, #tpu.memory_space<vmem>>[vector<16xi32>, vector<16xi32>], vector<16xf32>,
      %slice3A_1877 = vector.extract_strided_slice %get3A_568 {offsets = [0], sizes = [1], strides = [1]} : vector<16xi32> to vector<1xi32>
      %squeeze3A_1878 = vector.extract %slice3A_1877[0] : i32 from vector<1xi32>
      %slice3A_1879 = vector.extract_strided_slice %get3A_570 {offsets = [0], sizes = [1], strides = [1]} : vector<16xi32> to vector<1xi32>
      %squeeze3A_1880 = vector.extract %slice3A_1879[0] : i32 from vector<1xi32>
      %jit3A_1881 = arith.constant 128 : i32
      %div3A_1882 = arith.divsi %squeeze3A_1878, %jit3A_1881 : i32
      %sign3A_1883 = arith.constant 0 : i32
      %sign3A_1884 = arith.cmpi sgt, %squeeze3A_1878, %sign3A_1883 : i32
      %sign3A_1885 = arith.extui %sign3A_1884 : i1 to i32
      %sign3A_1886 = arith.constant 0 : i32
      %sign3A_1887 = arith.cmpi slt, %squeeze3A_1878, %sign3A_1886 : i32
      %sign3A_1888 = arith.extui %sign3A_1887 : i1 to i32
      %sign3A_1889 = arith.subi %sign3A_1885, %sign3A_1888 : i32
      %sign3A_1890 = arith.constant 0 : i32
      %sign3A_1891 = arith.cmpi sgt, %jit3A_1881, %sign3A_1890 : i32
      %sign3A_1892 = arith.extui %sign3A_1891 : i1 to i32
      %sign3A_1893 = arith.constant 0 : i32
      %sign3A_1894 = arith.cmpi slt, %jit3A_1881, %sign3A_1893 : i32
      %sign3A_1895 = arith.extui %sign3A_1894 : i1 to i32
      %sign3A_1896 = arith.subi %sign3A_1892, %sign3A_1895 : i32
      %ne3A_1897 = arith.cmpi ne, %sign3A_1889, %sign3A_1896 : i32
      %rem3A_1898 = arith.remsi %squeeze3A_1878, %jit3A_1881 : i32
      %ne3A_1899 = arith.constant 0 : i32
      %ne3A_1900 = arith.cmpi ne, %rem3A_1898, %ne3A_1899 : i32
      %and3A_1901 = arith.andi %ne3A_1897, %ne3A_1900 : i1
      %sub3A_1902 = arith.constant 1 : i32
      %sub3A_1903 = arith.subi %div3A_1882, %sub3A_1902 : i32
      %select_n3A_1904 = arith.select %and3A_1901, %sub3A_1903, %div3A_1882 : i32
      %mul3A_1905 = arith.constant 128 : i32
      %mul3A_1906 = arith.muli %select_n3A_1904, %mul3A_1905 : i32
      %multiple_of3A_1907 = tpu.assume_multiple %mul3A_1906, 128 : i32
      %jit3A_1908 = arith.constant 128 : i32
      %div3A_1909 = arith.divsi %squeeze3A_1880, %jit3A_1908 : i32
      %sign3A_1910 = arith.constant 0 : i32
      %sign3A_1911 = arith.cmpi sgt, %squeeze3A_1880, %sign3A_1910 : i32
      %sign3A_1912 = arith.extui %sign3A_1911 : i1 to i32
      %sign3A_1913 = arith.constant 0 : i32
      %sign3A_1914 = arith.cmpi slt, %squeeze3A_1880, %sign3A_1913 : i32
      %sign3A_1915 = arith.extui %sign3A_1914 : i1 to i32
      %sign3A_1916 = arith.subi %sign3A_1912, %sign3A_1915 : i32
      %sign3A_1917 = arith.constant 0 : i32
      %sign3A_1918 = arith.cmpi sgt, %jit3A_1908, %sign3A_1917 : i32
      %sign3A_1919 = arith.extui %sign3A_1918 : i1 to i32
      %sign3A_1920 = arith.constant 0 : i32
      %sign3A_1921 = arith.cmpi slt, %jit3A_1908, %sign3A_1920 : i32
      %sign3A_1922 = arith.extui %sign3A_1921 : i1 to i32
      %sign3A_1923 = arith.subi %sign3A_1919, %sign3A_1922 : i32
      %ne3A_1924 = arith.cmpi ne, %sign3A_1916, %sign3A_1923 : i32
      %rem3A_1925 = arith.remsi %squeeze3A_1880, %jit3A_1908 : i32
      %ne3A_1926 = arith.constant 0 : i32
      %ne3A_1927 = arith.cmpi ne, %rem3A_1925, %ne3A_1926 : i32
      %and3A_1928 = arith.andi %ne3A_1924, %ne3A_1927 : i1
      %sub3A_1929 = arith.constant 1 : i32
      %sub3A_1930 = arith.subi %div3A_1909, %sub3A_1929 : i32
      %select_n3A_1931 = arith.select %and3A_1928, %sub3A_1930, %div3A_1909 : i32
      %mul3A_1932 = arith.constant 128 : i32
      %mul3A_1933 = arith.muli %select_n3A_1931, %mul3A_1932 : i32
      %multiple_of3A_1934 = tpu.assume_multiple %mul3A_1933, 128 : i32
      %dma_start3A_1935 = arith.constant 0 : i32
      %dma_start3A_1936 = arith.constant 0 : i32
      %dma_start3A_1937 = tpu.memref_slice %arg10[%dma_start3A_1935, %dma_start3A_1936] : memref<256x128xf32, #tpu.memory_space<vmem>> -> memref<32x128xf32, #tpu.memory_space<vmem>>
      %dma_start3A_1938 = arith.constant 0 : i32
      %dma_start3A_1939 = tpu.memref_slice %arg4[%dma_start3A_1938, %multiple_of3A_1907] : memref<32x1000000xf32, #tpu.memory_space<hbm>> -> memref<32x128xf32, #tpu.memory_space<hbm>>
      %dma_start3A_1940 = arith.constant 0 : i32
      %dma_start3A_1941 = arith.constant 0 : i32
      %dma_start3A_1942 = tpu.memref_slice %arg10[%dma_start3A_1940, %dma_start3A_1941] : memref<256x128xf32, #tpu.memory_space<vmem>> -> memref<32x128xf32, #tpu.memory_space<vmem>>
      %dma_start3A_1943 = arith.constant 0 : i32
      %dma_start3A_1944 = tpu.memref_slice %arg4[%dma_start3A_1943, %multiple_of3A_1907] : memref<32x1000000xf32, #tpu.memory_space<hbm>> -> memref<32x128xf32, #tpu.memory_space<hbm>>
      tpu.enqueue_dma source(%dma_start3A_1944 : memref<32x128xf32, #tpu.memory_space<hbm>>) target(%dma_start3A_1942 : memref<32x128xf32, #tpu.memory_space<vmem>>) target_semaphore(%arg14 : memref<!tpu.dma_semaphore, #tpu.memory_space<semaphore_mem>>)
      %dma_start3A_1945 = arith.constant 0 : i32
      %dma_start3A_1946 = arith.constant 0 : i32
      %dma_start3A_1947 = tpu.memref_slice %arg11[%dma_start3A_1945, %dma_start3A_1946] : memref<256x128xf32, #tpu.memory_space<vmem>> -> memref<32x128xf32, #tpu.memory_space<vmem>>
      %dma_start3A_1948 = arith.constant 0 : i32
      %dma_start3A_1949 = tpu.memref_slice %arg5[%dma_start3A_1948, %multiple_of3A_1934] : memref<32x1000001xf32, #tpu.memory_space<hbm>> -> memref<32x128xf32, #tpu.memory_space<hbm>>
      %dma_start3A_1950 = arith.constant 0 : i32
      %dma_start3A_1951 = arith.constant 0 : i32
      %dma_start3A_1952 = tpu.memref_slice %arg11[%dma_start3A_1950, %dma_start3A_1951] : memref<256x128xf32, #tpu.memory_space<vmem>> -> memref<32x128xf32, #tpu.memory_space<vmem>>
      %dma_start3A_1953 = arith.constant 0 : i32
      %dma_start3A_1954 = tpu.memref_slice %arg5[%dma_start3A_1953, %multiple_of3A_1934] : memref<32x1000001xf32, #tpu.memory_space<hbm>> -> memref<32x128xf32, #tpu.memory_space<hbm>>
      tpu.enqueue_dma source(%dma_start3A_1954 : memref<32x128xf32, #tpu.memory_space<hbm>>) target(%dma_start3A_1952 : memref<32x128xf32, #tpu.memory_space<vmem>>) target_semaphore(%arg18 : memref<!tpu.dma_semaphore, #tpu.memory_space<semaphore_mem>>)
      %slice3A_1955 = vector.extract_strided_slice %get3A_568 {offsets = [1], sizes = [1], strides = [1]} : vector<16xi32> to vector<1xi32>
      %squeeze3A_1956 = vector.extract %slice3A_1955[0] : i32 from vector<1xi32>
      %slice3A_1957 = vector.extract_strided_slice %get3A_570 {offsets = [1], sizes = [1], strides = [1]} : vector<16xi32> to vector<1xi32>
      %squeeze3A_1958 = vector.extract %slice3A_1957[0] : i32 from vector<1xi32>
      %jit3A_1959 = arith.constant 128 : i32
      %div3A_1960 = arith.divsi %squeeze3A_1956, %jit3A_1959 : i32
      %sign3A_1961 = arith.constant 0 : i32
      %sign3A_1962 = arith.cmpi sgt, %squeeze3A_1956, %sign3A_1961 : i32
      %sign3A_1963 = arith.extui %sign3A_1962 : i1 to i32
      %sign3A_1964 = arith.constant 0 : i32
      %sign3A_1965 = arith.cmpi slt, %squeeze3A_1956, %sign3A_1964 : i32
      %sign3A_1966 = arith.extui %sign3A_1965 : i1 to i32
      %sign3A_1967 = arith.subi %sign3A_1963, %sign3A_1966 : i32
      %sign3A_1968 = arith.constant 0 : i32
      %sign3A_1969 = arith.cmpi sgt, %jit3A_1959, %sign3A_1968 : i32
      %sign3A_1970 = arith.extui %sign3A_1969 : i1 to i32
      %sign3A_1971 = arith.constant 0 : i32
      %sign3A_1972 = arith.cmpi slt, %jit3A_1959, %sign3A_1971 : i32
      %sign3A_1973 = arith.extui %sign3A_1972 : i1 to i32
      %sign3A_1974 = arith.subi %sign3A_1970, %sign3A_1973 : i32
      %ne3A_1975 = arith.cmpi ne, %sign3A_1967, %sign3A_1974 : i32
      %rem3A_1976 = arith.remsi %squeeze3A_1956, %jit3A_1959 : i32
      %ne3A_1977 = arith.constant 0 : i32
      %ne3A_1978 = arith.cmpi ne, %rem3A_1976, %ne3A_1977 : i32
      %and3A_1979 = arith.andi %ne3A_1975, %ne3A_1978 : i1
      %sub3A_1980 = arith.constant 1 : i32
      %sub3A_1981 = arith.subi %div3A_1960, %sub3A_1980 : i32
      %select_n3A_1982 = arith.select %and3A_1979, %sub3A_1981, %div3A_1960 : i32
      %mul3A_1983 = arith.constant 128 : i32
      %mul3A_1984 = arith.muli %select_n3A_1982, %mul3A_1983 : i32
      %multiple_of3A_1985 = tpu.assume_multiple %mul3A_1984, 128 : i32
      %jit3A_1986 = arith.constant 128 : i32
      %div3A_1987 = arith.divsi %squeeze3A_1958, %jit3A_1986 : i32
      %sign3A_1988 = arith.constant 0 : i32
      %sign3A_1989 = arith.cmpi sgt, %squeeze3A_1958, %sign3A_1988 : i32
      %sign3A_1990 = arith.extui %sign3A_1989 : i1 to i32
      %sign3A_1991 = arith.constant 0 : i32
      %sign3A_1992 = arith.cmpi slt, %squeeze3A_1958, %sign3A_1991 : i32
      %sign3A_1993 = arith.extui %sign3A_1992 : i1 to i32
      %sign3A_1994 = arith.subi %sign3A_1990, %sign3A_1993 : i32
      %sign3A_1995 = arith.constant 0 : i32
      %sign3A_1996 = arith.cmpi sgt, %jit3A_1986, %sign3A_1995 : i32
      %sign3A_1997 = arith.extui %sign3A_1996 : i1 to i32
      %sign3A_1998 = arith.constant 0 : i32
      %sign3A_1999 = arith.cmpi slt, %jit3A_1986, %sign3A_1998 : i32
      %sign3A_2000 = arith.extui %sign3A_1999 : i1 to i32
      %sign3A_2001 = arith.subi %sign3A_1997, %sign3A_2000 : i32
      %ne3A_2002 = arith.cmpi ne, %sign3A_1994, %sign3A_2001 : i32
      %rem3A_2003 = arith.remsi %squeeze3A_1958, %jit3A_1986 : i32
      %ne3A_2004 = arith.constant 0 : i32
      %ne3A_2005 = arith.cmpi ne, %rem3A_2003, %ne3A_2004 : i32
      %and3A_2006 = arith.andi %ne3A_2002, %ne3A_2005 : i1
      %sub3A_2007 = arith.constant 1 : i32
      %sub3A_2008 = arith.subi %div3A_1987, %sub3A_2007 : i32
      %select_n3A_2009 = arith.select %and3A_2006, %sub3A_2008, %div3A_1987 : i32
      %mul3A_2010 = arith.constant 128 : i32
      %mul3A_2011 = arith.muli %select_n3A_2009, %mul3A_2010 : i32
      %multiple_of3A_2012 = tpu.assume_multiple %mul3A_2011, 128 : i32
      %dma_start3A_2013 = arith.constant 32 : i32
      %dma_start3A_2014 = arith.constant 0 : i32
      %dma_start3A_2015 = tpu.memref_slice %arg10[%dma_start3A_2013, %dma_start3A_2014] : memref<256x128xf32, #tpu.memory_space<vmem>> -> memref<32x128xf32, #tpu.memory_space<vmem>>
      %dma_start3A_2016 = arith.constant 0 : i32
      %dma_start3A_2017 = tpu.memref_slice %arg4[%dma_start3A_2016, %multiple_of3A_1985] : memref<32x1000000xf32, #tpu.memory_space<hbm>> -> memref<32x128xf32, #tpu.memory_space<hbm>>
      %dma_start3A_2018 = arith.constant 32 : i32
      %dma_start3A_2019 = arith.constant 0 : i32
      %dma_start3A_2020 = tpu.memref_slice %arg10[%dma_start3A_2018, %dma_start3A_2019] : memref<256x128xf32, #tpu.memory_space<vmem>> -> memref<32x128xf32, #tpu.memory_space<vmem>>
      %dma_start3A_2021 = arith.constant 0 : i32
      %dma_start3A_2022 = tpu.memref_slice %arg4[%dma_start3A_2021, %multiple_of3A_1985] : memref<32x1000000xf32, #tpu.memory_space<hbm>> -> memref<32x128xf32, #tpu.memory_space<hbm>>
      tpu.enqueue_dma source(%dma_start3A_2022 : memref<32x128xf32, #tpu.memory_space<hbm>>) target(%dma_start3A_2020 : memref<32x128xf32, #tpu.memory_space<vmem>>) target_semaphore(%arg14 : memref<!tpu.dma_semaphore, #tpu.memory_space<semaphore_mem>>)
      %dma_start3A_2023 = arith.constant 32 : i32
      %dma_start3A_2024 = arith.constant 0 : i32
      %dma_start3A_2025 = tpu.memref_slice %arg11[%dma_start3A_2023, %dma_start3A_2024] : memref<256x128xf32, #tpu.memory_space<vmem>> -> memref<32x128xf32, #tpu.memory_space<vmem>>
      %dma_start3A_2026 = arith.constant 0 : i32
      %dma_start3A_2027 = tpu.memref_slice %arg5[%dma_start3A_2026, %multiple_of3A_2012] : memref<32x1000001xf32, #tpu.memory_space<hbm>> -> memref<32x128xf32, #tpu.memory_space<hbm>>
      %dma_start3A_2028 = arith.constant 32 : i32
      %dma_start3A_2029 = arith.constant 0 : i32
      %dma_start3A_2030 = tpu.memref_slice %arg11[%dma_start3A_2028, %dma_start3A_2029] : memref<256x128xf32, #tpu.memory_space<vmem>> -> memref<32x128xf32, #tpu.memory_space<vmem>>
      %dma_start3A_2031 = arith.constant 0 : i32
      %dma_start3A_2032 = tpu.memref_slice %arg5[%dma_start3A_2031, %multiple_of3A_2012] : memref<32x1000001xf32, #tpu.memory_space<hbm>> -> memref<32x128xf32, #tpu.memory_space<hbm>>
      tpu.enqueue_dma source(%dma_start3A_2032 : memref<32x128xf32, #tpu.memory_space<hbm>>) target(%dma_start3A_2030 : memref<32x128xf32, #tpu.memory_space<vmem>>) target_semaphore(%arg18 : memref<!tpu.dma_semaphore, #tpu.memory_space<semaphore_mem>>)
      %dma_wait3A_2033 = arith.constant 64 : i32
      %dma_wait3A_2034 = arith.constant 0 : i32
      %dma_wait3A_2035 = tpu.memref_slice %arg10[%dma_wait3A_2033, %dma_wait3A_2034] : memref<256x128xf32, #tpu.memory_space<vmem>> -> memref<64x128xf32, #tpu.memory_space<vmem>>
      %dma_wait3A_2036 = arith.constant 64 : i32
      %dma_wait3A_2037 = arith.constant 0 : i32
      %dma_wait3A_2038 = tpu.memref_slice %arg10[%dma_wait3A_2036, %dma_wait3A_2037] : memref<256x128xf32, #tpu.memory_space<vmem>> -> memref<64x128xf32, #tpu.memory_space<vmem>>
      tpu.wait_dma2 semaphore(%arg15 : memref<!tpu.dma_semaphore, #tpu.memory_space<semaphore_mem>>) src(%arg6 : memref<64x128xf32, #tpu.memory_space<hbm>>) dst(%dma_wait3A_2038 : memref<64x128xf32, #tpu.memory_space<vmem>>)
      %dma_wait3A_2039 = arith.constant 64 : i32
      %dma_wait3A_2040 = arith.constant 0 : i32
      %dma_wait3A_2041 = tpu.memref_slice %arg11[%dma_wait3A_2039, %dma_wait3A_2040] : memref<256x128xf32, #tpu.memory_space<vmem>> -> memref<64x128xf32, #tpu.memory_space<vmem>>
      %dma_wait3A_2042 = arith.constant 64 : i32
      %dma_wait3A_2043 = arith.constant 0 : i32
      %dma_wait3A_2044 = tpu.memref_slice %arg11[%dma_wait3A_2042, %dma_wait3A_2043] : memref<256x128xf32, #tpu.memory_space<vmem>> -> memref<64x128xf32, #tpu.memory_space<vmem>>
      tpu.wait_dma2 semaphore(%arg19 : memref<!tpu.dma_semaphore, #tpu.memory_space<semaphore_mem>>) src(%arg6 : memref<64x128xf32, #tpu.memory_space<hbm>>) dst(%dma_wait3A_2044 : memref<64x128xf32, #tpu.memory_space<vmem>>)
      %add3A_2045 = arith.constant 10 : i32
      %add3A_2046 = arith.addi %mul3A_556, %add3A_2045 : i32
      %add3A_2047 = arith.constant 0 : i32
      %add3A_2048 = arith.addi %add3A_2046, %add3A_2047 : i32
      %slice3A_2049 = vector.extract_strided_slice %get3A_558 {offsets = [10], sizes = [1], strides = [1]} : vector<16xi32> to vector<1xi32>
      %squeeze3A_2050 = vector.extract %slice3A_2049[0] : i32 from vector<1xi32>
      %jit3A_2051 = arith.constant 128 : i32
      %eq3A_2052 = arith.constant 0 : i32
      %eq3A_2053 = arith.cmpi eq, %jit3A_2051, %eq3A_2052 : i32
      %jit3A_2054 = arith.constant 1 : i32
      %select_n3A_2055 = arith.select %eq3A_2053, %jit3A_2054, %jit3A_2051 : i32
      %rem3A_2056 = arith.remsi %squeeze3A_2050, %select_n3A_2055 : i32
      %ne3A_2057 = arith.constant 0 : i32
      %ne3A_2058 = arith.cmpi ne, %rem3A_2056, %ne3A_2057 : i32
      %lt3A_2059 = arith.constant 0 : i32
      %lt3A_2060 = arith.cmpi slt, %rem3A_2056, %lt3A_2059 : i32
      %lt3A_2061 = arith.constant 0 : i32
      %lt3A_2062 = arith.cmpi slt, %select_n3A_2055, %lt3A_2061 : i32
      %ne3A_2063 = arith.xori %lt3A_2060, %lt3A_2062 : i1
      %and3A_2064 = arith.andi %ne3A_2063, %ne3A_2058 : i1
      %add3A_2065 = arith.addi %rem3A_2056, %select_n3A_2055 : i32
      %select_n3A_2066 = arith.select %and3A_2064, %add3A_2065, %rem3A_2056 : i32
      %broadcast_in_dim3A_2067 = vector.broadcast %select_n3A_2066 : i32 to vector<16xi32>
      %slice3A_2068 = vector.extract_strided_slice %get3A_560 {offsets = [10], sizes = [1], strides = [1]} : vector<16xi32> to vector<1xi32>
      %squeeze3A_2069 = vector.extract %slice3A_2068[0] : i32 from vector<1xi32>
      %jit3A_2070 = arith.constant 128 : i32
      %eq3A_2071 = arith.constant 0 : i32
      %eq3A_2072 = arith.cmpi eq, %jit3A_2070, %eq3A_2071 : i32
      %jit3A_2073 = arith.constant 1 : i32
      %select_n3A_2074 = arith.select %eq3A_2072, %jit3A_2073, %jit3A_2070 : i32
      %rem3A_2075 = arith.remsi %squeeze3A_2069, %select_n3A_2074 : i32
      %ne3A_2076 = arith.constant 0 : i32
      %ne3A_2077 = arith.cmpi ne, %rem3A_2075, %ne3A_2076 : i32
      %lt3A_2078 = arith.constant 0 : i32
      %lt3A_2079 = arith.cmpi slt, %rem3A_2075, %lt3A_2078 : i32
      %lt3A_2080 = arith.constant 0 : i32
      %lt3A_2081 = arith.cmpi slt, %select_n3A_2074, %lt3A_2080 : i32
      %ne3A_2082 = arith.xori %lt3A_2079, %lt3A_2081 : i1
      %and3A_2083 = arith.andi %ne3A_2082, %ne3A_2077 : i1
      %add3A_2084 = arith.addi %rem3A_2075, %select_n3A_2074 : i32
      %select_n3A_2085 = arith.select %and3A_2083, %add3A_2084, %rem3A_2075 : i32
      %broadcast_in_dim3A_2086 = vector.broadcast %select_n3A_2085 : i32 to vector<16xi32>
      %broadcast_in_dim3A_2087 = vector.broadcast %add3A_2048 : i32 to vector<16xi32>
      %gather3A_2088 = tpu.vector_load_idx %arg10[%add3A_14, %broadcast_in_dim3A_2067] : memref<256x128xf32, #tpu.memory_space<vmem>>[vector<16xi32>, vector<16xi32>], vector<16xf32>,
      %gather3A_2089 = tpu.vector_load_idx %arg10[%add3A_38, %broadcast_in_dim3A_2067] : memref<256x128xf32, #tpu.memory_space<vmem>>[vector<16xi32>, vector<16xi32>], vector<16xf32>,
      %gather3A_2090 = tpu.vector_load_idx %arg11[%add3A_14, %broadcast_in_dim3A_2086] : memref<256x128xf32, #tpu.memory_space<vmem>>[vector<16xi32>, vector<16xi32>], vector<16xf32>,
      %gather3A_2091 = tpu.vector_load_idx %arg11[%add3A_38, %broadcast_in_dim3A_2086] : memref<256x128xf32, #tpu.memory_space<vmem>>[vector<16xi32>, vector<16xi32>], vector<16xf32>,
      tpu.vector_store_idx %arg12[%iota3A, %broadcast_in_dim3A_2087], %gather3A_2088 : memref<32x512xf32, #tpu.memory_space<vmem>>[vector<16xi32>, vector<16xi32>], vector<16xf32>,
      tpu.vector_store_idx %arg12[%add3A_5, %broadcast_in_dim3A_2087], %gather3A_2089 : memref<32x512xf32, #tpu.memory_space<vmem>>[vector<16xi32>, vector<16xi32>], vector<16xf32>,
      tpu.vector_store_idx %arg13[%iota3A, %broadcast_in_dim3A_2087], %gather3A_2090 : memref<32x512xf32, #tpu.memory_space<vmem>>[vector<16xi32>, vector<16xi32>], vector<16xf32>,
      tpu.vector_store_idx %arg13[%add3A_5, %broadcast_in_dim3A_2087], %gather3A_2091 : memref<32x512xf32, #tpu.memory_space<vmem>>[vector<16xi32>, vector<16xi32>], vector<16xf32>,
      %add3A_2092 = arith.constant 10 : i32
      %add3A_2093 = arith.addi %mul3A_556, %add3A_2092 : i32
      %add3A_2094 = arith.constant 1 : i32
      %add3A_2095 = arith.addi %add3A_2093, %add3A_2094 : i32
      %slice3A_2096 = vector.extract_strided_slice %get3A_558 {offsets = [11], sizes = [1], strides = [1]} : vector<16xi32> to vector<1xi32>
      %squeeze3A_2097 = vector.extract %slice3A_2096[0] : i32 from vector<1xi32>
      %jit3A_2098 = arith.constant 128 : i32
      %eq3A_2099 = arith.constant 0 : i32
      %eq3A_2100 = arith.cmpi eq, %jit3A_2098, %eq3A_2099 : i32
      %jit3A_2101 = arith.constant 1 : i32
      %select_n3A_2102 = arith.select %eq3A_2100, %jit3A_2101, %jit3A_2098 : i32
      %rem3A_2103 = arith.remsi %squeeze3A_2097, %select_n3A_2102 : i32
      %ne3A_2104 = arith.constant 0 : i32
      %ne3A_2105 = arith.cmpi ne, %rem3A_2103, %ne3A_2104 : i32
      %lt3A_2106 = arith.constant 0 : i32
      %lt3A_2107 = arith.cmpi slt, %rem3A_2103, %lt3A_2106 : i32
      %lt3A_2108 = arith.constant 0 : i32
      %lt3A_2109 = arith.cmpi slt, %select_n3A_2102, %lt3A_2108 : i32
      %ne3A_2110 = arith.xori %lt3A_2107, %lt3A_2109 : i1
      %and3A_2111 = arith.andi %ne3A_2110, %ne3A_2105 : i1
      %add3A_2112 = arith.addi %rem3A_2103, %select_n3A_2102 : i32
      %select_n3A_2113 = arith.select %and3A_2111, %add3A_2112, %rem3A_2103 : i32
      %broadcast_in_dim3A_2114 = vector.broadcast %select_n3A_2113 : i32 to vector<16xi32>
      %slice3A_2115 = vector.extract_strided_slice %get3A_560 {offsets = [11], sizes = [1], strides = [1]} : vector<16xi32> to vector<1xi32>
      %squeeze3A_2116 = vector.extract %slice3A_2115[0] : i32 from vector<1xi32>
      %jit3A_2117 = arith.constant 128 : i32
      %eq3A_2118 = arith.constant 0 : i32
      %eq3A_2119 = arith.cmpi eq, %jit3A_2117, %eq3A_2118 : i32
      %jit3A_2120 = arith.constant 1 : i32
      %select_n3A_2121 = arith.select %eq3A_2119, %jit3A_2120, %jit3A_2117 : i32
      %rem3A_2122 = arith.remsi %squeeze3A_2116, %select_n3A_2121 : i32
      %ne3A_2123 = arith.constant 0 : i32
      %ne3A_2124 = arith.cmpi ne, %rem3A_2122, %ne3A_2123 : i32
      %lt3A_2125 = arith.constant 0 : i32
      %lt3A_2126 = arith.cmpi slt, %rem3A_2122, %lt3A_2125 : i32
      %lt3A_2127 = arith.constant 0 : i32
      %lt3A_2128 = arith.cmpi slt, %select_n3A_2121, %lt3A_2127 : i32
      %ne3A_2129 = arith.xori %lt3A_2126, %lt3A_2128 : i1
      %and3A_2130 = arith.andi %ne3A_2129, %ne3A_2124 : i1
      %add3A_2131 = arith.addi %rem3A_2122, %select_n3A_2121 : i32
      %select_n3A_2132 = arith.select %and3A_2130, %add3A_2131, %rem3A_2122 : i32
      %broadcast_in_dim3A_2133 = vector.broadcast %select_n3A_2132 : i32 to vector<16xi32>
      %broadcast_in_dim3A_2134 = vector.broadcast %add3A_2095 : i32 to vector<16xi32>
      %gather3A_2135 = tpu.vector_load_idx %arg10[%add3A_17, %broadcast_in_dim3A_2114] : memref<256x128xf32, #tpu.memory_space<vmem>>[vector<16xi32>, vector<16xi32>], vector<16xf32>,
      %gather3A_2136 = tpu.vector_load_idx %arg10[%add3A_41, %broadcast_in_dim3A_2114] : memref<256x128xf32, #tpu.memory_space<vmem>>[vector<16xi32>, vector<16xi32>], vector<16xf32>,
      %gather3A_2137 = tpu.vector_load_idx %arg11[%add3A_17, %broadcast_in_dim3A_2133] : memref<256x128xf32, #tpu.memory_space<vmem>>[vector<16xi32>, vector<16xi32>], vector<16xf32>,
      %gather3A_2138 = tpu.vector_load_idx %arg11[%add3A_41, %broadcast_in_dim3A_2133] : memref<256x128xf32, #tpu.memory_space<vmem>>[vector<16xi32>, vector<16xi32>], vector<16xf32>,
      tpu.vector_store_idx %arg12[%iota3A, %broadcast_in_dim3A_2134], %gather3A_2135 : memref<32x512xf32, #tpu.memory_space<vmem>>[vector<16xi32>, vector<16xi32>], vector<16xf32>,
      tpu.vector_store_idx %arg12[%add3A_5, %broadcast_in_dim3A_2134], %gather3A_2136 : memref<32x512xf32, #tpu.memory_space<vmem>>[vector<16xi32>, vector<16xi32>], vector<16xf32>,
      tpu.vector_store_idx %arg13[%iota3A, %broadcast_in_dim3A_2134], %gather3A_2137 : memref<32x512xf32, #tpu.memory_space<vmem>>[vector<16xi32>, vector<16xi32>], vector<16xf32>,
      tpu.vector_store_idx %arg13[%add3A_5, %broadcast_in_dim3A_2134], %gather3A_2138 : memref<32x512xf32, #tpu.memory_space<vmem>>[vector<16xi32>, vector<16xi32>], vector<16xf32>,
      %slice3A_2139 = vector.extract_strided_slice %get3A_568 {offsets = [2], sizes = [1], strides = [1]} : vector<16xi32> to vector<1xi32>
      %squeeze3A_2140 = vector.extract %slice3A_2139[0] : i32 from vector<1xi32>
      %slice3A_2141 = vector.extract_strided_slice %get3A_570 {offsets = [2], sizes = [1], strides = [1]} : vector<16xi32> to vector<1xi32>
      %squeeze3A_2142 = vector.extract %slice3A_2141[0] : i32 from vector<1xi32>
      %jit3A_2143 = arith.constant 128 : i32
      %div3A_2144 = arith.divsi %squeeze3A_2140, %jit3A_2143 : i32
      %sign3A_2145 = arith.constant 0 : i32
      %sign3A_2146 = arith.cmpi sgt, %squeeze3A_2140, %sign3A_2145 : i32
      %sign3A_2147 = arith.extui %sign3A_2146 : i1 to i32
      %sign3A_2148 = arith.constant 0 : i32
      %sign3A_2149 = arith.cmpi slt, %squeeze3A_2140, %sign3A_2148 : i32
      %sign3A_2150 = arith.extui %sign3A_2149 : i1 to i32
      %sign3A_2151 = arith.subi %sign3A_2147, %sign3A_2150 : i32
      %sign3A_2152 = arith.constant 0 : i32
      %sign3A_2153 = arith.cmpi sgt, %jit3A_2143, %sign3A_2152 : i32
      %sign3A_2154 = arith.extui %sign3A_2153 : i1 to i32
      %sign3A_2155 = arith.constant 0 : i32
      %sign3A_2156 = arith.cmpi slt, %jit3A_2143, %sign3A_2155 : i32
      %sign3A_2157 = arith.extui %sign3A_2156 : i1 to i32
      %sign3A_2158 = arith.subi %sign3A_2154, %sign3A_2157 : i32
      %ne3A_2159 = arith.cmpi ne, %sign3A_2151, %sign3A_2158 : i32
      %rem3A_2160 = arith.remsi %squeeze3A_2140, %jit3A_2143 : i32
      %ne3A_2161 = arith.constant 0 : i32
      %ne3A_2162 = arith.cmpi ne, %rem3A_2160, %ne3A_2161 : i32
      %and3A_2163 = arith.andi %ne3A_2159, %ne3A_2162 : i1
      %sub3A_2164 = arith.constant 1 : i32
      %sub3A_2165 = arith.subi %div3A_2144, %sub3A_2164 : i32
      %select_n3A_2166 = arith.select %and3A_2163, %sub3A_2165, %div3A_2144 : i32
      %mul3A_2167 = arith.constant 128 : i32
      %mul3A_2168 = arith.muli %select_n3A_2166, %mul3A_2167 : i32
      %multiple_of3A_2169 = tpu.assume_multiple %mul3A_2168, 128 : i32
      %jit3A_2170 = arith.constant 128 : i32
      %div3A_2171 = arith.divsi %squeeze3A_2142, %jit3A_2170 : i32
      %sign3A_2172 = arith.constant 0 : i32
      %sign3A_2173 = arith.cmpi sgt, %squeeze3A_2142, %sign3A_2172 : i32
      %sign3A_2174 = arith.extui %sign3A_2173 : i1 to i32
      %sign3A_2175 = arith.constant 0 : i32
      %sign3A_2176 = arith.cmpi slt, %squeeze3A_2142, %sign3A_2175 : i32
      %sign3A_2177 = arith.extui %sign3A_2176 : i1 to i32
      %sign3A_2178 = arith.subi %sign3A_2174, %sign3A_2177 : i32
      %sign3A_2179 = arith.constant 0 : i32
      %sign3A_2180 = arith.cmpi sgt, %jit3A_2170, %sign3A_2179 : i32
      %sign3A_2181 = arith.extui %sign3A_2180 : i1 to i32
      %sign3A_2182 = arith.constant 0 : i32
      %sign3A_2183 = arith.cmpi slt, %jit3A_2170, %sign3A_2182 : i32
      %sign3A_2184 = arith.extui %sign3A_2183 : i1 to i32
      %sign3A_2185 = arith.subi %sign3A_2181, %sign3A_2184 : i32
      %ne3A_2186 = arith.cmpi ne, %sign3A_2178, %sign3A_2185 : i32
      %rem3A_2187 = arith.remsi %squeeze3A_2142, %jit3A_2170 : i32
      %ne3A_2188 = arith.constant 0 : i32
      %ne3A_2189 = arith.cmpi ne, %rem3A_2187, %ne3A_2188 : i32
      %and3A_2190 = arith.andi %ne3A_2186, %ne3A_2189 : i1
      %sub3A_2191 = arith.constant 1 : i32
      %sub3A_2192 = arith.subi %div3A_2171, %sub3A_2191 : i32
      %select_n3A_2193 = arith.select %and3A_2190, %sub3A_2192, %div3A_2171 : i32
      %mul3A_2194 = arith.constant 128 : i32
      %mul3A_2195 = arith.muli %select_n3A_2193, %mul3A_2194 : i32
      %multiple_of3A_2196 = tpu.assume_multiple %mul3A_2195, 128 : i32
      %dma_start3A_2197 = arith.constant 64 : i32
      %dma_start3A_2198 = arith.constant 0 : i32
      %dma_start3A_2199 = tpu.memref_slice %arg10[%dma_start3A_2197, %dma_start3A_2198] : memref<256x128xf32, #tpu.memory_space<vmem>> -> memref<32x128xf32, #tpu.memory_space<vmem>>
      %dma_start3A_2200 = arith.constant 0 : i32
      %dma_start3A_2201 = tpu.memref_slice %arg4[%dma_start3A_2200, %multiple_of3A_2169] : memref<32x1000000xf32, #tpu.memory_space<hbm>> -> memref<32x128xf32, #tpu.memory_space<hbm>>
      %dma_start3A_2202 = arith.constant 64 : i32
      %dma_start3A_2203 = arith.constant 0 : i32
      %dma_start3A_2204 = tpu.memref_slice %arg10[%dma_start3A_2202, %dma_start3A_2203] : memref<256x128xf32, #tpu.memory_space<vmem>> -> memref<32x128xf32, #tpu.memory_space<vmem>>
      %dma_start3A_2205 = arith.constant 0 : i32
      %dma_start3A_2206 = tpu.memref_slice %arg4[%dma_start3A_2205, %multiple_of3A_2169] : memref<32x1000000xf32, #tpu.memory_space<hbm>> -> memref<32x128xf32, #tpu.memory_space<hbm>>
      tpu.enqueue_dma source(%dma_start3A_2206 : memref<32x128xf32, #tpu.memory_space<hbm>>) target(%dma_start3A_2204 : memref<32x128xf32, #tpu.memory_space<vmem>>) target_semaphore(%arg15 : memref<!tpu.dma_semaphore, #tpu.memory_space<semaphore_mem>>)
      %dma_start3A_2207 = arith.constant 64 : i32
      %dma_start3A_2208 = arith.constant 0 : i32
      %dma_start3A_2209 = tpu.memref_slice %arg11[%dma_start3A_2207, %dma_start3A_2208] : memref<256x128xf32, #tpu.memory_space<vmem>> -> memref<32x128xf32, #tpu.memory_space<vmem>>
      %dma_start3A_2210 = arith.constant 0 : i32
      %dma_start3A_2211 = tpu.memref_slice %arg5[%dma_start3A_2210, %multiple_of3A_2196] : memref<32x1000001xf32, #tpu.memory_space<hbm>> -> memref<32x128xf32, #tpu.memory_space<hbm>>
      %dma_start3A_2212 = arith.constant 64 : i32
      %dma_start3A_2213 = arith.constant 0 : i32
      %dma_start3A_2214 = tpu.memref_slice %arg11[%dma_start3A_2212, %dma_start3A_2213] : memref<256x128xf32, #tpu.memory_space<vmem>> -> memref<32x128xf32, #tpu.memory_space<vmem>>
      %dma_start3A_2215 = arith.constant 0 : i32
      %dma_start3A_2216 = tpu.memref_slice %arg5[%dma_start3A_2215, %multiple_of3A_2196] : memref<32x1000001xf32, #tpu.memory_space<hbm>> -> memref<32x128xf32, #tpu.memory_space<hbm>>
      tpu.enqueue_dma source(%dma_start3A_2216 : memref<32x128xf32, #tpu.memory_space<hbm>>) target(%dma_start3A_2214 : memref<32x128xf32, #tpu.memory_space<vmem>>) target_semaphore(%arg19 : memref<!tpu.dma_semaphore, #tpu.memory_space<semaphore_mem>>)
      %slice3A_2217 = vector.extract_strided_slice %get3A_568 {offsets = [3], sizes = [1], strides = [1]} : vector<16xi32> to vector<1xi32>
      %squeeze3A_2218 = vector.extract %slice3A_2217[0] : i32 from vector<1xi32>
      %slice3A_2219 = vector.extract_strided_slice %get3A_570 {offsets = [3], sizes = [1], strides = [1]} : vector<16xi32> to vector<1xi32>
      %squeeze3A_2220 = vector.extract %slice3A_2219[0] : i32 from vector<1xi32>
      %jit3A_2221 = arith.constant 128 : i32
      %div3A_2222 = arith.divsi %squeeze3A_2218, %jit3A_2221 : i32
      %sign3A_2223 = arith.constant 0 : i32
      %sign3A_2224 = arith.cmpi sgt, %squeeze3A_2218, %sign3A_2223 : i32
      %sign3A_2225 = arith.extui %sign3A_2224 : i1 to i32
      %sign3A_2226 = arith.constant 0 : i32
      %sign3A_2227 = arith.cmpi slt, %squeeze3A_2218, %sign3A_2226 : i32
      %sign3A_2228 = arith.extui %sign3A_2227 : i1 to i32
      %sign3A_2229 = arith.subi %sign3A_2225, %sign3A_2228 : i32
      %sign3A_2230 = arith.constant 0 : i32
      %sign3A_2231 = arith.cmpi sgt, %jit3A_2221, %sign3A_2230 : i32
      %sign3A_2232 = arith.extui %sign3A_2231 : i1 to i32
      %sign3A_2233 = arith.constant 0 : i32
      %sign3A_2234 = arith.cmpi slt, %jit3A_2221, %sign3A_2233 : i32
      %sign3A_2235 = arith.extui %sign3A_2234 : i1 to i32
      %sign3A_2236 = arith.subi %sign3A_2232, %sign3A_2235 : i32
      %ne3A_2237 = arith.cmpi ne, %sign3A_2229, %sign3A_2236 : i32
      %rem3A_2238 = arith.remsi %squeeze3A_2218, %jit3A_2221 : i32
      %ne3A_2239 = arith.constant 0 : i32
      %ne3A_2240 = arith.cmpi ne, %rem3A_2238, %ne3A_2239 : i32
      %and3A_2241 = arith.andi %ne3A_2237, %ne3A_2240 : i1
      %sub3A_2242 = arith.constant 1 : i32
      %sub3A_2243 = arith.subi %div3A_2222, %sub3A_2242 : i32
      %select_n3A_2244 = arith.select %and3A_2241, %sub3A_2243, %div3A_2222 : i32
      %mul3A_2245 = arith.constant 128 : i32
      %mul3A_2246 = arith.muli %select_n3A_2244, %mul3A_2245 : i32
      %multiple_of3A_2247 = tpu.assume_multiple %mul3A_2246, 128 : i32
      %jit3A_2248 = arith.constant 128 : i32
      %div3A_2249 = arith.divsi %squeeze3A_2220, %jit3A_2248 : i32
      %sign3A_2250 = arith.constant 0 : i32
      %sign3A_2251 = arith.cmpi sgt, %squeeze3A_2220, %sign3A_2250 : i32
      %sign3A_2252 = arith.extui %sign3A_2251 : i1 to i32
      %sign3A_2253 = arith.constant 0 : i32
      %sign3A_2254 = arith.cmpi slt, %squeeze3A_2220, %sign3A_2253 : i32
      %sign3A_2255 = arith.extui %sign3A_2254 : i1 to i32
      %sign3A_2256 = arith.subi %sign3A_2252, %sign3A_2255 : i32
      %sign3A_2257 = arith.constant 0 : i32
      %sign3A_2258 = arith.cmpi sgt, %jit3A_2248, %sign3A_2257 : i32
      %sign3A_2259 = arith.extui %sign3A_2258 : i1 to i32
      %sign3A_2260 = arith.constant 0 : i32
      %sign3A_2261 = arith.cmpi slt, %jit3A_2248, %sign3A_2260 : i32
      %sign3A_2262 = arith.extui %sign3A_2261 : i1 to i32
      %sign3A_2263 = arith.subi %sign3A_2259, %sign3A_2262 : i32
      %ne3A_2264 = arith.cmpi ne, %sign3A_2256, %sign3A_2263 : i32
      %rem3A_2265 = arith.remsi %squeeze3A_2220, %jit3A_2248 : i32
      %ne3A_2266 = arith.constant 0 : i32
      %ne3A_2267 = arith.cmpi ne, %rem3A_2265, %ne3A_2266 : i32
      %and3A_2268 = arith.andi %ne3A_2264, %ne3A_2267 : i1
      %sub3A_2269 = arith.constant 1 : i32
      %sub3A_2270 = arith.subi %div3A_2249, %sub3A_2269 : i32
      %select_n3A_2271 = arith.select %and3A_2268, %sub3A_2270, %div3A_2249 : i32
      %mul3A_2272 = arith.constant 128 : i32
      %mul3A_2273 = arith.muli %select_n3A_2271, %mul3A_2272 : i32
      %multiple_of3A_2274 = tpu.assume_multiple %mul3A_2273, 128 : i32
      %dma_start3A_2275 = arith.constant 96 : i32
      %dma_start3A_2276 = arith.constant 0 : i32
      %dma_start3A_2277 = tpu.memref_slice %arg10[%dma_start3A_2275, %dma_start3A_2276] : memref<256x128xf32, #tpu.memory_space<vmem>> -> memref<32x128xf32, #tpu.memory_space<vmem>>
      %dma_start3A_2278 = arith.constant 0 : i32
      %dma_start3A_2279 = tpu.memref_slice %arg4[%dma_start3A_2278, %multiple_of3A_2247] : memref<32x1000000xf32, #tpu.memory_space<hbm>> -> memref<32x128xf32, #tpu.memory_space<hbm>>
      %dma_start3A_2280 = arith.constant 96 : i32
      %dma_start3A_2281 = arith.constant 0 : i32
      %dma_start3A_2282 = tpu.memref_slice %arg10[%dma_start3A_2280, %dma_start3A_2281] : memref<256x128xf32, #tpu.memory_space<vmem>> -> memref<32x128xf32, #tpu.memory_space<vmem>>
      %dma_start3A_2283 = arith.constant 0 : i32
      %dma_start3A_2284 = tpu.memref_slice %arg4[%dma_start3A_2283, %multiple_of3A_2247] : memref<32x1000000xf32, #tpu.memory_space<hbm>> -> memref<32x128xf32, #tpu.memory_space<hbm>>
      tpu.enqueue_dma source(%dma_start3A_2284 : memref<32x128xf32, #tpu.memory_space<hbm>>) target(%dma_start3A_2282 : memref<32x128xf32, #tpu.memory_space<vmem>>) target_semaphore(%arg15 : memref<!tpu.dma_semaphore, #tpu.memory_space<semaphore_mem>>)
      %dma_start3A_2285 = arith.constant 96 : i32
      %dma_start3A_2286 = arith.constant 0 : i32
      %dma_start3A_2287 = tpu.memref_slice %arg11[%dma_start3A_2285, %dma_start3A_2286] : memref<256x128xf32, #tpu.memory_space<vmem>> -> memref<32x128xf32, #tpu.memory_space<vmem>>
      %dma_start3A_2288 = arith.constant 0 : i32
      %dma_start3A_2289 = tpu.memref_slice %arg5[%dma_start3A_2288, %multiple_of3A_2274] : memref<32x1000001xf32, #tpu.memory_space<hbm>> -> memref<32x128xf32, #tpu.memory_space<hbm>>
      %dma_start3A_2290 = arith.constant 96 : i32
      %dma_start3A_2291 = arith.constant 0 : i32
      %dma_start3A_2292 = tpu.memref_slice %arg11[%dma_start3A_2290, %dma_start3A_2291] : memref<256x128xf32, #tpu.memory_space<vmem>> -> memref<32x128xf32, #tpu.memory_space<vmem>>
      %dma_start3A_2293 = arith.constant 0 : i32
      %dma_start3A_2294 = tpu.memref_slice %arg5[%dma_start3A_2293, %multiple_of3A_2274] : memref<32x1000001xf32, #tpu.memory_space<hbm>> -> memref<32x128xf32, #tpu.memory_space<hbm>>
      tpu.enqueue_dma source(%dma_start3A_2294 : memref<32x128xf32, #tpu.memory_space<hbm>>) target(%dma_start3A_2292 : memref<32x128xf32, #tpu.memory_space<vmem>>) target_semaphore(%arg19 : memref<!tpu.dma_semaphore, #tpu.memory_space<semaphore_mem>>)
      %dma_wait3A_2295 = arith.constant 128 : i32
      %dma_wait3A_2296 = arith.constant 0 : i32
      %dma_wait3A_2297 = tpu.memref_slice %arg10[%dma_wait3A_2295, %dma_wait3A_2296] : memref<256x128xf32, #tpu.memory_space<vmem>> -> memref<64x128xf32, #tpu.memory_space<vmem>>
      %dma_wait3A_2298 = arith.constant 128 : i32
      %dma_wait3A_2299 = arith.constant 0 : i32
      %dma_wait3A_2300 = tpu.memref_slice %arg10[%dma_wait3A_2298, %dma_wait3A_2299] : memref<256x128xf32, #tpu.memory_space<vmem>> -> memref<64x128xf32, #tpu.memory_space<vmem>>
      tpu.wait_dma2 semaphore(%arg16 : memref<!tpu.dma_semaphore, #tpu.memory_space<semaphore_mem>>) src(%arg6 : memref<64x128xf32, #tpu.memory_space<hbm>>) dst(%dma_wait3A_2300 : memref<64x128xf32, #tpu.memory_space<vmem>>)
      %dma_wait3A_2301 = arith.constant 128 : i32
      %dma_wait3A_2302 = arith.constant 0 : i32
      %dma_wait3A_2303 = tpu.memref_slice %arg11[%dma_wait3A_2301, %dma_wait3A_2302] : memref<256x128xf32, #tpu.memory_space<vmem>> -> memref<64x128xf32, #tpu.memory_space<vmem>>
      %dma_wait3A_2304 = arith.constant 128 : i32
      %dma_wait3A_2305 = arith.constant 0 : i32
      %dma_wait3A_2306 = tpu.memref_slice %arg11[%dma_wait3A_2304, %dma_wait3A_2305] : memref<256x128xf32, #tpu.memory_space<vmem>> -> memref<64x128xf32, #tpu.memory_space<vmem>>
      tpu.wait_dma2 semaphore(%arg20 : memref<!tpu.dma_semaphore, #tpu.memory_space<semaphore_mem>>) src(%arg6 : memref<64x128xf32, #tpu.memory_space<hbm>>) dst(%dma_wait3A_2306 : memref<64x128xf32, #tpu.memory_space<vmem>>)
      %add3A_2307 = arith.constant 12 : i32
      %add3A_2308 = arith.addi %mul3A_556, %add3A_2307 : i32
      %add3A_2309 = arith.constant 0 : i32
      %add3A_2310 = arith.addi %add3A_2308, %add3A_2309 : i32
      %slice3A_2311 = vector.extract_strided_slice %get3A_558 {offsets = [12], sizes = [1], strides = [1]} : vector<16xi32> to vector<1xi32>
      %squeeze3A_2312 = vector.extract %slice3A_2311[0] : i32 from vector<1xi32>
      %jit3A_2313 = arith.constant 128 : i32
      %eq3A_2314 = arith.constant 0 : i32
      %eq3A_2315 = arith.cmpi eq, %jit3A_2313, %eq3A_2314 : i32
      %jit3A_2316 = arith.constant 1 : i32
      %select_n3A_2317 = arith.select %eq3A_2315, %jit3A_2316, %jit3A_2313 : i32
      %rem3A_2318 = arith.remsi %squeeze3A_2312, %select_n3A_2317 : i32
      %ne3A_2319 = arith.constant 0 : i32
      %ne3A_2320 = arith.cmpi ne, %rem3A_2318, %ne3A_2319 : i32
      %lt3A_2321 = arith.constant 0 : i32
      %lt3A_2322 = arith.cmpi slt, %rem3A_2318, %lt3A_2321 : i32
      %lt3A_2323 = arith.constant 0 : i32
      %lt3A_2324 = arith.cmpi slt, %select_n3A_2317, %lt3A_2323 : i32
      %ne3A_2325 = arith.xori %lt3A_2322, %lt3A_2324 : i1
      %and3A_2326 = arith.andi %ne3A_2325, %ne3A_2320 : i1
      %add3A_2327 = arith.addi %rem3A_2318, %select_n3A_2317 : i32
      %select_n3A_2328 = arith.select %and3A_2326, %add3A_2327, %rem3A_2318 : i32
      %broadcast_in_dim3A_2329 = vector.broadcast %select_n3A_2328 : i32 to vector<16xi32>
      %slice3A_2330 = vector.extract_strided_slice %get3A_560 {offsets = [12], sizes = [1], strides = [1]} : vector<16xi32> to vector<1xi32>
      %squeeze3A_2331 = vector.extract %slice3A_2330[0] : i32 from vector<1xi32>
      %jit3A_2332 = arith.constant 128 : i32
      %eq3A_2333 = arith.constant 0 : i32
      %eq3A_2334 = arith.cmpi eq, %jit3A_2332, %eq3A_2333 : i32
      %jit3A_2335 = arith.constant 1 : i32
      %select_n3A_2336 = arith.select %eq3A_2334, %jit3A_2335, %jit3A_2332 : i32
      %rem3A_2337 = arith.remsi %squeeze3A_2331, %select_n3A_2336 : i32
      %ne3A_2338 = arith.constant 0 : i32
      %ne3A_2339 = arith.cmpi ne, %rem3A_2337, %ne3A_2338 : i32
      %lt3A_2340 = arith.constant 0 : i32
      %lt3A_2341 = arith.cmpi slt, %rem3A_2337, %lt3A_2340 : i32
      %lt3A_2342 = arith.constant 0 : i32
      %lt3A_2343 = arith.cmpi slt, %select_n3A_2336, %lt3A_2342 : i32
      %ne3A_2344 = arith.xori %lt3A_2341, %lt3A_2343 : i1
      %and3A_2345 = arith.andi %ne3A_2344, %ne3A_2339 : i1
      %add3A_2346 = arith.addi %rem3A_2337, %select_n3A_2336 : i32
      %select_n3A_2347 = arith.select %and3A_2345, %add3A_2346, %rem3A_2337 : i32
      %broadcast_in_dim3A_2348 = vector.broadcast %select_n3A_2347 : i32 to vector<16xi32>
      %broadcast_in_dim3A_2349 = vector.broadcast %add3A_2310 : i32 to vector<16xi32>
      %gather3A_2350 = tpu.vector_load_idx %arg10[%add3A_20, %broadcast_in_dim3A_2329] : memref<256x128xf32, #tpu.memory_space<vmem>>[vector<16xi32>, vector<16xi32>], vector<16xf32>,
      %gather3A_2351 = tpu.vector_load_idx %arg10[%add3A_44, %broadcast_in_dim3A_2329] : memref<256x128xf32, #tpu.memory_space<vmem>>[vector<16xi32>, vector<16xi32>], vector<16xf32>,
      %gather3A_2352 = tpu.vector_load_idx %arg11[%add3A_20, %broadcast_in_dim3A_2348] : memref<256x128xf32, #tpu.memory_space<vmem>>[vector<16xi32>, vector<16xi32>], vector<16xf32>,
      %gather3A_2353 = tpu.vector_load_idx %arg11[%add3A_44, %broadcast_in_dim3A_2348] : memref<256x128xf32, #tpu.memory_space<vmem>>[vector<16xi32>, vector<16xi32>], vector<16xf32>,
      tpu.vector_store_idx %arg12[%iota3A, %broadcast_in_dim3A_2349], %gather3A_2350 : memref<32x512xf32, #tpu.memory_space<vmem>>[vector<16xi32>, vector<16xi32>], vector<16xf32>,
      tpu.vector_store_idx %arg12[%add3A_5, %broadcast_in_dim3A_2349], %gather3A_2351 : memref<32x512xf32, #tpu.memory_space<vmem>>[vector<16xi32>, vector<16xi32>], vector<16xf32>,
      tpu.vector_store_idx %arg13[%iota3A, %broadcast_in_dim3A_2349], %gather3A_2352 : memref<32x512xf32, #tpu.memory_space<vmem>>[vector<16xi32>, vector<16xi32>], vector<16xf32>,
      tpu.vector_store_idx %arg13[%add3A_5, %broadcast_in_dim3A_2349], %gather3A_2353 : memref<32x512xf32, #tpu.memory_space<vmem>>[vector<16xi32>, vector<16xi32>], vector<16xf32>,
      %add3A_2354 = arith.constant 12 : i32
      %add3A_2355 = arith.addi %mul3A_556, %add3A_2354 : i32
      %add3A_2356 = arith.constant 1 : i32
      %add3A_2357 = arith.addi %add3A_2355, %add3A_2356 : i32
      %slice3A_2358 = vector.extract_strided_slice %get3A_558 {offsets = [13], sizes = [1], strides = [1]} : vector<16xi32> to vector<1xi32>
      %squeeze3A_2359 = vector.extract %slice3A_2358[0] : i32 from vector<1xi32>
      %jit3A_2360 = arith.constant 128 : i32
      %eq3A_2361 = arith.constant 0 : i32
      %eq3A_2362 = arith.cmpi eq, %jit3A_2360, %eq3A_2361 : i32
      %jit3A_2363 = arith.constant 1 : i32
      %select_n3A_2364 = arith.select %eq3A_2362, %jit3A_2363, %jit3A_2360 : i32
      %rem3A_2365 = arith.remsi %squeeze3A_2359, %select_n3A_2364 : i32
      %ne3A_2366 = arith.constant 0 : i32
      %ne3A_2367 = arith.cmpi ne, %rem3A_2365, %ne3A_2366 : i32
      %lt3A_2368 = arith.constant 0 : i32
      %lt3A_2369 = arith.cmpi slt, %rem3A_2365, %lt3A_2368 : i32
      %lt3A_2370 = arith.constant 0 : i32
      %lt3A_2371 = arith.cmpi slt, %select_n3A_2364, %lt3A_2370 : i32
      %ne3A_2372 = arith.xori %lt3A_2369, %lt3A_2371 : i1
      %and3A_2373 = arith.andi %ne3A_2372, %ne3A_2367 : i1
      %add3A_2374 = arith.addi %rem3A_2365, %select_n3A_2364 : i32
      %select_n3A_2375 = arith.select %and3A_2373, %add3A_2374, %rem3A_2365 : i32
      %broadcast_in_dim3A_2376 = vector.broadcast %select_n3A_2375 : i32 to vector<16xi32>
      %slice3A_2377 = vector.extract_strided_slice %get3A_560 {offsets = [13], sizes = [1], strides = [1]} : vector<16xi32> to vector<1xi32>
      %squeeze3A_2378 = vector.extract %slice3A_2377[0] : i32 from vector<1xi32>
      %jit3A_2379 = arith.constant 128 : i32
      %eq3A_2380 = arith.constant 0 : i32
      %eq3A_2381 = arith.cmpi eq, %jit3A_2379, %eq3A_2380 : i32
      %jit3A_2382 = arith.constant 1 : i32
      %select_n3A_2383 = arith.select %eq3A_2381, %jit3A_2382, %jit3A_2379 : i32
      %rem3A_2384 = arith.remsi %squeeze3A_2378, %select_n3A_2383 : i32
      %ne3A_2385 = arith.constant 0 : i32
      %ne3A_2386 = arith.cmpi ne, %rem3A_2384, %ne3A_2385 : i32
      %lt3A_2387 = arith.constant 0 : i32
      %lt3A_2388 = arith.cmpi slt, %rem3A_2384, %lt3A_2387 : i32
      %lt3A_2389 = arith.constant 0 : i32
      %lt3A_2390 = arith.cmpi slt, %select_n3A_2383, %lt3A_2389 : i32
      %ne3A_2391 = arith.xori %lt3A_2388, %lt3A_2390 : i1
      %and3A_2392 = arith.andi %ne3A_2391, %ne3A_2386 : i1
      %add3A_2393 = arith.addi %rem3A_2384, %select_n3A_2383 : i32
      %select_n3A_2394 = arith.select %and3A_2392, %add3A_2393, %rem3A_2384 : i32
      %broadcast_in_dim3A_2395 = vector.broadcast %select_n3A_2394 : i32 to vector<16xi32>
      %broadcast_in_dim3A_2396 = vector.broadcast %add3A_2357 : i32 to vector<16xi32>
      %gather3A_2397 = tpu.vector_load_idx %arg10[%add3A_23, %broadcast_in_dim3A_2376] : memref<256x128xf32, #tpu.memory_space<vmem>>[vector<16xi32>, vector<16xi32>], vector<16xf32>,
      %gather3A_2398 = tpu.vector_load_idx %arg10[%add3A_47, %broadcast_in_dim3A_2376] : memref<256x128xf32, #tpu.memory_space<vmem>>[vector<16xi32>, vector<16xi32>], vector<16xf32>,
      %gather3A_2399 = tpu.vector_load_idx %arg11[%add3A_23, %broadcast_in_dim3A_2395] : memref<256x128xf32, #tpu.memory_space<vmem>>[vector<16xi32>, vector<16xi32>], vector<16xf32>,
      %gather3A_2400 = tpu.vector_load_idx %arg11[%add3A_47, %broadcast_in_dim3A_2395] : memref<256x128xf32, #tpu.memory_space<vmem>>[vector<16xi32>, vector<16xi32>], vector<16xf32>,
      tpu.vector_store_idx %arg12[%iota3A, %broadcast_in_dim3A_2396], %gather3A_2397 : memref<32x512xf32, #tpu.memory_space<vmem>>[vector<16xi32>, vector<16xi32>], vector<16xf32>,
      tpu.vector_store_idx %arg12[%add3A_5, %broadcast_in_dim3A_2396], %gather3A_2398 : memref<32x512xf32, #tpu.memory_space<vmem>>[vector<16xi32>, vector<16xi32>], vector<16xf32>,
      tpu.vector_store_idx %arg13[%iota3A, %broadcast_in_dim3A_2396], %gather3A_2399 : memref<32x512xf32, #tpu.memory_space<vmem>>[vector<16xi32>, vector<16xi32>], vector<16xf32>,
      tpu.vector_store_idx %arg13[%add3A_5, %broadcast_in_dim3A_2396], %gather3A_2400 : memref<32x512xf32, #tpu.memory_space<vmem>>[vector<16xi32>, vector<16xi32>], vector<16xf32>,
      %slice3A_2401 = vector.extract_strided_slice %get3A_568 {offsets = [4], sizes = [1], strides = [1]} : vector<16xi32> to vector<1xi32>
      %squeeze3A_2402 = vector.extract %slice3A_2401[0] : i32 from vector<1xi32>
      %slice3A_2403 = vector.extract_strided_slice %get3A_570 {offsets = [4], sizes = [1], strides = [1]} : vector<16xi32> to vector<1xi32>
      %squeeze3A_2404 = vector.extract %slice3A_2403[0] : i32 from vector<1xi32>
      %jit3A_2405 = arith.constant 128 : i32
      %div3A_2406 = arith.divsi %squeeze3A_2402, %jit3A_2405 : i32
      %sign3A_2407 = arith.constant 0 : i32
      %sign3A_2408 = arith.cmpi sgt, %squeeze3A_2402, %sign3A_2407 : i32
      %sign3A_2409 = arith.extui %sign3A_2408 : i1 to i32
      %sign3A_2410 = arith.constant 0 : i32
      %sign3A_2411 = arith.cmpi slt, %squeeze3A_2402, %sign3A_2410 : i32
      %sign3A_2412 = arith.extui %sign3A_2411 : i1 to i32
      %sign3A_2413 = arith.subi %sign3A_2409, %sign3A_2412 : i32
      %sign3A_2414 = arith.constant 0 : i32
      %sign3A_2415 = arith.cmpi sgt, %jit3A_2405, %sign3A_2414 : i32
      %sign3A_2416 = arith.extui %sign3A_2415 : i1 to i32
      %sign3A_2417 = arith.constant 0 : i32
      %sign3A_2418 = arith.cmpi slt, %jit3A_2405, %sign3A_2417 : i32
      %sign3A_2419 = arith.extui %sign3A_2418 : i1 to i32
      %sign3A_2420 = arith.subi %sign3A_2416, %sign3A_2419 : i32
      %ne3A_2421 = arith.cmpi ne, %sign3A_2413, %sign3A_2420 : i32
      %rem3A_2422 = arith.remsi %squeeze3A_2402, %jit3A_2405 : i32
      %ne3A_2423 = arith.constant 0 : i32
      %ne3A_2424 = arith.cmpi ne, %rem3A_2422, %ne3A_2423 : i32
      %and3A_2425 = arith.andi %ne3A_2421, %ne3A_2424 : i1
      %sub3A_2426 = arith.constant 1 : i32
      %sub3A_2427 = arith.subi %div3A_2406, %sub3A_2426 : i32
      %select_n3A_2428 = arith.select %and3A_2425, %sub3A_2427, %div3A_2406 : i32
      %mul3A_2429 = arith.constant 128 : i32
      %mul3A_2430 = arith.muli %select_n3A_2428, %mul3A_2429 : i32
      %multiple_of3A_2431 = tpu.assume_multiple %mul3A_2430, 128 : i32
      %jit3A_2432 = arith.constant 128 : i32
      %div3A_2433 = arith.divsi %squeeze3A_2404, %jit3A_2432 : i32
      %sign3A_2434 = arith.constant 0 : i32
      %sign3A_2435 = arith.cmpi sgt, %squeeze3A_2404, %sign3A_2434 : i32
      %sign3A_2436 = arith.extui %sign3A_2435 : i1 to i32
      %sign3A_2437 = arith.constant 0 : i32
      %sign3A_2438 = arith.cmpi slt, %squeeze3A_2404, %sign3A_2437 : i32
      %sign3A_2439 = arith.extui %sign3A_2438 : i1 to i32
      %sign3A_2440 = arith.subi %sign3A_2436, %sign3A_2439 : i32
      %sign3A_2441 = arith.constant 0 : i32
      %sign3A_2442 = arith.cmpi sgt, %jit3A_2432, %sign3A_2441 : i32
      %sign3A_2443 = arith.extui %sign3A_2442 : i1 to i32
      %sign3A_2444 = arith.constant 0 : i32
      %sign3A_2445 = arith.cmpi slt, %jit3A_2432, %sign3A_2444 : i32
      %sign3A_2446 = arith.extui %sign3A_2445 : i1 to i32
      %sign3A_2447 = arith.subi %sign3A_2443, %sign3A_2446 : i32
      %ne3A_2448 = arith.cmpi ne, %sign3A_2440, %sign3A_2447 : i32
      %rem3A_2449 = arith.remsi %squeeze3A_2404, %jit3A_2432 : i32
      %ne3A_2450 = arith.constant 0 : i32
      %ne3A_2451 = arith.cmpi ne, %rem3A_2449, %ne3A_2450 : i32
      %and3A_2452 = arith.andi %ne3A_2448, %ne3A_2451 : i1
      %sub3A_2453 = arith.constant 1 : i32
      %sub3A_2454 = arith.subi %div3A_2433, %sub3A_2453 : i32
      %select_n3A_2455 = arith.select %and3A_2452, %sub3A_2454, %div3A_2433 : i32
      %mul3A_2456 = arith.constant 128 : i32
      %mul3A_2457 = arith.muli %select_n3A_2455, %mul3A_2456 : i32
      %multiple_of3A_2458 = tpu.assume_multiple %mul3A_2457, 128 : i32
      %dma_start3A_2459 = arith.constant 128 : i32
      %dma_start3A_2460 = arith.constant 0 : i32
      %dma_start3A_2461 = tpu.memref_slice %arg10[%dma_start3A_2459, %dma_start3A_2460] : memref<256x128xf32, #tpu.memory_space<vmem>> -> memref<32x128xf32, #tpu.memory_space<vmem>>
      %dma_start3A_2462 = arith.constant 0 : i32
      %dma_start3A_2463 = tpu.memref_slice %arg4[%dma_start3A_2462, %multiple_of3A_2431] : memref<32x1000000xf32, #tpu.memory_space<hbm>> -> memref<32x128xf32, #tpu.memory_space<hbm>>
      %dma_start3A_2464 = arith.constant 128 : i32
      %dma_start3A_2465 = arith.constant 0 : i32
      %dma_start3A_2466 = tpu.memref_slice %arg10[%dma_start3A_2464, %dma_start3A_2465] : memref<256x128xf32, #tpu.memory_space<vmem>> -> memref<32x128xf32, #tpu.memory_space<vmem>>
      %dma_start3A_2467 = arith.constant 0 : i32
      %dma_start3A_2468 = tpu.memref_slice %arg4[%dma_start3A_2467, %multiple_of3A_2431] : memref<32x1000000xf32, #tpu.memory_space<hbm>> -> memref<32x128xf32, #tpu.memory_space<hbm>>
      tpu.enqueue_dma source(%dma_start3A_2468 : memref<32x128xf32, #tpu.memory_space<hbm>>) target(%dma_start3A_2466 : memref<32x128xf32, #tpu.memory_space<vmem>>) target_semaphore(%arg16 : memref<!tpu.dma_semaphore, #tpu.memory_space<semaphore_mem>>)
      %dma_start3A_2469 = arith.constant 128 : i32
      %dma_start3A_2470 = arith.constant 0 : i32
      %dma_start3A_2471 = tpu.memref_slice %arg11[%dma_start3A_2469, %dma_start3A_2470] : memref<256x128xf32, #tpu.memory_space<vmem>> -> memref<32x128xf32, #tpu.memory_space<vmem>>
      %dma_start3A_2472 = arith.constant 0 : i32
      %dma_start3A_2473 = tpu.memref_slice %arg5[%dma_start3A_2472, %multiple_of3A_2458] : memref<32x1000001xf32, #tpu.memory_space<hbm>> -> memref<32x128xf32, #tpu.memory_space<hbm>>
      %dma_start3A_2474 = arith.constant 128 : i32
      %dma_start3A_2475 = arith.constant 0 : i32
      %dma_start3A_2476 = tpu.memref_slice %arg11[%dma_start3A_2474, %dma_start3A_2475] : memref<256x128xf32, #tpu.memory_space<vmem>> -> memref<32x128xf32, #tpu.memory_space<vmem>>
      %dma_start3A_2477 = arith.constant 0 : i32
      %dma_start3A_2478 = tpu.memref_slice %arg5[%dma_start3A_2477, %multiple_of3A_2458] : memref<32x1000001xf32, #tpu.memory_space<hbm>> -> memref<32x128xf32, #tpu.memory_space<hbm>>
      tpu.enqueue_dma source(%dma_start3A_2478 : memref<32x128xf32, #tpu.memory_space<hbm>>) target(%dma_start3A_2476 : memref<32x128xf32, #tpu.memory_space<vmem>>) target_semaphore(%arg20 : memref<!tpu.dma_semaphore, #tpu.memory_space<semaphore_mem>>)
      %slice3A_2479 = vector.extract_strided_slice %get3A_568 {offsets = [5], sizes = [1], strides = [1]} : vector<16xi32> to vector<1xi32>
      %squeeze3A_2480 = vector.extract %slice3A_2479[0] : i32 from vector<1xi32>
      %slice3A_2481 = vector.extract_strided_slice %get3A_570 {offsets = [5], sizes = [1], strides = [1]} : vector<16xi32> to vector<1xi32>
      %squeeze3A_2482 = vector.extract %slice3A_2481[0] : i32 from vector<1xi32>
      %jit3A_2483 = arith.constant 128 : i32
      %div3A_2484 = arith.divsi %squeeze3A_2480, %jit3A_2483 : i32
      %sign3A_2485 = arith.constant 0 : i32
      %sign3A_2486 = arith.cmpi sgt, %squeeze3A_2480, %sign3A_2485 : i32
      %sign3A_2487 = arith.extui %sign3A_2486 : i1 to i32
      %sign3A_2488 = arith.constant 0 : i32
      %sign3A_2489 = arith.cmpi slt, %squeeze3A_2480, %sign3A_2488 : i32
      %sign3A_2490 = arith.extui %sign3A_2489 : i1 to i32
      %sign3A_2491 = arith.subi %sign3A_2487, %sign3A_2490 : i32
      %sign3A_2492 = arith.constant 0 : i32
      %sign3A_2493 = arith.cmpi sgt, %jit3A_2483, %sign3A_2492 : i32
      %sign3A_2494 = arith.extui %sign3A_2493 : i1 to i32
      %sign3A_2495 = arith.constant 0 : i32
      %sign3A_2496 = arith.cmpi slt, %jit3A_2483, %sign3A_2495 : i32
      %sign3A_2497 = arith.extui %sign3A_2496 : i1 to i32
      %sign3A_2498 = arith.subi %sign3A_2494, %sign3A_2497 : i32
      %ne3A_2499 = arith.cmpi ne, %sign3A_2491, %sign3A_2498 : i32
      %rem3A_2500 = arith.remsi %squeeze3A_2480, %jit3A_2483 : i32
      %ne3A_2501 = arith.constant 0 : i32
      %ne3A_2502 = arith.cmpi ne, %rem3A_2500, %ne3A_2501 : i32
      %and3A_2503 = arith.andi %ne3A_2499, %ne3A_2502 : i1
      %sub3A_2504 = arith.constant 1 : i32
      %sub3A_2505 = arith.subi %div3A_2484, %sub3A_2504 : i32
      %select_n3A_2506 = arith.select %and3A_2503, %sub3A_2505, %div3A_2484 : i32
      %mul3A_2507 = arith.constant 128 : i32
      %mul3A_2508 = arith.muli %select_n3A_2506, %mul3A_2507 : i32
      %multiple_of3A_2509 = tpu.assume_multiple %mul3A_2508, 128 : i32
      %jit3A_2510 = arith.constant 128 : i32
      %div3A_2511 = arith.divsi %squeeze3A_2482, %jit3A_2510 : i32
      %sign3A_2512 = arith.constant 0 : i32
      %sign3A_2513 = arith.cmpi sgt, %squeeze3A_2482, %sign3A_2512 : i32
      %sign3A_2514 = arith.extui %sign3A_2513 : i1 to i32
      %sign3A_2515 = arith.constant 0 : i32
      %sign3A_2516 = arith.cmpi slt, %squeeze3A_2482, %sign3A_2515 : i32
      %sign3A_2517 = arith.extui %sign3A_2516 : i1 to i32
      %sign3A_2518 = arith.subi %sign3A_2514, %sign3A_2517 : i32
      %sign3A_2519 = arith.constant 0 : i32
      %sign3A_2520 = arith.cmpi sgt, %jit3A_2510, %sign3A_2519 : i32
      %sign3A_2521 = arith.extui %sign3A_2520 : i1 to i32
      %sign3A_2522 = arith.constant 0 : i32
      %sign3A_2523 = arith.cmpi slt, %jit3A_2510, %sign3A_2522 : i32
      %sign3A_2524 = arith.extui %sign3A_2523 : i1 to i32
      %sign3A_2525 = arith.subi %sign3A_2521, %sign3A_2524 : i32
      %ne3A_2526 = arith.cmpi ne, %sign3A_2518, %sign3A_2525 : i32
      %rem3A_2527 = arith.remsi %squeeze3A_2482, %jit3A_2510 : i32
      %ne3A_2528 = arith.constant 0 : i32
      %ne3A_2529 = arith.cmpi ne, %rem3A_2527, %ne3A_2528 : i32
      %and3A_2530 = arith.andi %ne3A_2526, %ne3A_2529 : i1
      %sub3A_2531 = arith.constant 1 : i32
      %sub3A_2532 = arith.subi %div3A_2511, %sub3A_2531 : i32
      %select_n3A_2533 = arith.select %and3A_2530, %sub3A_2532, %div3A_2511 : i32
      %mul3A_2534 = arith.constant 128 : i32
      %mul3A_2535 = arith.muli %select_n3A_2533, %mul3A_2534 : i32
      %multiple_of3A_2536 = tpu.assume_multiple %mul3A_2535, 128 : i32
      %dma_start3A_2537 = arith.constant 160 : i32
      %dma_start3A_2538 = arith.constant 0 : i32
      %dma_start3A_2539 = tpu.memref_slice %arg10[%dma_start3A_2537, %dma_start3A_2538] : memref<256x128xf32, #tpu.memory_space<vmem>> -> memref<32x128xf32, #tpu.memory_space<vmem>>
      %dma_start3A_2540 = arith.constant 0 : i32
      %dma_start3A_2541 = tpu.memref_slice %arg4[%dma_start3A_2540, %multiple_of3A_2509] : memref<32x1000000xf32, #tpu.memory_space<hbm>> -> memref<32x128xf32, #tpu.memory_space<hbm>>
      %dma_start3A_2542 = arith.constant 160 : i32
      %dma_start3A_2543 = arith.constant 0 : i32
      %dma_start3A_2544 = tpu.memref_slice %arg10[%dma_start3A_2542, %dma_start3A_2543] : memref<256x128xf32, #tpu.memory_space<vmem>> -> memref<32x128xf32, #tpu.memory_space<vmem>>
      %dma_start3A_2545 = arith.constant 0 : i32
      %dma_start3A_2546 = tpu.memref_slice %arg4[%dma_start3A_2545, %multiple_of3A_2509] : memref<32x1000000xf32, #tpu.memory_space<hbm>> -> memref<32x128xf32, #tpu.memory_space<hbm>>
      tpu.enqueue_dma source(%dma_start3A_2546 : memref<32x128xf32, #tpu.memory_space<hbm>>) target(%dma_start3A_2544 : memref<32x128xf32, #tpu.memory_space<vmem>>) target_semaphore(%arg16 : memref<!tpu.dma_semaphore, #tpu.memory_space<semaphore_mem>>)
      %dma_start3A_2547 = arith.constant 160 : i32
      %dma_start3A_2548 = arith.constant 0 : i32
      %dma_start3A_2549 = tpu.memref_slice %arg11[%dma_start3A_2547, %dma_start3A_2548] : memref<256x128xf32, #tpu.memory_space<vmem>> -> memref<32x128xf32, #tpu.memory_space<vmem>>
      %dma_start3A_2550 = arith.constant 0 : i32
      %dma_start3A_2551 = tpu.memref_slice %arg5[%dma_start3A_2550, %multiple_of3A_2536] : memref<32x1000001xf32, #tpu.memory_space<hbm>> -> memref<32x128xf32, #tpu.memory_space<hbm>>
      %dma_start3A_2552 = arith.constant 160 : i32
      %dma_start3A_2553 = arith.constant 0 : i32
      %dma_start3A_2554 = tpu.memref_slice %arg11[%dma_start3A_2552, %dma_start3A_2553] : memref<256x128xf32, #tpu.memory_space<vmem>> -> memref<32x128xf32, #tpu.memory_space<vmem>>
      %dma_start3A_2555 = arith.constant 0 : i32
      %dma_start3A_2556 = tpu.memref_slice %arg5[%dma_start3A_2555, %multiple_of3A_2536] : memref<32x1000001xf32, #tpu.memory_space<hbm>> -> memref<32x128xf32, #tpu.memory_space<hbm>>
      tpu.enqueue_dma source(%dma_start3A_2556 : memref<32x128xf32, #tpu.memory_space<hbm>>) target(%dma_start3A_2554 : memref<32x128xf32, #tpu.memory_space<vmem>>) target_semaphore(%arg20 : memref<!tpu.dma_semaphore, #tpu.memory_space<semaphore_mem>>)
      %dma_wait3A_2557 = arith.constant 192 : i32
      %dma_wait3A_2558 = arith.constant 0 : i32
      %dma_wait3A_2559 = tpu.memref_slice %arg10[%dma_wait3A_2557, %dma_wait3A_2558] : memref<256x128xf32, #tpu.memory_space<vmem>> -> memref<64x128xf32, #tpu.memory_space<vmem>>
      %dma_wait3A_2560 = arith.constant 192 : i32
      %dma_wait3A_2561 = arith.constant 0 : i32
      %dma_wait3A_2562 = tpu.memref_slice %arg10[%dma_wait3A_2560, %dma_wait3A_2561] : memref<256x128xf32, #tpu.memory_space<vmem>> -> memref<64x128xf32, #tpu.memory_space<vmem>>
      tpu.wait_dma2 semaphore(%arg17 : memref<!tpu.dma_semaphore, #tpu.memory_space<semaphore_mem>>) src(%arg6 : memref<64x128xf32, #tpu.memory_space<hbm>>) dst(%dma_wait3A_2562 : memref<64x128xf32, #tpu.memory_space<vmem>>)
      %dma_wait3A_2563 = arith.constant 192 : i32
      %dma_wait3A_2564 = arith.constant 0 : i32
      %dma_wait3A_2565 = tpu.memref_slice %arg11[%dma_wait3A_2563, %dma_wait3A_2564] : memref<256x128xf32, #tpu.memory_space<vmem>> -> memref<64x128xf32, #tpu.memory_space<vmem>>
      %dma_wait3A_2566 = arith.constant 192 : i32
      %dma_wait3A_2567 = arith.constant 0 : i32
      %dma_wait3A_2568 = tpu.memref_slice %arg11[%dma_wait3A_2566, %dma_wait3A_2567] : memref<256x128xf32, #tpu.memory_space<vmem>> -> memref<64x128xf32, #tpu.memory_space<vmem>>
      tpu.wait_dma2 semaphore(%arg21 : memref<!tpu.dma_semaphore, #tpu.memory_space<semaphore_mem>>) src(%arg6 : memref<64x128xf32, #tpu.memory_space<hbm>>) dst(%dma_wait3A_2568 : memref<64x128xf32, #tpu.memory_space<vmem>>)
      %add3A_2569 = arith.constant 14 : i32
      %add3A_2570 = arith.addi %mul3A_556, %add3A_2569 : i32
      %add3A_2571 = arith.constant 0 : i32
      %add3A_2572 = arith.addi %add3A_2570, %add3A_2571 : i32
      %slice3A_2573 = vector.extract_strided_slice %get3A_558 {offsets = [14], sizes = [1], strides = [1]} : vector<16xi32> to vector<1xi32>
      %squeeze3A_2574 = vector.extract %slice3A_2573[0] : i32 from vector<1xi32>
      %jit3A_2575 = arith.constant 128 : i32
      %eq3A_2576 = arith.constant 0 : i32
      %eq3A_2577 = arith.cmpi eq, %jit3A_2575, %eq3A_2576 : i32
      %jit3A_2578 = arith.constant 1 : i32
      %select_n3A_2579 = arith.select %eq3A_2577, %jit3A_2578, %jit3A_2575 : i32
      %rem3A_2580 = arith.remsi %squeeze3A_2574, %select_n3A_2579 : i32
      %ne3A_2581 = arith.constant 0 : i32
      %ne3A_2582 = arith.cmpi ne, %rem3A_2580, %ne3A_2581 : i32
      %lt3A_2583 = arith.constant 0 : i32
      %lt3A_2584 = arith.cmpi slt, %rem3A_2580, %lt3A_2583 : i32
      %lt3A_2585 = arith.constant 0 : i32
      %lt3A_2586 = arith.cmpi slt, %select_n3A_2579, %lt3A_2585 : i32
      %ne3A_2587 = arith.xori %lt3A_2584, %lt3A_2586 : i1
      %and3A_2588 = arith.andi %ne3A_2587, %ne3A_2582 : i1
      %add3A_2589 = arith.addi %rem3A_2580, %select_n3A_2579 : i32
      %select_n3A_2590 = arith.select %and3A_2588, %add3A_2589, %rem3A_2580 : i32
      %broadcast_in_dim3A_2591 = vector.broadcast %select_n3A_2590 : i32 to vector<16xi32>
      %slice3A_2592 = vector.extract_strided_slice %get3A_560 {offsets = [14], sizes = [1], strides = [1]} : vector<16xi32> to vector<1xi32>
      %squeeze3A_2593 = vector.extract %slice3A_2592[0] : i32 from vector<1xi32>
      %jit3A_2594 = arith.constant 128 : i32
      %eq3A_2595 = arith.constant 0 : i32
      %eq3A_2596 = arith.cmpi eq, %jit3A_2594, %eq3A_2595 : i32
      %jit3A_2597 = arith.constant 1 : i32
      %select_n3A_2598 = arith.select %eq3A_2596, %jit3A_2597, %jit3A_2594 : i32
      %rem3A_2599 = arith.remsi %squeeze3A_2593, %select_n3A_2598 : i32
      %ne3A_2600 = arith.constant 0 : i32
      %ne3A_2601 = arith.cmpi ne, %rem3A_2599, %ne3A_2600 : i32
      %lt3A_2602 = arith.constant 0 : i32
      %lt3A_2603 = arith.cmpi slt, %rem3A_2599, %lt3A_2602 : i32
      %lt3A_2604 = arith.constant 0 : i32
      %lt3A_2605 = arith.cmpi slt, %select_n3A_2598, %lt3A_2604 : i32
      %ne3A_2606 = arith.xori %lt3A_2603, %lt3A_2605 : i1
      %and3A_2607 = arith.andi %ne3A_2606, %ne3A_2601 : i1
      %add3A_2608 = arith.addi %rem3A_2599, %select_n3A_2598 : i32
      %select_n3A_2609 = arith.select %and3A_2607, %add3A_2608, %rem3A_2599 : i32
      %broadcast_in_dim3A_2610 = vector.broadcast %select_n3A_2609 : i32 to vector<16xi32>
      %broadcast_in_dim3A_2611 = vector.broadcast %add3A_2572 : i32 to vector<16xi32>
      %gather3A_2612 = tpu.vector_load_idx %arg10[%add3A_26, %broadcast_in_dim3A_2591] : memref<256x128xf32, #tpu.memory_space<vmem>>[vector<16xi32>, vector<16xi32>], vector<16xf32>,
      %gather3A_2613 = tpu.vector_load_idx %arg10[%add3A_50, %broadcast_in_dim3A_2591] : memref<256x128xf32, #tpu.memory_space<vmem>>[vector<16xi32>, vector<16xi32>], vector<16xf32>,
      %gather3A_2614 = tpu.vector_load_idx %arg11[%add3A_26, %broadcast_in_dim3A_2610] : memref<256x128xf32, #tpu.memory_space<vmem>>[vector<16xi32>, vector<16xi32>], vector<16xf32>,
      %gather3A_2615 = tpu.vector_load_idx %arg11[%add3A_50, %broadcast_in_dim3A_2610] : memref<256x128xf32, #tpu.memory_space<vmem>>[vector<16xi32>, vector<16xi32>], vector<16xf32>,
      tpu.vector_store_idx %arg12[%iota3A, %broadcast_in_dim3A_2611], %gather3A_2612 : memref<32x512xf32, #tpu.memory_space<vmem>>[vector<16xi32>, vector<16xi32>], vector<16xf32>,
      tpu.vector_store_idx %arg12[%add3A_5, %broadcast_in_dim3A_2611], %gather3A_2613 : memref<32x512xf32, #tpu.memory_space<vmem>>[vector<16xi32>, vector<16xi32>], vector<16xf32>,
      tpu.vector_store_idx %arg13[%iota3A, %broadcast_in_dim3A_2611], %gather3A_2614 : memref<32x512xf32, #tpu.memory_space<vmem>>[vector<16xi32>, vector<16xi32>], vector<16xf32>,
      tpu.vector_store_idx %arg13[%add3A_5, %broadcast_in_dim3A_2611], %gather3A_2615 : memref<32x512xf32, #tpu.memory_space<vmem>>[vector<16xi32>, vector<16xi32>], vector<16xf32>,
      %add3A_2616 = arith.constant 14 : i32
      %add3A_2617 = arith.addi %mul3A_556, %add3A_2616 : i32
      %add3A_2618 = arith.constant 1 : i32
      %add3A_2619 = arith.addi %add3A_2617, %add3A_2618 : i32
      %slice3A_2620 = vector.extract_strided_slice %get3A_558 {offsets = [15], sizes = [1], strides = [1]} : vector<16xi32> to vector<1xi32>
      %squeeze3A_2621 = vector.extract %slice3A_2620[0] : i32 from vector<1xi32>
      %jit3A_2622 = arith.constant 128 : i32
      %eq3A_2623 = arith.constant 0 : i32
      %eq3A_2624 = arith.cmpi eq, %jit3A_2622, %eq3A_2623 : i32
      %jit3A_2625 = arith.constant 1 : i32
      %select_n3A_2626 = arith.select %eq3A_2624, %jit3A_2625, %jit3A_2622 : i32
      %rem3A_2627 = arith.remsi %squeeze3A_2621, %select_n3A_2626 : i32
      %ne3A_2628 = arith.constant 0 : i32
      %ne3A_2629 = arith.cmpi ne, %rem3A_2627, %ne3A_2628 : i32
      %lt3A_2630 = arith.constant 0 : i32
      %lt3A_2631 = arith.cmpi slt, %rem3A_2627, %lt3A_2630 : i32
      %lt3A_2632 = arith.constant 0 : i32
      %lt3A_2633 = arith.cmpi slt, %select_n3A_2626, %lt3A_2632 : i32
      %ne3A_2634 = arith.xori %lt3A_2631, %lt3A_2633 : i1
      %and3A_2635 = arith.andi %ne3A_2634, %ne3A_2629 : i1
      %add3A_2636 = arith.addi %rem3A_2627, %select_n3A_2626 : i32
      %select_n3A_2637 = arith.select %and3A_2635, %add3A_2636, %rem3A_2627 : i32
      %broadcast_in_dim3A_2638 = vector.broadcast %select_n3A_2637 : i32 to vector<16xi32>
      %slice3A_2639 = vector.extract_strided_slice %get3A_560 {offsets = [15], sizes = [1], strides = [1]} : vector<16xi32> to vector<1xi32>
      %squeeze3A_2640 = vector.extract %slice3A_2639[0] : i32 from vector<1xi32>
      %jit3A_2641 = arith.constant 128 : i32
      %eq3A_2642 = arith.constant 0 : i32
      %eq3A_2643 = arith.cmpi eq, %jit3A_2641, %eq3A_2642 : i32
      %jit3A_2644 = arith.constant 1 : i32
      %select_n3A_2645 = arith.select %eq3A_2643, %jit3A_2644, %jit3A_2641 : i32
      %rem3A_2646 = arith.remsi %squeeze3A_2640, %select_n3A_2645 : i32
      %ne3A_2647 = arith.constant 0 : i32
      %ne3A_2648 = arith.cmpi ne, %rem3A_2646, %ne3A_2647 : i32
      %lt3A_2649 = arith.constant 0 : i32
      %lt3A_2650 = arith.cmpi slt, %rem3A_2646, %lt3A_2649 : i32
      %lt3A_2651 = arith.constant 0 : i32
      %lt3A_2652 = arith.cmpi slt, %select_n3A_2645, %lt3A_2651 : i32
      %ne3A_2653 = arith.xori %lt3A_2650, %lt3A_2652 : i1
      %and3A_2654 = arith.andi %ne3A_2653, %ne3A_2648 : i1
      %add3A_2655 = arith.addi %rem3A_2646, %select_n3A_2645 : i32
      %select_n3A_2656 = arith.select %and3A_2654, %add3A_2655, %rem3A_2646 : i32
      %broadcast_in_dim3A_2657 = vector.broadcast %select_n3A_2656 : i32 to vector<16xi32>
      %broadcast_in_dim3A_2658 = vector.broadcast %add3A_2619 : i32 to vector<16xi32>
      %gather3A_2659 = tpu.vector_load_idx %arg10[%add3A_29, %broadcast_in_dim3A_2638] : memref<256x128xf32, #tpu.memory_space<vmem>>[vector<16xi32>, vector<16xi32>], vector<16xf32>,
      %gather3A_2660 = tpu.vector_load_idx %arg10[%add3A_53, %broadcast_in_dim3A_2638] : memref<256x128xf32, #tpu.memory_space<vmem>>[vector<16xi32>, vector<16xi32>], vector<16xf32>,
      %gather3A_2661 = tpu.vector_load_idx %arg11[%add3A_29, %broadcast_in_dim3A_2657] : memref<256x128xf32, #tpu.memory_space<vmem>>[vector<16xi32>, vector<16xi32>], vector<16xf32>,
      %gather3A_2662 = tpu.vector_load_idx %arg11[%add3A_53, %broadcast_in_dim3A_2657] : memref<256x128xf32, #tpu.memory_space<vmem>>[vector<16xi32>, vector<16xi32>], vector<16xf32>,
      tpu.vector_store_idx %arg12[%iota3A, %broadcast_in_dim3A_2658], %gather3A_2659 : memref<32x512xf32, #tpu.memory_space<vmem>>[vector<16xi32>, vector<16xi32>], vector<16xf32>,
      tpu.vector_store_idx %arg12[%add3A_5, %broadcast_in_dim3A_2658], %gather3A_2660 : memref<32x512xf32, #tpu.memory_space<vmem>>[vector<16xi32>, vector<16xi32>], vector<16xf32>,
      tpu.vector_store_idx %arg13[%iota3A, %broadcast_in_dim3A_2658], %gather3A_2661 : memref<32x512xf32, #tpu.memory_space<vmem>>[vector<16xi32>, vector<16xi32>], vector<16xf32>,
      tpu.vector_store_idx %arg13[%add3A_5, %broadcast_in_dim3A_2658], %gather3A_2662 : memref<32x512xf32, #tpu.memory_space<vmem>>[vector<16xi32>, vector<16xi32>], vector<16xf32>,
    }
    %scan3A_517 = arith.constant 32 : i32
    %dma_wait3A = arith.constant 0 : i32
    %dma_wait3A_518 = arith.constant 0 : i32
    %dma_wait3A_519 = tpu.memref_slice %arg10[%dma_wait3A, %dma_wait3A_518] : memref<256x128xf32, #tpu.memory_space<vmem>> -> memref<64x128xf32, #tpu.memory_space<vmem>>
    %dma_wait3A_520 = arith.constant 0 : i32
    %dma_wait3A_521 = arith.constant 0 : i32
    %dma_wait3A_522 = tpu.memref_slice %arg10[%dma_wait3A_520, %dma_wait3A_521] : memref<256x128xf32, #tpu.memory_space<vmem>> -> memref<64x128xf32, #tpu.memory_space<vmem>>
    tpu.wait_dma2 semaphore(%arg14 : memref<!tpu.dma_semaphore, #tpu.memory_space<semaphore_mem>>) src(%arg6 : memref<64x128xf32, #tpu.memory_space<hbm>>) dst(%dma_wait3A_522 : memref<64x128xf32, #tpu.memory_space<vmem>>)
    %dma_wait3A_523 = arith.constant 0 : i32
    %dma_wait3A_524 = arith.constant 0 : i32
    %dma_wait3A_525 = tpu.memref_slice %arg11[%dma_wait3A_523, %dma_wait3A_524] : memref<256x128xf32, #tpu.memory_space<vmem>> -> memref<64x128xf32, #tpu.memory_space<vmem>>
    %dma_wait3A_526 = arith.constant 0 : i32
    %dma_wait3A_527 = arith.constant 0 : i32
    %dma_wait3A_528 = tpu.memref_slice %arg11[%dma_wait3A_526, %dma_wait3A_527] : memref<256x128xf32, #tpu.memory_space<vmem>> -> memref<64x128xf32, #tpu.memory_space<vmem>>
    tpu.wait_dma2 semaphore(%arg18 : memref<!tpu.dma_semaphore, #tpu.memory_space<semaphore_mem>>) src(%arg6 : memref<64x128xf32, #tpu.memory_space<hbm>>) dst(%dma_wait3A_528 : memref<64x128xf32, #tpu.memory_space<vmem>>)
    %dma_wait3A_529 = arith.constant 64 : i32
    %dma_wait3A_530 = arith.constant 0 : i32
    %dma_wait3A_531 = tpu.memref_slice %arg10[%dma_wait3A_529, %dma_wait3A_530] : memref<256x128xf32, #tpu.memory_space<vmem>> -> memref<64x128xf32, #tpu.memory_space<vmem>>
    %dma_wait3A_532 = arith.constant 64 : i32
    %dma_wait3A_533 = arith.constant 0 : i32
    %dma_wait3A_534 = tpu.memref_slice %arg10[%dma_wait3A_532, %dma_wait3A_533] : memref<256x128xf32, #tpu.memory_space<vmem>> -> memref<64x128xf32, #tpu.memory_space<vmem>>
    tpu.wait_dma2 semaphore(%arg15 : memref<!tpu.dma_semaphore, #tpu.memory_space<semaphore_mem>>) src(%arg6 : memref<64x128xf32, #tpu.memory_space<hbm>>) dst(%dma_wait3A_534 : memref<64x128xf32, #tpu.memory_space<vmem>>)
    %dma_wait3A_535 = arith.constant 64 : i32
    %dma_wait3A_536 = arith.constant 0 : i32
    %dma_wait3A_537 = tpu.memref_slice %arg11[%dma_wait3A_535, %dma_wait3A_536] : memref<256x128xf32, #tpu.memory_space<vmem>> -> memref<64x128xf32, #tpu.memory_space<vmem>>
    %dma_wait3A_538 = arith.constant 64 : i32
    %dma_wait3A_539 = arith.constant 0 : i32
    %dma_wait3A_540 = tpu.memref_slice %arg11[%dma_wait3A_538, %dma_wait3A_539] : memref<256x128xf32, #tpu.memory_space<vmem>> -> memref<64x128xf32, #tpu.memory_space<vmem>>
    tpu.wait_dma2 semaphore(%arg19 : memref<!tpu.dma_semaphore, #tpu.memory_space<semaphore_mem>>) src(%arg6 : memref<64x128xf32, #tpu.memory_space<hbm>>) dst(%dma_wait3A_540 : memref<64x128xf32, #tpu.memory_space<vmem>>)
    %dma_wait3A_541 = arith.constant 128 : i32
    %dma_wait3A_542 = arith.constant 0 : i32
    %dma_wait3A_543 = tpu.memref_slice %arg10[%dma_wait3A_541, %dma_wait3A_542] : memref<256x128xf32, #tpu.memory_space<vmem>> -> memref<64x128xf32, #tpu.memory_space<vmem>>
    %dma_wait3A_544 = arith.constant 128 : i32
    %dma_wait3A_545 = arith.constant 0 : i32
    %dma_wait3A_546 = tpu.memref_slice %arg10[%dma_wait3A_544, %dma_wait3A_545] : memref<256x128xf32, #tpu.memory_space<vmem>> -> memref<64x128xf32, #tpu.memory_space<vmem>>
    tpu.wait_dma2 semaphore(%arg16 : memref<!tpu.dma_semaphore, #tpu.memory_space<semaphore_mem>>) src(%arg6 : memref<64x128xf32, #tpu.memory_space<hbm>>) dst(%dma_wait3A_546 : memref<64x128xf32, #tpu.memory_space<vmem>>)
    %dma_wait3A_547 = arith.constant 128 : i32
    %dma_wait3A_548 = arith.constant 0 : i32
    %dma_wait3A_549 = tpu.memref_slice %arg11[%dma_wait3A_547, %dma_wait3A_548] : memref<256x128xf32, #tpu.memory_space<vmem>> -> memref<64x128xf32, #tpu.memory_space<vmem>>
    %dma_wait3A_550 = arith.constant 128 : i32
    %dma_wait3A_551 = arith.constant 0 : i32
    %dma_wait3A_552 = tpu.memref_slice %arg11[%dma_wait3A_550, %dma_wait3A_551] : memref<256x128xf32, #tpu.memory_space<vmem>> -> memref<64x128xf32, #tpu.memory_space<vmem>>
    tpu.wait_dma2 semaphore(%arg20 : memref<!tpu.dma_semaphore, #tpu.memory_space<semaphore_mem>>) src(%arg6 : memref<64x128xf32, #tpu.memory_space<hbm>>) dst(%dma_wait3A_552 : memref<64x128xf32, #tpu.memory_space<vmem>>)
    %run_scoped3A = arith.constant 0 : i32
    "tpu.region"() ({
      %run_scoped3A_554 = tpu.sem_alloc : memref<!tpu.dma_semaphore, #tpu.memory_space<semaphore_mem>>
      %dma_start3A_555 = arith.constant 0 : i32
      %dma_start3A_556 = tpu.memref_slice %arg7[%run_scoped3A, %dma_start3A_555, %mul3A_2] : memref<2x32x16384xf32, #tpu.memory_space<hbm>> -> memref<1x32x512xf32, #tpu.memory_space<hbm>>
      %dma_start3A_557 = tpu.memref_squeeze %dma_start3A_556 : memref<1x32x512xf32, #tpu.memory_space<hbm>> -> memref<32x512xf32, #tpu.memory_space<hbm>>
      %dma_start3A_558 = arith.constant 0 : i32
      %dma_start3A_559 = tpu.memref_slice %arg7[%run_scoped3A, %dma_start3A_558, %mul3A_2] : memref<2x32x16384xf32, #tpu.memory_space<hbm>> -> memref<1x32x512xf32, #tpu.memory_space<hbm>>
      %dma_start3A_560 = tpu.memref_squeeze %dma_start3A_559 : memref<1x32x512xf32, #tpu.memory_space<hbm>> -> memref<32x512xf32, #tpu.memory_space<hbm>>
      tpu.enqueue_dma source(%arg12 : memref<32x512xf32, #tpu.memory_space<vmem>>) target(%dma_start3A_560 : memref<32x512xf32, #tpu.memory_space<hbm>>) target_semaphore(%run_scoped3A_554 : memref<!tpu.dma_semaphore, #tpu.memory_space<semaphore_mem>>)
      %dma_wait3A_561 = arith.constant 0 : i32
      %dma_wait3A_562 = tpu.memref_slice %arg7[%run_scoped3A, %dma_wait3A_561, %mul3A_2] : memref<2x32x16384xf32, #tpu.memory_space<hbm>> -> memref<1x32x512xf32, #tpu.memory_space<hbm>>
      %dma_wait3A_563 = tpu.memref_squeeze %dma_wait3A_562 : memref<1x32x512xf32, #tpu.memory_space<hbm>> -> memref<32x512xf32, #tpu.memory_space<hbm>>
      %dma_wait3A_564 = arith.constant 0 : i32
      %dma_wait3A_565 = tpu.memref_slice %arg7[%run_scoped3A, %dma_wait3A_564, %mul3A_2] : memref<2x32x16384xf32, #tpu.memory_space<hbm>> -> memref<1x32x512xf32, #tpu.memory_space<hbm>>
      %dma_wait3A_566 = tpu.memref_squeeze %dma_wait3A_565 : memref<1x32x512xf32, #tpu.memory_space<hbm>> -> memref<32x512xf32, #tpu.memory_space<hbm>>
      tpu.wait_dma2 semaphore(%run_scoped3A_554 : memref<!tpu.dma_semaphore, #tpu.memory_space<semaphore_mem>>) src(%arg12 : memref<32x512xf32, #tpu.memory_space<vmem>>) dst(%dma_wait3A_566 : memref<32x512xf32, #tpu.memory_space<hbm>>)
      tpu.yield
    }) : () -> ()
    %run_scoped3A_553 = arith.constant 1 : i32
    "tpu.region"() ({
      %run_scoped3A_554 = tpu.sem_alloc : memref<!tpu.dma_semaphore, #tpu.memory_space<semaphore_mem>>
      %dma_start3A_555 = arith.constant 0 : i32
      %dma_start3A_556 = tpu.memref_slice %arg7[%run_scoped3A_553, %dma_start3A_555, %mul3A_2] : memref<2x32x16384xf32, #tpu.memory_space<hbm>> -> memref<1x32x512xf32, #tpu.memory_space<hbm>>
      %dma_start3A_557 = tpu.memref_squeeze %dma_start3A_556 : memref<1x32x512xf32, #tpu.memory_space<hbm>> -> memref<32x512xf32, #tpu.memory_space<hbm>>
      %dma_start3A_558 = arith.constant 0 : i32
      %dma_start3A_559 = tpu.memref_slice %arg7[%run_scoped3A_553, %dma_start3A_558, %mul3A_2] : memref<2x32x16384xf32, #tpu.memory_space<hbm>> -> memref<1x32x512xf32, #tpu.memory_space<hbm>>
      %dma_start3A_560 = tpu.memref_squeeze %dma_start3A_559 : memref<1x32x512xf32, #tpu.memory_space<hbm>> -> memref<32x512xf32, #tpu.memory_space<hbm>>
      tpu.enqueue_dma source(%arg13 : memref<32x512xf32, #tpu.memory_space<vmem>>) target(%dma_start3A_560 : memref<32x512xf32, #tpu.memory_space<hbm>>) target_semaphore(%run_scoped3A_554 : memref<!tpu.dma_semaphore, #tpu.memory_space<semaphore_mem>>)
      %dma_wait3A_561 = arith.constant 0 : i32
      %dma_wait3A_562 = tpu.memref_slice %arg7[%run_scoped3A_553, %dma_wait3A_561, %mul3A_2] : memref<2x32x16384xf32, #tpu.memory_space<hbm>> -> memref<1x32x512xf32, #tpu.memory_space<hbm>>
      %dma_wait3A_563 = tpu.memref_squeeze %dma_wait3A_562 : memref<1x32x512xf32, #tpu.memory_space<hbm>> -> memref<32x512xf32, #tpu.memory_space<hbm>>
      %dma_wait3A_564 = arith.constant 0 : i32
      %dma_wait3A_565 = tpu.memref_slice %arg7[%run_scoped3A_553, %dma_wait3A_564, %mul3A_2] : memref<2x32x16384xf32, #tpu.memory_space<hbm>> -> memref<1x32x512xf32, #tpu.memory_space<hbm>>
      %dma_wait3A_566 = tpu.memref_squeeze %dma_wait3A_565 : memref<1x32x512xf32, #tpu.memory_space<hbm>> -> memref<32x512xf32, #tpu.memory_space<hbm>>
      tpu.wait_dma2 semaphore(%run_scoped3A_554 : memref<!tpu.dma_semaphore, #tpu.memory_space<semaphore_mem>>) src(%arg13 : memref<32x512xf32, #tpu.memory_space<vmem>>) dst(%dma_wait3A_566 : memref<32x512xf32, #tpu.memory_space<hbm>>)
      tpu.yield
    }) : () -> ()
    return
  }
}

</mosaic_0001>

<sc_bundles>
// kernel: kernel.3.cloned.1.call-start
scs
__scs_entry_jumppad:
0x0: {  	(pc) =	sbr.rel $0x88, $3  }
0x1: {  	(tag) =	ssettag $0x0;
	lr =	simm.s32 $0x1  }
0x2: {  	[smem:$0x3F9E] =	sst lr;
	_ =	strace $0xD0000000  }
0x3: {  	_ = 	snop  }
0x4: {  	_ = 	snop  }
0x5: {  	_ = 	snop  }
0x6: {  	_ = 	snop  }
0x7: {  	_ = 	snop  }
__scs_overlays_trampoline_lowered:
0x8: {  	[smem:$0x3FAD] =	sst s0  }
0x9: {  	[smem:$0x3FAE] =	sst s1  }
0xa: {  	[smem:$0x3FAF] =	sst s2  }
0xb: {  	[smem:$0x3FB0] =	sst s3  }
0xc: {  	[smem:$0x3FB1] =	sst s4  }
0xd: {  	[smem:$0x3FB2] =	sst s5  }
0xe: {  	[smem:$0x3FB3] =	sst s6  }
0xf: {  	[smem:$0x3FB4] =	sst s7  }
0x10: {  	[smem:$0x3FB5] =	sst s8  }
0x11: {  	[smem:$0x3FB6] =	sst s9;
	s0 =	simm.s32 @!p0 $0x0  }
0x12: {  	s1 =	sld [smem:$0x3F9C];
	s0 =	simm.s32 @p0 $0x1  }
0x13: {  	[smem:$0x3FB7] =	sst s0;
	s0 =	simm.s32 @!p1 $0x0  }
0x14: {  	s2 =	sld [smem:$0x3F9B];
	s0 =	simm.s32 @p1 $0x1  }
0x15: {  	[smem:$0x3FB8] =	sst s0;
	s0 =	simm.s32 @!p2 $0x0  }
0x16: {  	s3 =	sld [smem:$0x3FDB];
	s0 =	simm.s32 @p2 $0x1  }
0x17: {  	s4 =	simm.s32 $0x1BF5;
	[smem:$0x3FBA] =	sst s0  }
0x18: {  	s0 =	sld [smem:$0x3F9D];
	_ =	swait.ge [sflag:s4], $0x0  }
0x19: {  	s7 =	sld [smem:$0x3F9E]  }
0x1a: {  	s8 =	sadd.s32 $0xFFFFE003, lr  }
0x1b: {  	s9 =	sadd.s32 $0xFFFFFEF7, lr;
	s5 =	simm.s32 $0xFFFFFFFF;
	p2 =	slt.u32 s8, $0xFFFFF086  }
0x1c: {  	p1 =	slt.u32 s9, $0xF7A;
	s5 =	simm.s32 @!p2 $0x0  }
0x1d: {  	s5 =	simm.s32 @p1 $0x1;
	p0 =	seq.s32 s7, s2  }
0x1e: {  	s7 =	smul.u32 @!p0 $0xF7A, s2;
	p2 =	seq.s32 @!p0 s5, $0x0  }
0x1f: {  	s9 =	smul.u32 $0xF7A, s1;
	s8 =	simm.s32 @!p0 $0x1BF5;
	p2 =	por !p2, p0  }
0x20: {  	[sflag:s8] =	ssyncset.s32 @!p0 $0xFFFFF086;
	s6 =	sadd.s32 @!p0 s3, s7;
	s7 =	simm.s32 @!p0 $0x108  }
0x21: {  	s3 =	sadd.s32 s3, s9;
	s6 =	sadd.s32 @!p0 $0x88, s6;
	s7 =	simm.s32 @p2 $0x1082  }
0x22: {  	[simem:s7], [sflag:s8] =	dma.local @!p0 [hbm:s6], $0xF7A  }
0x23: {  	s9 =	sor.u32 $0xD0000000, s2;
	s6 =	simm.s32 $0x108;
	_ =	swait.ge @!p0 [sflag:s8], $0x0  }
0x24: {  	s3 =	sadd.s32 $0x88, s3;
	s6 =	simm.s32 @!p1 $0x1082;
	[sflag:s4] =	ssyncset.s32 $0xFFFFF086  }
0x25: {  	[simem:s6], [sflag:s4] =	dma.local [hbm:s3], $0xF7A  }
0x26: {  	[smem:$0x3F9E] =	sst s1;
	(tag) =	ssettag s2;
	_ =	strace s9  }
0x27: {  	s1 =	sld [smem:$0x3FAE]  }
0x28: {  	s2 =	sld [smem:$0x3FAF]  }
0x29: {  	s4 =	sld [smem:$0x3FB1]  }
0x2a: {  	p0 =	seq.s32 s5, $0x0;
	s5 =	sld [smem:$0x3FB2]  }
0x2b: {  	s6 =	sld [smem:$0x3FB3]  }
0x2c: {  	s7 =	sld [smem:$0x3FB4]  }
0x2d: {  	s3 =	simm.s32 $0x108;
	s8 =	sld [smem:$0x3FB5]  }
0x2e: {  	s3 =	simm.s32 @!p0 $0x1082;
	s9 =	sld [smem:$0x3FB6]  }
0x2f: {  	lr =	sadd.s32 s0, s3;
	s0 =	sld [smem:$0x3FAD]  }
0x30: {  	s3 =	sld [smem:$0x3FB0]  }
0x31: {  	[smem:$0x3FB9] =	sst s10  }
0x32: {  	s10 =	sld [smem:$0x3FB7];
	_ =	sdelay $0x3  }
0x33: {  	p0 =	seq.s32 s10, $0x1;
	s10 =	sld [smem:$0x3FB9];
	_ =	sdelay $0x3  }
0x34: {  	[smem:$0x3FB9] =	sst s10  }
0x35: {  	s10 =	sld [smem:$0x3FB8];
	_ =	sdelay $0x3  }
0x36: {  	p1 =	seq.s32 s10, $0x1;
	s10 =	sld [smem:$0x3FB9];
	_ =	sdelay $0x3  }
0x37: {  	[smem:$0x3FB9] =	sst s10  }
0x38: {  	s10 =	sld [smem:$0x3FBA]  }
0x39: {  	_ = 	snop;
	(pc) =	sbr.ind lr, $3  }
0x3a: {  	_ = 	snop  }
0x3b: {  	_ = 	snop  }
0x3c: {  	p2 =	seq.s32 s10, $0x1;
	s10 =	sld [smem:$0x3FB9]  }
0x3d: {  	_ =	shalt  }
0x3e: {  	_ =	shalt  }
0x3f: {  	_ =	shalt  }
0x40: {  	_ =	shalt  }
0x41: {  	_ =	shalt  }
0x42: {  	_ =	shalt  }
0x43: {  	_ =	shalt  }
0x44: {  	_ =	shalt  }
0x45: {  	_ =	shalt  }
0x46: {  	_ =	shalt  }
0x47: {  	_ =	shalt  }
0x48: {  	_ =	shalt  }
0x49: {  	_ =	shalt  }
0x4a: {  	_ =	shalt  }
0x4b: {  	_ =	shalt  }
0x4c: {  	_ =	shalt  }
0x4d: {  	_ =	shalt  }
0x4e: {  	_ =	shalt  }
0x4f: {  	_ =	shalt  }
0x50: {  	_ =	shalt  }
0x51: {  	_ =	shalt  }
0x52: {  	_ =	shalt  }
0x53: {  	_ =	shalt  }
0x54: {  	_ =	shalt  }
0x55: {  	_ =	shalt  }
0x56: {  	_ =	shalt  }
0x57: {  	_ =	shalt  }
0x58: {  	_ =	shalt  }
0x59: {  	_ =	shalt  }
0x5a: {  	_ =	shalt  }
0x5b: {  	_ =	shalt  }
0x5c: {  	_ =	shalt  }
0x5d: {  	_ =	shalt  }
0x5e: {  	_ =	shalt  }
0x5f: {  	_ =	shalt  }
0x60: {  	_ =	shalt  }
0x61: {  	_ =	shalt  }
0x62: {  	_ =	shalt  }
0x63: {  	_ =	shalt  }
0x64: {  	_ =	shalt  }
0x65: {  	_ =	shalt  }
0x66: {  	_ =	shalt  }
0x67: {  	_ =	shalt  }
0x68: {  	_ =	shalt  }
0x69: {  	_ =	shalt  }
0x6a: {  	_ =	shalt  }
0x6b: {  	_ =	shalt  }
0x6c: {  	_ =	shalt  }
0x6d: {  	_ =	shalt  }
0x6e: {  	_ =	shalt  }
0x6f: {  	_ =	shalt  }
0x70: {  	_ =	shalt  }
0x71: {  	_ =	shalt  }
0x72: {  	_ =	shalt  }
0x73: {  	_ =	shalt  }
0x74: {  	_ =	shalt  }
0x75: {  	_ =	shalt  }
0x76: {  	_ =	shalt  }
0x77: {  	_ =	shalt  }
0x78: {  	_ =	shalt  }
0x79: {  	_ =	shalt  }
0x7a: {  	_ =	shalt  }
0x7b: {  	_ =	shalt  }
0x7c: {  	_ =	shalt  }
0x7d: {  	_ =	shalt  }
0x7e: {  	_ =	shalt  }
0x7f: {  	_ =	shalt  }
0x80: {  	_ =	shalt  }
0x81: {  	_ =	shalt  }
0x82: {  	_ =	shalt  }
0x83: {  	_ =	shalt  }
0x84: {  	_ =	shalt  }
0x85: {  	_ =	shalt  }
0x86: {  	_ =	shalt  }
0x87: {  	_ =	shalt  }
.Lfunc_end0:
.L_simem_size_0:
called_computation_lowered:
.L_overlay_start_0:
0x88: {  	s2 =	sld [smem:$0x3FD9]  }
0x89: {  	s3 =	sld [smem:$0x3FFE];
	_ =	sdelay $0x1  }
0x8a: {  	s1 =	srdreg.scid  }
0x8b: {  	s0 =	sand.u32 $0x1, s1  }
0x8c: {  	s17 =	sshll.u32 s0, $0xA;
	s2 =	sadd.s32 s3, s2  }
0x8d: {  	s2 =	sadd.s32 s2, s17  }
0x8e: {  	[smem:$0x3FC5] =	sst s2  }
0x8f: {  	_ = 	snop  }
0x90: {  	s2 =	sld [smem:$0x3FC8]  }
0x91: {  	s18 =	sld [smem:$0x3FC7]  }
0x92: {  	s4 =	sld [smem:$0x3FD0];
	(tm) =	ssettm $0x1  }
0x93: {  	s5 =	sld [smem:$0x3FFB];
	_ =	sdelay $0x3  }
0x94: {  	_ =	strace s5  }
0x95: {  	s5 =	sld [smem:$0x3FFC];
	_ =	sdelay $0x3  }
0x96: {  	_ =	strace s5  }
0x97: {  	s5 =	sld [smem:$0x3FFD];
	_ =	sdelay $0x3  }
0x98: {  	_ =	strace s5  }
0x99: {  	_ =	strace $0x8FFFFFFF  }
0x9a: {  	s19 =	sld [smem:$0x3FDB];
	_ =	sdelay $0x1  }
0x9b: {  	s6 =	simm.s32 $_scs_section_size  }
0x9c: {  	s7 =	simm.s32 $_size__tile_overlayer_lowered;
	s8 =	simm.s32 $_tile_overlayer_lowered  }
0x9d: {  	s22 =	simm.s32 $0x1BFF;
	s21 =	sshll.u32 s8, $0x1;
	s5 =	sadd.s32 s6, s19  }
0x9e: {  	s9 =	simm.s32 $0x0;
	s20 =	sshll.u32 s7, $0x1;
	s7 =	sadd.s32 s21, s5  }
0x9f: {  	[timem:s9], [sflag:s22] =	dma.local [hbm:s7], s20  }
0xa0: {  	_ =	swait.ge [sflag:s22], s20  }
0xa1: {  	s6 =	ssub.s32 $0x0, s20;
	[sflag:s22] =	ssyncset.done $0x0  }
0xa2: {  	[sflag:s22] =	ssyncadd.s32 s6;
	_ =	sdelay $0x1  }
0xa3: {  	s23 =	simm.s32 $0x1B8B  }
0xa4: {  	_ =	swait.ge [sflag:s23], $0x1  }
0xa5: {  	[sflag:s23] =	ssyncset.done $0x0  }
0xa6: {  	s25 =	simm.s32 $0x1B8E;
	s24 =	sld [smem:$0x3FFE];
	[sflag:s23] =	ssyncadd.s32 $0xFFFFFFFF  }
0xa7: {  	s26 =	simm.s32 $execute0_lowered;
	[smem:$0x3FD2] =	sst s25  }
0xa8: {  	s7 =	sshll.u32 s26, $0x1;
	_ =	strace $0x80000046;
	[dreg:$0x1] =	wrdreg $0xFFFFFFFF  }
0xa9: {  	s28 =	simm.s32 $_size_execute0_lowered;
	s5 =	sadd.s32 s5, s7;
	[dreg:$0x0] =	wrdreg $0x0  }
0xaa: {  	s7 =	sshll.u32 s28, $0x1;
	[dreg:$0x2] =	wrdreg s5  }
0xab: {  	[dreg:$0x3] =	wrdreg s7  }
0xac: {  	[dreg:$0x4] =	wrdreg $0xC0  }
0xad: {  	_ =	task [dreg:s9], $0x5FFFF  }
0xae: {  	[dreg:$0x1] =	wrdreg $0xFFFFFFFF  }
0xaf: {  	[dreg:$0x0] =	wrdreg $0x60  }
0xb0: {  	[dreg:$0x2] =	wrdreg s24  }
0xb1: {  	[dreg:$0x3] =	wrdreg s2  }
0xb2: {  	[dreg:$0x4] =	wrdreg s18  }
0xb3: {  	[dreg:$0x5] =	wrdreg s4  }
0xb4: {  	[dreg:$0x6] =	wrdreg $0x9  }
0xb5: {  	_ =	task.clear_ibuf [dreg:s9], $0x7FFFF;
	_ =	strace $0x90000046  }
0xb6: {  	s29 =	simm.s32 $0x9;
	_ =	strace $0x80000048  }
0xb7: {  	_ =	swait.ge [sflag:s29], $0x1  }
0xb8: {  	[sflag:s29] =	ssyncadd.s32 $0xFFFFFFFF  }
0xb9: {  	_ =	strace $0x90000048  }
0xba: {  	_ =	sfence  }
0xbb: {  	s30 =	sld [smem:$0x0];
	_ =	sdelay $0x2  }
0xbc: {  	s31 =	sshll.u32 s1, $0xD;
	s1 =	sshrl.u32 s1, $0x2  }
0xbd: {  	s3 =	sand.u32 $0x4000, s31;
	s1 =	sadd.s32 s1, s30  }
0xbe: {  	s0 =	sor.u32 s3, s0;
	s1 =	sshll.u32 s1, $0x11  }
0xbf: {  	s0 =	sor.u32 s1, s0  }
0xc0: {  	s0 =	sadd.s32 $0x8F2B, s0  }
0xc1: {  	[sflag:s0] =	ssyncadd.remote.s32 $0x1  }
0xc2: {  	_ =	sfence.sel $0xFFFF  }
0xc3: {  	[dreg:$0x0] =	wrdreg $0xFFFFFFFF;
	(pc) =	sbr.abs _section_cstart, $3  }
0xc4: {  	[dreg:$0x1] =	wrdreg $0xFFFFFFFF  }
0xc5: {  	_ =	task.clear_ibuf [dreg:s9], $0x2FFFF;
	_ =	strace $0x9FFFFFFF  }
0xc6: {  	(tm) =	ssettm $0x7FFFFFFF  }
0xc7: {  	_ =	shalt  }
tec
execute0_lowered:
.L_overlay_start_1:
0x0: {  	(tag) =	ssettag $0x1  }
0x1: {  	v0 =	vlaneseq.u32  }
0x2: {  	v1 =	vimm.s32 $0x1380;
	vm0 =	vcmask $0x300;
	vm1 =	vcmask $0x704  }
0x3: {  	v2 =	vimm.s32 $0x3380;
	vm2 =	vcmask $0xB08;
	vm4 =	vcmask $0xF0C  }
0x4: {  	s2 =	rddreg [dreg:$0x0];
	vm5 =	vcmask $0x1310;
	vm6 =	vcmask $0x1714;
	vm7 =	vcmask $0x1B18  }
0x5: {  	s10 =	rddreg [dreg:$0x1];
	vm8 =	vcmask $0x1F1C;
	vm9 =	vcmask $0x2320;
	vm10 =	vcmask $0x2724  }
0x6: {  	s1 =	rddreg [dreg:$0x2];
	s3 =	srdreg.scid;
	vm11 =	vcmask $0x2B28;
	vm12 =	vcmask $0x2F2C;
	vm13 =	vcmask $0x3330  }
0x7: {  	s4 =	rddreg [dreg:$0x3];
	s5 =	stileid.u32;
	vm14 =	vcmask $0x3734;
	v1 =	vsel vm0, $0x0, v1;
	v2 =	vsel vm0, $0x2000, v2  }
0x8: {  	s7 =	simm.s32 $0x0;
	s30 =	simm.s32 $0x1;
	s12 =	simm.s32 $0x7A1400;
	v0 =	vmul.u32 $0x80, v0;
	v1 =	vsel vm1, $0x80, v1;
	v2 =	vsel vm1, $0x2080, v2  }
0x9: {  	s13 =	simm.s32 $0x400;
	s14 =	simm.s32 $0x8400;
	s15 =	simm.s32 $0x1400;
	vm15 =	vcmask $0x3B38;
	v1 =	vsel vm2, $0x100, v1;
	v2 =	vsel vm2, $0x2100, v2  }
0xa: {  	s16 =	simm.s32 $0x9400;
	s17 =	simm.s32 $0xA400;
	s18 =	simm.s32 $0x3400;
	v5 =	vor.u32 $0x1800, v0;
	v6 =	vor.u32 $0x2000, v0;
	v1 =	vsel vm4, $0x180, v1  }
0xb: {  	s19 =	simm.s32 $0xB400;
	s20 =	simm.s32 $0x4400;
	s21 =	simm.s32 $0xC400;
	v7 =	vor.u32 $0x2800, v0;
	v2 =	vsel vm4, $0x2180, v2;
	v1 =	vsel vm5, $0x200, v1  }
0xc: {  	s22 =	simm.s32 $0x5400;
	s23 =	simm.s32 $0xD400;
	s28 =	simm.s32 $0xE400;
	v8 =	vor.u32 $0x3000, v0;
	v2 =	vsel vm5, $0x2200, v2;
	v1 =	vsel vm6, $0x280, v1  }
0xd: {  	s29 =	simm.s32 $0xF400;
	s31 =	simm.s32 $0x10400;
	s3 =	sand.u32 $0x1, s3;
	v9 =	vor.u32 $0x3800, v0;
	v2 =	vsel vm6, $0x2280, v2;
	v1 =	vsel vm7, $0x300, v1  }
0xe: {  	s5 =	sshll.u32 s5, $0xA;
	[smem:$0x7FF] =	sst s7;
	s6 =	sshll.u32 s3, $0x9;
	v10 =	vor.u32 $0x4000, v0;
	v2 =	vsel vm7, $0x2300, v2;
	v1 =	vsel vm8, $0x380, v1  }
0xf: {  	s7 =	simm.s32 $0x9;
	s3 =	ssub.s32 $0x2, s3;
	s5 =	sor.u32 s6, s5;
	v11 =	vor.u32 $0x4800, v0;
	v2 =	vsel vm8, $0x2380, v2;
	v1 =	vsel vm9, $0x1000, v1  }
0x10: {  	_ =	strace $0x80000047;
	s24 =	sshrl.u32 s3, $0x1;
	v12 =	vor.u32 $0x5000, v0;
	s6 =	sshrl.u32 s5, $0x3;
	v2 =	vsel vm9, $0x3000, v2;
	v1 =	vsel vm10, $0x1080, v1  }
0x11: {  	v13 =	vor.u32 $0x5800, v0;
	s3 =	ssub.s32 s3, s24;
	s25 =	sadd.s32 s4, s5;
	s24 =	simm.s32 $0x2400;
	v2 =	vsel vm10, $0x3080, v2;
	v1 =	vsel vm11, $0x1100, v1  }
0x12: {  	v14 =	vor.u32 $0x6000, v0;
	s2 =	sadd.s32 s6, s2;
	[dreg:$0x7] =	wrdreg s25;
	s26 =	smax.u32 s3, $0x1;
	v2 =	vsel vm11, $0x3100, v2;
	v1 =	vsel vm12, $0x1180, v1  }
0x13: {  	v15 =	vor.u32 $0x6800, v0;
	s4 =	simm.s32 $0x0;
	s6 =	sadd.s32 $0xE00, s2;
	[dreg:$0x9] =	wrdreg s26;
	v2 =	vsel vm12, $0x3180, v2;
	v1 =	vsel vm13, $0x1200, v1  }
0x14: {  	v16 =	vor.u32 $0x7000, v0;
	s5 =	simm.s32 $0x4;
	s2 =	sadd.s32 $0x600, s2;
	[dreg:$0x5] =	wrdreg s6;
	v4 =	vsel vm13, $0x3200, v2;
	v3 =	vsel vm14, $0x1280, v1  }
0x15: {  	v17 =	vor.u32 $0x7800, v0;
	s3 =	simm.s32 $0x14400;
	[dreg:$0x6] =	wrdreg s2;
	s2 =	sadd.s32 $0x10000, s25;
	v2 =	vsel vm15, $0x1300, v3;
	v3 =	vsel vm14, $0x3280, v4  }
0x16: {  	s26 =	simm.s32 $0x6400;
	s6 =	simm.s32 $0x5;
	[dreg:$0x8] =	wrdreg s2;
	v1 =	vor.u32 $0x800, v0;
	v4 =	vor.u32 $0x1000, v0;
	v3 =	vsel vm15, $0x3300, v3  }
.LBB2_1:
0x17: {  	[dreg:$0xa] =	wrdreg s4  }
0x18: {  	s2 =	simm.s32 $0x0;
	s9 =	rddreg [dreg:$0x5]  }
0x19: {  	[tilespmem:s2], [sflag:$0x9] =	stream.linear.gather [hbm4b:s9+s2], $0x200, $0x38;
	[tilespmem:$0x18400] =	vst v63  }
0x1a: {  	_ =	swait.ge [sflag:s7], $0x200  }
0x1b: {  	[sflag:s7] =	ssyncset.done $0x0  }
0x1c: {  	s0 =	simm.s32 $0x200;
	s11 =	rddreg [dreg:$0x6];
	[sflag:s7] =	ssyncadd.s32 $0xFFFFFE00  }
0x1d: {  	[tilespmem:s0], [sflag:$0x9] =	stream.linear.gather [hbm4b:s11+s2], $0x200, $0x38;
	[tilespmem:$0x18400] =	vst v63  }
0x1e: {  	_ =	swait.ge [sflag:s7], $0x200  }
0x1f: {  	[sflag:s7] =	ssyncset.done $0x0  }
0x20: {  	[sflag:s7] =	ssyncadd.s32 $0xFFFFFE00  }
0x21: {  	v19 =	vld [tilespmem:$0x200];
	_ =	sdelay $0x1  }
0x22: {  	v18 =	vld [tilespmem:$0x0];
	_ =	sdelay $0x2  }
0x23: {  	(v2sf) =	vpush v19, $0x0;
	_ =	sdelay $0x1  }
0x24: {  	(v2sf) =	vpush v18, $0x0;
	_ =	sdelay $0xa  }
0x25: {  	(v2sf) =	vpush v19, $0x1;
	_ =	sdelay $0x1  }
0x26: {  	s25 =	spop (v2sf);
	(v2sf) =	vpush v18, $0x1  }
0x27: {  	s8 =	sand.u32 $0x7F, s25  }
0x28: {  	s9 =	spop (v2sf);
	s11 =	sshra.s32 s25, $0x1F;
	p6 =	slt.s32 s25, $0x1  }
0x29: {  	p0 =	sne.s32 s8, $0x0;
	s2 =	sand.u32 $0x7F, s9;
	s4 =	sshra.s32 s9, $0x1F  }
0x2a: {  	p2 =	slt.s32 s9, $0x1;
	s11 =	sshrl.u32 s11, $0x19;
	p1 =	sne.s32 s2, $0x0  }
0x2b: {  	s8 =	sshrl.u32 s4, $0x19;
	s7 =	sadd.s32 s11, s25;
	p1 =	por !p2, !p1  }
0x2c: {  	s8 =	sadd.s32 s8, s9;
	s9 =	simm.s32 $0x1;
	p1 =	por !p1, !p1  }
0x2d: {  	p0 =	por !p6, !p0;
	s8 =	sshrl.u32 s8, $0x7;
	s9 =	simm.s32 @!p1 $0x0  }
0x2e: {  	p0 =	por !p0, !p0;
	s8 =	ssub.s32 s8, s9;
	s9 =	simm.s32 $0x1  }
0x2f: {  	s7 =	sshrl.u32 s7, $0x7;
	s8 =	sshll.u32 s8, $0x7;
	s9 =	simm.s32 @!p0 $0x0  }
0x30: {  	s8 =	sand.u32 $0x1FFFFF80, s8;
	s7 =	ssub.s32 s7, s9  }
0x31: {  	s8 =	sadd.s32 s10, s8;
	s7 =	sshll.u32 s7, $0x7  }
0x32: {  	(v2sf) =	vpush v19, $0x2;
	[tilespmem:s13], [sflag:$0x1] =	stream.strided.gather [hbm4b:s8+s13], $0x1000, s12, s13, $0x38;
	[tilespmem:$0x18400] =	vst v63  }
0x33: {  	s7 =	sand.u32 $0x1FFFFF80, s7;
	s8 =	spop (v2sf)  }
0x34: {  	s7 =	sadd.s32 s1, s7;
	s11 =	sand.u32 $0x7F, s8  }
0x35: {  	s25 =	sshra.s32 s8, $0x1F;
	p6 =	slt.s32 s8, $0x1;
	s9 =	spop (v2sf);
	(v2sf) =	vpush v18, $0x2  }
0x36: {  	[tilespmem:s14], [sflag:$0x5] =	stream.strided.gather [hbm4b:s7+s13], $0x1000, s12, s13, $0x38;
	[tilespmem:$0x18400] =	vst v63  }
0x37: {  	p3 =	sne.s32 s11, $0x0;
	s11 =	sshrl.u32 s25, $0x19;
	s2 =	sand.u32 $0x7F, s9  }
0x38: {  	s4 =	sshra.s32 s9, $0x1F;
	p5 =	slt.s32 s9, $0x1;
	p4 =	sne.s32 s2, $0x0  }
0x39: {  	s8 =	sadd.s32 s11, s8;
	s7 =	sshrl.u32 s4, $0x19;
	p1 =	por !p5, !p4  }
0x3a: {  	s7 =	sadd.s32 s7, s9;
	s9 =	simm.s32 $0x1;
	p1 =	por !p1, !p1  }
0x3b: {  	p0 =	por !p6, !p3;
	s7 =	sshrl.u32 s7, $0x7;
	s9 =	simm.s32 @!p1 $0x0  }
0x3c: {  	p0 =	por !p0, !p0;
	s7 =	ssub.s32 s7, s9;
	s9 =	simm.s32 $0x1  }
0x3d: {  	s8 =	sshrl.u32 s8, $0x7;
	s7 =	sshll.u32 s7, $0x7;
	s9 =	simm.s32 @!p0 $0x0  }
0x3e: {  	s7 =	sand.u32 $0x1FFFFF80, s7;
	s8 =	ssub.s32 s8, s9  }
0x3f: {  	s7 =	sadd.s32 s10, s7;
	s11 =	sshll.u32 s8, $0x7  }
0x40: {  	[tilespmem:s15], [sflag:$0x1] =	stream.strided.gather [hbm4b:s7+s13], $0x1000, s12, s13, $0x38;
	[tilespmem:$0x18400] =	vst v63  }
0x41: {  	s8 =	spop (v2sf);
	(v2sf) =	vpush v19, $0x3;
	s7 =	sand.u32 $0x1FFFFF80, s11  }
0x42: {  	s7 =	sadd.s32 s1, s7  }
0x43: {  	[tilespmem:s16], [sflag:$0x5] =	stream.strided.gather [hbm4b:s7+s13], $0x1000, s12, s13, $0x38;
	[tilespmem:$0x18400] =	vst v63  }
0x44: {  	s16 =	spop (v2sf);
	(v2sf) =	vpush v18, $0x3;
	_ =	sdelay $0x2  }
0x45: {  	s9 =	simm.s32 $0x1;
	s15 =	sand.u32 $0x7F, s8;
	s25 =	sshra.s32 s8, $0x1F  }
0x46: {  	p6 =	slt.s32 s8, $0x1;
	p3 =	sne.s32 s15, $0x0;
	s2 =	sand.u32 $0x7F, s16  }
0x47: {  	s4 =	sshra.s32 s16, $0x1F;
	p5 =	slt.s32 s16, $0x1;
	p4 =	sne.s32 s2, $0x0  }
0x48: {  	s11 =	sshrl.u32 s25, $0x19;
	s7 =	sshrl.u32 s4, $0x19;
	p1 =	por !p5, !p4  }
0x49: {  	s8 =	sadd.s32 s11, s8;
	s7 =	sadd.s32 s7, s16;
	p1 =	por !p1, !p1  }
0x4a: {  	p0 =	por !p6, !p3;
	s7 =	sshrl.u32 s7, $0x7;
	s9 =	simm.s32 @!p1 $0x0  }
0x4b: {  	p0 =	por !p0, !p0;
	s7 =	ssub.s32 s7, s9;
	s9 =	simm.s32 $0x1  }
0x4c: {  	s8 =	sshrl.u32 s8, $0x7;
	s7 =	sshll.u32 s7, $0x7;
	s9 =	simm.s32 @!p0 $0x0  }
0x4d: {  	s7 =	sand.u32 $0x1FFFFF80, s7;
	s8 =	ssub.s32 s8, s9  }
0x4e: {  	s7 =	sadd.s32 s10, s7;
	s15 =	sshll.u32 s8, $0x7;
	s16 =	spop (v2sf)  }
0x4f: {  	(v2sf) =	vpush v19, $0x4;
	[tilespmem:s24], [sflag:$0x2] =	stream.strided.gather [hbm4b:s7+s13], $0x1000, s12, s13, $0x38;
	[tilespmem:$0x18400] =	vst v63  }
0x50: {  	s9 =	simm.s32 $0x1;
	s7 =	sand.u32 $0x1FFFFF80, s15;
	s2 =	sshra.s32 s16, $0x1F  }
0x51: {  	p6 =	slt.s32 s16, $0x1;
	s7 =	sadd.s32 s1, s7;
	s25 =	spop (v2sf);
	(v2sf) =	vpush v18, $0x4  }
0x52: {  	[tilespmem:s17], [sflag:$0x6] =	stream.strided.gather [hbm4b:s7+s13], $0x1000, s12, s13, $0x38;
	[tilespmem:$0x18400] =	vst v63  }
0x53: {  	s11 =	sshrl.u32 s2, $0x19;
	s17 =	sand.u32 $0x7F, s16;
	s4 =	sand.u32 $0x7F, s25  }
0x54: {  	s15 =	sshra.s32 s25, $0x1F;
	p5 =	slt.s32 s25, $0x1;
	p4 =	sne.s32 s4, $0x0  }
0x55: {  	s8 =	sadd.s32 s11, s16;
	s7 =	sshrl.u32 s15, $0x19;
	p1 =	por !p5, !p4  }
0x56: {  	p3 =	sne.s32 s17, $0x0;
	s7 =	sadd.s32 s7, s25;
	p1 =	por !p1, !p1  }
0x57: {  	p0 =	por !p6, !p3;
	s7 =	sshrl.u32 s7, $0x7;
	s9 =	simm.s32 @!p1 $0x0  }
0x58: {  	p0 =	por !p0, !p0;
	s7 =	ssub.s32 s7, s9;
	s9 =	simm.s32 $0x1  }
0x59: {  	s8 =	sshrl.u32 s8, $0x7;
	s7 =	sshll.u32 s7, $0x7;
	s9 =	simm.s32 @!p0 $0x0  }
0x5a: {  	s7 =	sand.u32 $0x1FFFFF80, s7;
	s8 =	ssub.s32 s8, s9  }
0x5b: {  	s7 =	sadd.s32 s10, s7;
	s16 =	sshll.u32 s8, $0x7  }
0x5c: {  	[tilespmem:s18], [sflag:$0x2] =	stream.strided.gather [hbm4b:s7+s13], $0x1000, s12, s13, $0x38;
	[tilespmem:$0x18400] =	vst v63  }
0x5d: {  	s7 =	sand.u32 $0x1FFFFF80, s16  }
0x5e: {  	s17 =	spop (v2sf);
	(v2sf) =	vpush v19, $0x5;
	s7 =	sadd.s32 s1, s7  }
0x5f: {  	[tilespmem:s19], [sflag:$0x6] =	stream.strided.gather [hbm4b:s7+s13], $0x1000, s12, s13, $0x38;
	[tilespmem:$0x18400] =	vst v63  }
0x60: {  	s19 =	spop (v2sf);
	(v2sf) =	vpush v18, $0x5  }
0x61: {  	s9 =	simm.s32 $0x1;
	s18 =	sand.u32 $0x7F, s17;
	s25 =	sshra.s32 s17, $0x1F  }
0x62: {  	p6 =	slt.s32 s17, $0x1;
	p3 =	sne.s32 s18, $0x0;
	s2 =	sand.u32 $0x7F, s19  }
0x63: {  	s4 =	sshra.s32 s19, $0x1F;
	p5 =	slt.s32 s19, $0x1;
	p4 =	sne.s32 s2, $0x0  }
0x64: {  	s11 =	sshrl.u32 s25, $0x19;
	s7 =	sshrl.u32 s4, $0x19;
	p1 =	por !p5, !p4  }
0x65: {  	s8 =	sadd.s32 s11, s17;
	s7 =	sadd.s32 s7, s19;
	p1 =	por !p1, !p1  }
0x66: {  	p0 =	por !p6, !p3;
	s7 =	sshrl.u32 s7, $0x7;
	s9 =	simm.s32 @!p1 $0x0  }
0x67: {  	p0 =	por !p0, !p0;
	s7 =	ssub.s32 s7, s9;
	s9 =	simm.s32 $0x1  }
0x68: {  	s8 =	sshrl.u32 s8, $0x7;
	s7 =	sshll.u32 s7, $0x7;
	s9 =	simm.s32 @!p0 $0x0  }
0x69: {  	s7 =	sand.u32 $0x1FFFFF80, s7;
	s8 =	ssub.s32 s8, s9  }
0x6a: {  	s7 =	sadd.s32 s10, s7;
	s15 =	sshll.u32 s8, $0x7  }
0x6b: {  	[tilespmem:s20], [sflag:$0x3] =	stream.strided.gather [hbm4b:s7+s13], $0x1000, s12, s13, $0x38;
	[tilespmem:$0x18400] =	vst v63  }
0x6c: {  	s7 =	sand.u32 $0x1FFFFF80, s15  }
0x6d: {  	s9 =	simm.s32 $0x1;
	s16 =	spop (v2sf);
	s7 =	sadd.s32 s1, s7  }
0x6e: {  	[tilespmem:s21], [sflag:$0x7] =	stream.strided.gather [hbm4b:s7+s13], $0x1000, s12, s13, $0x38;
	[tilespmem:$0x18400] =	vst v63  }
0x6f: {  	s17 =	sand.u32 $0x7F, s16;
	s19 =	sshra.s32 s16, $0x1F;
	s18 =	spop (v2sf)  }
0x70: {  	p6 =	slt.s32 s16, $0x1;
	p3 =	sne.s32 s17, $0x0;
	s20 =	sand.u32 $0x7F, s18  }
0x71: {  	s21 =	sshra.s32 s18, $0x1F;
	p5 =	slt.s32 s18, $0x1;
	p4 =	sne.s32 s20, $0x0  }
0x72: {  	s11 =	sshrl.u32 s19, $0x19;
	s7 =	sshrl.u32 s21, $0x19;
	p1 =	por !p5, !p4  }
0x73: {  	s8 =	sadd.s32 s11, s16;
	s7 =	sadd.s32 s7, s18;
	p1 =	por !p1, !p1  }
0x74: {  	p0 =	por !p6, !p3;
	s7 =	sshrl.u32 s7, $0x7;
	s9 =	simm.s32 @!p1 $0x0  }
0x75: {  	p0 =	por !p0, !p0;
	s7 =	ssub.s32 s7, s9;
	s9 =	simm.s32 $0x1  }
0x76: {  	s8 =	sshrl.u32 s8, $0x7;
	s7 =	sshll.u32 s7, $0x7;
	s9 =	simm.s32 @!p0 $0x0  }
0x77: {  	s7 =	sand.u32 $0x1FFFFF80, s7;
	s8 =	ssub.s32 s8, s9  }
0x78: {  	s7 =	sadd.s32 s10, s7;
	s25 =	sshll.u32 s8, $0x7  }
0x79: {  	[tilespmem:s22], [sflag:$0x3] =	stream.strided.gather [hbm4b:s7+s13], $0x1000, s12, s13, $0x38;
	[tilespmem:$0x18400] =	vst v63  }
0x7a: {  	s7 =	sand.u32 $0x1FFFFF80, s25  }
0x7b: {  	s7 =	sadd.s32 s1, s7  }
0x7c: {  	[tilespmem:s23], [sflag:$0x7] =	stream.strided.gather [hbm4b:s7+s13], $0x1000, s12, s13, $0x38;
	[tilespmem:$0x18400] =	vst v63  }
0x7d: {  	s25 =	simm.s32 $0x0;
	s7 =	simm.s32 $0x10  }
.LBB2_2:
0x7e: {  	v21 =	vld [tilespmem:s25+$0x0];
	_ =	sdelay $0x1  }
0x7f: {  	v20 =	vld [tilespmem:s0+$0x0];
	_ =	sdelay $0x2  }
0x80: {  	(v2sf) =	vpush v21, $0x6;
	_ =	sdelay $0x1  }
0x81: {  	(v2sf) =	vpush v20, $0x6;
	_ =	sdelay $0xb  }
0x82: {  	(v2sf) =	vpush v21, $0x7  }
0x83: {  	s16 =	spop (v2sf)  }
0x84: {  	s8 =	sshra.s32 s16, $0x1F  }
0x85: {  	(v2sf) =	vpush v20, $0x7;
	s17 =	spop (v2sf);
	s8 =	sshrl.u32 s8, $0x19  }
0x86: {  	s11 =	sshra.s32 s17, $0x1F;
	s8 =	sadd.s32 s8, s16  }
0x87: {  	s11 =	sshrl.u32 s11, $0x19;
	s9 =	sand.u32 $0xFFFFFF80, s8  }
0x88: {  	p0 =	slt.s32 s16, $0x1;
	s20 =	sadd.s32 s11, s17;
	p1 =	sne.s32 s16, s9  }
0x89: {  	s15 =	simm.s32 $0x1;
	s11 =	sand.u32 $0xFFFFFF80, s20;
	p0 =	por !p0, !p1  }
0x8a: {  	p6 =	slt.s32 s17, $0x1;
	p2 =	sne.s32 s17, s11;
	p0 =	por !p0, !p0  }
0x8b: {  	s8 =	sshrl.u32 s8, $0x7;
	p2 =	por !p6, !p2;
	s15 =	simm.s32 @!p0 $0x0  }
0x8c: {  	p0 =	por !p2, !p2;
	s8 =	ssub.s32 s8, s15;
	s15 =	simm.s32 $0x1  }
0x8d: {  	s9 =	sshrl.u32 s20, $0x7;
	s8 =	sshll.u32 s8, $0x7;
	s15 =	simm.s32 @!p0 $0x0  }
0x8e: {  	s21 =	sand.u32 $0x1F0, s7;
	s8 =	sand.u32 $0x1FFFFF80, s8;
	s9 =	ssub.s32 s9, s15  }
0x8f: {  	v18 =	vld [tilespmem:s21+$0x0];
	s8 =	sadd.s32 s10, s8;
	s22 =	sshll.u32 s9, $0x7  }
0x90: {  	v19 =	vld [tilespmem:s21+$0x200];
	[tilespmem:s26], [sflag:$0x4] =	stream.strided.gather [hbm4b:s8+s13], $0x1000, s12, s13, $0x38  }
0x91: {  	s21 =	spop (v2sf);
	s8 =	sand.u32 $0x1FFFFF80, s22  }
0x92: {  	s23 =	sshra.s32 s21, $0x1F;
	s8 =	sadd.s32 s1, s8  }
0x93: {  	[tilespmem:s28], [sflag:$0x8] =	stream.strided.gather [hbm4b:s8+s13], $0x1000, s12, s13, $0x38;
	[tilespmem:$0x18400] =	vst v63  }
0x94: {  	s20 =	spop (v2sf);
	s8 =	sshrl.u32 s23, $0x19  }
0x95: {  	[dreg:$0xb] =	wrdreg s0;
	s0 =	sshra.s32 s20, $0x1F;
	s8 =	sadd.s32 s8, s21  }
0x96: {  	s11 =	sshrl.u32 s0, $0x19;
	s26 =	sand.u32 $0xFFFFFF80, s8  }
0x97: {  	p3 =	slt.s32 s21, $0x1;
	s2 =	sadd.s32 s11, s20;
	p4 =	sne.s32 s21, s26  }
0x98: {  	p5 =	slt.s32 s20, $0x1;
	s11 =	sand.u32 $0xFFFFFF80, s2;
	p0 =	por !p3, !p4  }
0x99: {  	p6 =	sne.s32 s20, s11;
	s15 =	simm.s32 $0x1;
	p0 =	por !p0, !p0  }
0x9a: {  	p2 =	por !p5, !p6;
	s8 =	sshrl.u32 s8, $0x7;
	s15 =	simm.s32 @!p0 $0x0  }
0x9b: {  	s11 =	simm.s32 $0x1;
	p0 =	por !p2, !p2;
	s8 =	ssub.s32 s8, s15  }
0x9c: {  	s9 =	sshrl.u32 s2, $0x7;
	s11 =	simm.s32 @!p0 $0x0;
	s8 =	sshll.u32 s8, $0x7  }
0x9d: {  	s9 =	ssub.s32 s9, s11;
	s8 =	sand.u32 $0x1FFFFF80, s8  }
0x9e: {  	s4 =	simm.s32 $0x7400;
	s11 =	sshll.u32 s9, $0x7;
	s8 =	sadd.s32 s10, s8  }
0x9f: {  	[tilespmem:s4], [sflag:$0x4] =	stream.strided.gather [hbm4b:s8+s13], $0x1000, s12, s13, $0x38;
	[tilespmem:$0x18400] =	vst v63  }
0xa0: {  	s8 =	sand.u32 $0x1FFFFF80, s11  }
0xa1: {  	s8 =	sadd.s32 s1, s8  }
0xa2: {  	[tilespmem:s29], [sflag:$0x8] =	stream.strided.gather [hbm4b:s8+s13], $0x1000, s12, s13, $0x38;
	[tilespmem:$0x18400] =	vst v63  }
0xa3: {  	_ =	swait.ge [sflag:s30], $0x2000  }
0xa4: {  	[sflag:s30] =	ssyncset.done $0x0  }
0xa5: {  	[sflag:s30] =	ssyncadd.s32 $0xFFFFE000  }
0xa6: {  	_ =	swait.ge [sflag:s6], $0x2000  }
0xa7: {  	(v2sf) =	vpush v21, $0x0;
	_ =	sdelay $0x1  }
0xa8: {  	(v2sf) =	vpush v20, $0x0;
	_ =	sdelay $0x6  }
0xa9: {  	(v2sf) =	vpush v21, $0x1;
	_ =	sdelay $0x1  }
0xaa: {  	(v2sf) =	vpush v20, $0x1  }
0xab: {  	(v2sf) =	vpush v21, $0x8;
	_ =	sdelay $0x2  }
0xac: {  	s15 =	spop (v2sf);
	(v2sf) =	vpush v20, $0x8  }
0xad: {  	s8 =	sand.u32 $0x7F, s15  }
0xae: {  	s18 =	sadd.s32 $0xFFFFFFF0, s7;
	s19 =	spop (v2sf);
	v22 =	vor.u32 s8, v0  }
0xaf: {  	v23 =	vmov s18;
	s11 =	sand.u32 $0x7F, s19;
	v24 =	vor.u32 s8, v1  }
0xb0: {  	v26 =	vshll.u32 v23, $0x3;
	v25 =	vor.u32 s11, v0  }
0xb1: {  	v23 =	vand.u32 $0x70, v23;
	v26 =	vand.u32 $0xC00, v26;
	[sflag:s6] =	ssyncset.done $0x0;
	v27 =	vor.u32 s11, v1  }
0xb2: {  	v23 =	vor.u32 v23, v26;
	[sflag:s6] =	ssyncadd.s32 $0xFFFFE000  }
0xb3: {  	v26 =	vor.u32 v2, v23;
	v22 =	vld.idx.msk [tilespmem:v22+s13+$0x0], $0xffff  }
0xb4: {  	v23 =	vor.u32 v3, v23;
	v24 =	vld.idx.msk [tilespmem:v24+s13+$0x0], $0xffff  }
0xb5: {  	s22 =	spop (v2sf);
	v25 =	vld.idx.msk [tilespmem:v25+s14+$0x0], $0xffff  }
0xb6: {  	s8 =	sand.u32 $0x7F, s22;
	v27 =	vld.idx.msk [tilespmem:v27+s14+$0x0], $0xffff  }
0xb7: {  	s23 =	sadd.s32 $0xFFFFFFF1, s7;
	s26 =	spop (v2sf);
	v28 =	vor.u32 s8, v4  }
0xb8: {  	v36 =	vmov s23;
	(v2sf) =	vpush v21, $0x9;
	s11 =	sand.u32 $0x7F, s26;
	v29 =	vor.u32 s8, v5;
	s15 =	spop (v2sf);
	[tilespmem:v26+s31+$0x0] =	vst.idx.msk $0xffff, v22  }
0xb9: {  	v30 =	vshll.u32 v36, $0x3;
	v37 =	vor.u32 s11, v4;
	s0 =	sshra.s32 s15, $0x1F;
	[tilespmem:v23+s31+$0x0] =	vst.idx.msk $0xffff, v24  }
0xba: {  	v39 =	vand.u32 $0xC00, v30;
	v38 =	vor.u32 s11, v5;
	s8 =	sshrl.u32 s0, $0x19;
	v22 =	vand.u32 $0x71, v36;
	[tilespmem:v26+s3+$0x0] =	vst.idx.msk $0xffff, v25  }
0xbb: {  	(v2sf) =	vpush v20, $0x9;
	s8 =	sadd.s32 s8, s15;
	v22 =	vor.u32 v22, v39;
	[tilespmem:v23+s3+$0x0] =	vst.idx.msk $0xffff, v27;
	s26 =	spop (v2sf)  }
0xbc: {  	s2 =	sand.u32 $0xFFFFFF80, s8;
	v26 =	vor.u32 v2, v22;
	v23 =	vld.idx.msk [tilespmem:v28+s13+$0x0], $0xffff;
	s4 =	sshra.s32 s26, $0x1F  }
0xbd: {  	p3 =	slt.s32 s15, $0x1;
	p4 =	sne.s32 s15, s2;
	v22 =	vor.u32 v3, v22;
	v27 =	vld.idx.msk [tilespmem:v29+s13+$0x0], $0xffff;
	s11 =	sshrl.u32 s4, $0x19  }
0xbe: {  	s18 =	simm.s32 $0x1;
	p0 =	por !p3, !p4;
	v24 =	vld.idx.msk [tilespmem:v37+s14+$0x0], $0xffff;
	s6 =	sadd.s32 s11, s26  }
0xbf: {  	s8 =	sshrl.u32 s8, $0x7;
	p0 =	por !p0, !p0;
	v25 =	vld.idx.msk [tilespmem:v38+s14+$0x0], $0xffff;
	s11 =	sand.u32 $0xFFFFFF80, s6  }
0xc0: {  	s18 =	simm.s32 @!p0 $0x0;
	p5 =	slt.s32 s26, $0x1;
	p6 =	sne.s32 s26, s11  }
0xc1: {  	s8 =	ssub.s32 s8, s18;
	[tilespmem:v26+s31+$0x0] =	vst.idx.msk $0xffff, v23;
	p2 =	por !p5, !p6  }
0xc2: {  	s8 =	sshll.u32 s8, $0x7;
	s11 =	simm.s32 $0x1;
	[tilespmem:v22+s31+$0x0] =	vst.idx.msk $0xffff, v27;
	p0 =	por !p2, !p2  }
0xc3: {  	s8 =	sand.u32 $0x1FFFFF80, s8;
	s9 =	sshrl.u32 s6, $0x7;
	[tilespmem:v26+s3+$0x0] =	vst.idx.msk $0xffff, v24;
	s11 =	simm.s32 @!p0 $0x0  }
0xc4: {  	s8 =	sadd.s32 s10, s8;
	[tilespmem:v22+s3+$0x0] =	vst.idx.msk $0xffff, v25;
	s9 =	ssub.s32 s9, s11  }
0xc5: {  	[tilespmem:s13], [sflag:$0x1] =	stream.strided.gather [hbm4b:s8+s13], $0x1000, s12, s13, $0x38;
	[tilespmem:$0x18400] =	vst v63  }
0xc6: {  	s19 =	sshll.u32 s9, $0x7  }
0xc7: {  	s23 =	spop (v2sf);
	s8 =	sand.u32 $0x1FFFFF80, s19  }
0xc8: {  	s22 =	sshra.s32 s23, $0x1F;
	s8 =	sadd.s32 s1, s8  }
0xc9: {  	[tilespmem:s14], [sflag:$0x5] =	stream.strided.gather [hbm4b:s8+s13], $0x1000, s12, s13, $0x38;
	[tilespmem:$0x18400] =	vst v63  }
0xca: {  	s8 =	sshrl.u32 s22, $0x19;
	s22 =	spop (v2sf)  }
0xcb: {  	s8 =	sadd.s32 s8, s23;
	s2 =	sshra.s32 s22, $0x1F  }
0xcc: {  	s0 =	sand.u32 $0xFFFFFF80, s8;
	s11 =	sshrl.u32 s2, $0x19  }
0xcd: {  	p3 =	slt.s32 s23, $0x1;
	p4 =	sne.s32 s23, s0;
	s4 =	sadd.s32 s11, s22  }
0xce: {  	s18 =	simm.s32 $0x1;
	p0 =	por !p3, !p4;
	s11 =	sand.u32 $0xFFFFFF80, s4  }
0xcf: {  	p5 =	slt.s32 s22, $0x1;
	p0 =	por !p0, !p0;
	p6 =	sne.s32 s22, s11  }
0xd0: {  	s8 =	sshrl.u32 s8, $0x7;
	s18 =	simm.s32 @!p0 $0x0;
	p2 =	por !p5, !p6  }
0xd1: {  	s11 =	simm.s32 $0x1;
	s8 =	ssub.s32 s8, s18;
	p0 =	por !p2, !p2  }
0xd2: {  	s9 =	sshrl.u32 s4, $0x7;
	s8 =	sshll.u32 s8, $0x7;
	s11 =	simm.s32 @!p0 $0x0  }
0xd3: {  	s8 =	sand.u32 $0x1FFFFF80, s8;
	s9 =	ssub.s32 s9, s11  }
0xd4: {  	s6 =	simm.s32 $0x1400;
	s8 =	sadd.s32 s10, s8;
	s9 =	sshll.u32 s9, $0x7  }
0xd5: {  	[tilespmem:s6], [sflag:$0x1] =	stream.strided.gather [hbm4b:s8+s13], $0x1000, s12, s13, $0x38;
	[tilespmem:$0x18400] =	vst v63  }
0xd6: {  	s8 =	sand.u32 $0x1FFFFF80, s9  }
0xd7: {  	s18 =	simm.s32 $0x2;
	s11 =	simm.s32 $0x9400;
	s8 =	sadd.s32 s1, s8  }
0xd8: {  	[tilespmem:s11], [sflag:$0x5] =	stream.strided.gather [hbm4b:s8+s13], $0x1000, s12, s13, $0x38;
	[tilespmem:$0x18400] =	vst v63  }
0xd9: {  	_ =	swait.ge [sflag:s18], $0x2000  }
0xda: {  	[sflag:s18] =	ssyncset.done $0x0  }
0xdb: {  	s19 =	simm.s32 $0x6;
	[sflag:s18] =	ssyncadd.s32 $0xFFFFE000  }
0xdc: {  	_ =	swait.ge [sflag:s19], $0x2000  }
0xdd: {  	(v2sf) =	vpush v21, $0x2;
	_ =	sdelay $0x1  }
0xde: {  	(v2sf) =	vpush v20, $0x2;
	_ =	sdelay $0x6  }
0xdf: {  	(v2sf) =	vpush v21, $0x3;
	_ =	sdelay $0x1  }
0xe0: {  	(v2sf) =	vpush v20, $0x3  }
0xe1: {  	(v2sf) =	vpush v21, $0xA;
	_ =	sdelay $0x2  }
0xe2: {  	s2 =	spop (v2sf);
	(v2sf) =	vpush v20, $0xA  }
0xe3: {  	s8 =	sand.u32 $0x7F, s2  }
0xe4: {  	s4 =	sadd.s32 $0xFFFFFFF2, s7;
	s6 =	spop (v2sf);
	v40 =	vor.u32 s8, v6  }
0xe5: {  	v41 =	vmov s4;
	s11 =	sand.u32 $0x7F, s6;
	v42 =	vor.u32 s8, v7  }
0xe6: {  	v44 =	vshll.u32 v41, $0x3;
	s9 =	simm.s32 $0x6;
	v43 =	vor.u32 s11, v6  }
0xe7: {  	v23 =	vand.u32 $0x72, v41;
	v26 =	vand.u32 $0xC00, v44;
	[sflag:s9] =	ssyncset.done $0x0;
	v45 =	vor.u32 s11, v7  }
0xe8: {  	v23 =	vor.u32 v23, v26;
	[sflag:s9] =	ssyncadd.s32 $0xFFFFE000  }
0xe9: {  	v26 =	vor.u32 v2, v23;
	v22 =	vld.idx.msk [tilespmem:v40+s13+$0x0], $0xffff  }
0xea: {  	v23 =	vor.u32 v3, v23;
	v24 =	vld.idx.msk [tilespmem:v42+s13+$0x0], $0xffff  }
0xeb: {  	s11 =	spop (v2sf);
	v25 =	vld.idx.msk [tilespmem:v43+s14+$0x0], $0xffff  }
0xec: {  	s8 =	sand.u32 $0x7F, s11;
	v27 =	vld.idx.msk [tilespmem:v45+s14+$0x0], $0xffff  }
0xed: {  	s18 =	sadd.s32 $0xFFFFFFF3, s7;
	s19 =	spop (v2sf);
	v46 =	vor.u32 s8, v8  }
0xee: {  	v47 =	vmov s18;
	(v2sf) =	vpush v21, $0xB;
	s11 =	sand.u32 $0x7F, s19;
	v48 =	vor.u32 s8, v9;
	s18 =	spop (v2sf);
	[tilespmem:v26+s31+$0x0] =	vst.idx.msk $0xffff, v22  }
0xef: {  	v50 =	vshll.u32 v47, $0x3;
	v49 =	vor.u32 s11, v8;
	s0 =	sshra.s32 s18, $0x1F;
	[tilespmem:v23+s31+$0x0] =	vst.idx.msk $0xffff, v24  }
0xf0: {  	v52 =	vand.u32 $0xC00, v50;
	v51 =	vor.u32 s11, v9;
	s8 =	sshrl.u32 s0, $0x19;
	v22 =	vand.u32 $0x73, v47;
	[tilespmem:v26+s3+$0x0] =	vst.idx.msk $0xffff, v25  }
0xf1: {  	(v2sf) =	vpush v20, $0xB;
	s8 =	sadd.s32 s8, s18;
	v22 =	vor.u32 v22, v52;
	[tilespmem:v23+s3+$0x0] =	vst.idx.msk $0xffff, v27;
	s28 =	spop (v2sf)  }
0xf2: {  	s2 =	sand.u32 $0xFFFFFF80, s8;
	v26 =	vor.u32 v2, v22;
	v23 =	vld.idx.msk [tilespmem:v46+s13+$0x0], $0xffff;
	s4 =	sshra.s32 s28, $0x1F  }
0xf3: {  	p3 =	slt.s32 s18, $0x1;
	p4 =	sne.s32 s18, s2;
	v22 =	vor.u32 v3, v22;
	v27 =	vld.idx.msk [tilespmem:v48+s13+$0x0], $0xffff;
	s11 =	sshrl.u32 s4, $0x19  }
0xf4: {  	s19 =	simm.s32 $0x1;
	p0 =	por !p3, !p4;
	v24 =	vld.idx.msk [tilespmem:v49+s14+$0x0], $0xffff;
	s6 =	sadd.s32 s11, s28  }
0xf5: {  	s8 =	sshrl.u32 s8, $0x7;
	p0 =	por !p0, !p0;
	v25 =	vld.idx.msk [tilespmem:v51+s14+$0x0], $0xffff;
	s11 =	sand.u32 $0xFFFFFF80, s6  }
0xf6: {  	s19 =	simm.s32 @!p0 $0x0;
	p5 =	slt.s32 s28, $0x1;
	p6 =	sne.s32 s28, s11  }
0xf7: {  	s8 =	ssub.s32 s8, s19;
	[tilespmem:v26+s31+$0x0] =	vst.idx.msk $0xffff, v23;
	p2 =	por !p5, !p6  }
0xf8: {  	s8 =	sshll.u32 s8, $0x7;
	s11 =	simm.s32 $0x1;
	[tilespmem:v22+s31+$0x0] =	vst.idx.msk $0xffff, v27;
	p0 =	por !p2, !p2  }
0xf9: {  	s8 =	sand.u32 $0x1FFFFF80, s8;
	s9 =	sshrl.u32 s6, $0x7;
	[tilespmem:v26+s3+$0x0] =	vst.idx.msk $0xffff, v24;
	s11 =	simm.s32 @!p0 $0x0  }
0xfa: {  	s8 =	sadd.s32 s10, s8;
	[tilespmem:v22+s3+$0x0] =	vst.idx.msk $0xffff, v25;
	s9 =	ssub.s32 s9, s11  }
0xfb: {  	[tilespmem:s24], [sflag:$0x2] =	stream.strided.gather [hbm4b:s8+s13], $0x1000, s12, s13, $0x38;
	[tilespmem:$0x18400] =	vst v63  }
0xfc: {  	s11 =	sshll.u32 s9, $0x7  }
0xfd: {  	s8 =	sand.u32 $0x1FFFFF80, s11;
	s11 =	spop (v2sf)  }
0xfe: {  	s19 =	simm.s32 $0xA400;
	s8 =	sadd.s32 s1, s8;
	s24 =	sshra.s32 s11, $0x1F  }
0xff: {  	[tilespmem:s19], [sflag:$0x6] =	stream.strided.gather [hbm4b:s8+s13], $0x1000, s12, s13, $0x38;
	[tilespmem:$0x18400] =	vst v63  }
0x100: {  	s8 =	sshrl.u32 s24, $0x19;
	s24 =	spop (v2sf)  }
0x101: {  	s8 =	sadd.s32 s8, s11;
	s2 =	sshra.s32 s24, $0x1F  }
0x102: {  	s0 =	sand.u32 $0xFFFFFF80, s8;
	s19 =	sshrl.u32 s2, $0x19  }
0x103: {  	p3 =	slt.s32 s11, $0x1;
	p4 =	sne.s32 s11, s0;
	s4 =	sadd.s32 s19, s24  }
0x104: {  	s29 =	simm.s32 $0x1;
	p0 =	por !p3, !p4;
	s19 =	sand.u32 $0xFFFFFF80, s4  }
0x105: {  	p5 =	slt.s32 s24, $0x1;
	p0 =	por !p0, !p0;
	p6 =	sne.s32 s24, s19  }
0x106: {  	s8 =	sshrl.u32 s8, $0x7;
	s29 =	simm.s32 @!p0 $0x0;
	p2 =	por !p5, !p6  }
0x107: {  	s19 =	simm.s32 $0x1;
	s8 =	ssub.s32 s8, s29;
	p0 =	por !p2, !p2  }
0x108: {  	s9 =	sshrl.u32 s4, $0x7;
	s8 =	sshll.u32 s8, $0x7;
	s19 =	simm.s32 @!p0 $0x0  }
0x109: {  	s8 =	sand.u32 $0x1FFFFF80, s8;
	s9 =	ssub.s32 s9, s19  }
0x10a: {  	s19 =	simm.s32 $0x3400;
	s8 =	sadd.s32 s10, s8;
	s2 =	sshll.u32 s9, $0x7  }
0x10b: {  	[tilespmem:s19], [sflag:$0x2] =	stream.strided.gather [hbm4b:s8+s13], $0x1000, s12, s13, $0x38;
	[tilespmem:$0x18400] =	vst v63  }
0x10c: {  	s8 =	sand.u32 $0x1FFFFF80, s2  }
0x10d: {  	s4 =	simm.s32 $0xB400;
	s9 =	simm.s32 $0x3;
	s8 =	sadd.s32 s1, s8  }
0x10e: {  	[tilespmem:s4], [sflag:$0x6] =	stream.strided.gather [hbm4b:s8+s13], $0x1000, s12, s13, $0x38;
	[tilespmem:$0x18400] =	vst v63  }
0x10f: {  	_ =	swait.ge [sflag:s9], $0x2000  }
0x110: {  	[sflag:s9] =	ssyncset.done $0x0  }
0x111: {  	s19 =	simm.s32 $0x7;
	[sflag:s9] =	ssyncadd.s32 $0xFFFFE000  }
0x112: {  	_ =	swait.ge [sflag:s19], $0x2000  }
0x113: {  	(v2sf) =	vpush v21, $0x4;
	_ =	sdelay $0x1  }
0x114: {  	(v2sf) =	vpush v20, $0x4;
	_ =	sdelay $0x6  }
0x115: {  	(v2sf) =	vpush v21, $0x5;
	_ =	sdelay $0x1  }
0x116: {  	(v2sf) =	vpush v20, $0x5  }
0x117: {  	(v2sf) =	vpush v21, $0xC;
	_ =	sdelay $0x2  }
0x118: {  	s0 =	spop (v2sf);
	(v2sf) =	vpush v20, $0xC  }
0x119: {  	s8 =	sand.u32 $0x7F, s0  }
0x11a: {  	s4 =	sadd.s32 $0xFFFFFFF4, s7;
	s2 =	spop (v2sf);
	v53 =	vor.u32 s8, v10  }
0x11b: {  	v54 =	vmov s4;
	s9 =	sand.u32 $0x7F, s2;
	v55 =	vor.u32 s8, v11  }
0x11c: {  	v57 =	vshll.u32 v54, $0x3;
	s19 =	simm.s32 $0x7;
	v56 =	vor.u32 s9, v10  }
0x11d: {  	v23 =	vand.u32 $0x74, v54;
	v26 =	vand.u32 $0xC00, v57;
	[sflag:s19] =	ssyncset.done $0x0;
	v58 =	vor.u32 s9, v11  }
0x11e: {  	v23 =	vor.u32 v23, v26;
	[sflag:s19] =	ssyncadd.s32 $0xFFFFE000  }
0x11f: {  	v26 =	vor.u32 v2, v23;
	v22 =	vld.idx.msk [tilespmem:v53+s13+$0x0], $0xffff  }
0x120: {  	v23 =	vor.u32 v3, v23;
	v24 =	vld.idx.msk [tilespmem:v55+s13+$0x0], $0xffff  }
0x121: {  	s2 =	spop (v2sf);
	v25 =	vld.idx.msk [tilespmem:v56+s14+$0x0], $0xffff  }
0x122: {  	s8 =	sand.u32 $0x7F, s2;
	v27 =	vld.idx.msk [tilespmem:v58+s14+$0x0], $0xffff  }
0x123: {  	s4 =	sadd.s32 $0xFFFFFFF5, s7;
	s0 =	spop (v2sf);
	v59 =	vor.u32 s8, v12  }
0x124: {  	v60 =	vmov s4;
	s29 =	sand.u32 $0x7F, s0;
	v61 =	vor.u32 s8, v13;
	s19 =	spop (v2sf);
	[tilespmem:v26+s31+$0x0] =	vst.idx.msk $0xffff, v22  }
0x125: {  	v63 =	vshll.u32 v60, $0x3;
	v62 =	vor.u32 s29, v12;
	s2 =	sshra.s32 s19, $0x1F;
	[tilespmem:v23+s31+$0x0] =	vst.idx.msk $0xffff, v24  }
0x126: {  	v33 =	vand.u32 $0xC00, v63;
	v32 =	vor.u32 s29, v13;
	s8 =	sshrl.u32 s2, $0x19;
	v22 =	vand.u32 $0x75, v60;
	[tilespmem:v26+s3+$0x0] =	vst.idx.msk $0xffff, v25  }
0x127: {  	(v2sf) =	vpush v21, $0xD;
	s8 =	sadd.s32 s8, s19;
	v22 =	vor.u32 v22, v33;
	[tilespmem:v23+s3+$0x0] =	vst.idx.msk $0xffff, v27;
	s29 =	spop (v2sf)  }
0x128: {  	s4 =	sand.u32 $0xFFFFFF80, s8;
	v26 =	vor.u32 v2, v22;
	v23 =	vld.idx.msk [tilespmem:v59+s13+$0x0], $0xffff;
	s30 =	sshra.s32 s29, $0x1F  }
0x129: {  	p3 =	slt.s32 s19, $0x1;
	p4 =	sne.s32 s19, s4;
	v22 =	vor.u32 v3, v22;
	v27 =	vld.idx.msk [tilespmem:v61+s13+$0x0], $0xffff;
	s30 =	sshrl.u32 s30, $0x19  }
0x12a: {  	(v2sf) =	vpush v20, $0xD;
	s2 =	simm.s32 $0x1;
	p0 =	por !p3, !p4;
	v24 =	vld.idx.msk [tilespmem:v62+s14+$0x0], $0xffff;
	s0 =	sadd.s32 s30, s29  }
0x12b: {  	s8 =	sshrl.u32 s8, $0x7;
	p0 =	por !p0, !p0;
	v25 =	vld.idx.msk [tilespmem:v32+s14+$0x0], $0xffff;
	s30 =	sand.u32 $0xFFFFFF80, s0  }
0x12c: {  	s2 =	simm.s32 @!p0 $0x0;
	p5 =	slt.s32 s29, $0x1;
	p6 =	sne.s32 s29, s30  }
0x12d: {  	s2 =	ssub.s32 s8, s2;
	[tilespmem:v26+s31+$0x0] =	vst.idx.msk $0xffff, v23;
	p2 =	por !p5, !p6  }
0x12e: {  	s8 =	simm.s32 $0x1;
	s2 =	sshll.u32 s2, $0x7;
	[tilespmem:v22+s31+$0x0] =	vst.idx.msk $0xffff, v27;
	p0 =	por !p2, !p2  }
0x12f: {  	s2 =	sand.u32 $0x1FFFFF80, s2;
	s9 =	sshrl.u32 s0, $0x7;
	[tilespmem:v26+s3+$0x0] =	vst.idx.msk $0xffff, v24;
	s8 =	simm.s32 @!p0 $0x0  }
0x130: {  	s4 =	simm.s32 $0x4400;
	s2 =	sadd.s32 s10, s2;
	[tilespmem:v22+s3+$0x0] =	vst.idx.msk $0xffff, v25;
	s8 =	ssub.s32 s9, s8  }
0x131: {  	[tilespmem:s4], [sflag:$0x3] =	stream.strided.gather [hbm4b:s2+s13], $0x1000, s12, s13, $0x38;
	[tilespmem:$0x18400] =	vst v63  }
0x132: {  	s8 =	sshll.u32 s8, $0x7  }
0x133: {  	s2 =	sand.u32 $0x1FFFFF80, s8  }
0x134: {  	s9 =	simm.s32 $0xC400;
	s2 =	sadd.s32 s1, s2  }
0x135: {  	[tilespmem:s9], [sflag:$0x7] =	stream.strided.gather [hbm4b:s2+s13], $0x1000, s12, s13, $0x38;
	[tilespmem:$0x18400] =	vst v63  }
0x136: {  	s9 =	spop (v2sf)  }
0x137: {  	s4 =	sshra.s32 s9, $0x1F  }
0x138: {  	s2 =	sshrl.u32 s4, $0x19  }
0x139: {  	s8 =	spop (v2sf);
	s2 =	sadd.s32 s2, s9  }
0x13a: {  	s30 =	sshra.s32 s8, $0x1F;
	s4 =	sand.u32 $0xFFFFFF80, s2  }
0x13b: {  	p3 =	slt.s32 s9, $0x1;
	s30 =	sshrl.u32 s30, $0x19;
	p4 =	sne.s32 s9, s4  }
0x13c: {  	p6 =	slt.s32 s8, $0x1;
	s30 =	sadd.s32 s30, s8;
	p0 =	por !p3, !p4  }
0x13d: {  	s0 =	sand.u32 $0xFFFFFF80, s30;
	s4 =	simm.s32 $0x1;
	p0 =	por !p0, !p0  }
0x13e: {  	s2 =	sshrl.u32 s2, $0x7;
	p5 =	sne.s32 s8, s0;
	s4 =	simm.s32 @!p0 $0x0  }
0x13f: {  	p2 =	por !p6, !p5;
	s2 =	ssub.s32 s2, s4  }
0x140: {  	p0 =	por !p2, !p2;
	s4 =	simm.s32 $0x1;
	s2 =	sshll.u32 s2, $0x7  }
0x141: {  	s30 =	sshrl.u32 s30, $0x7;
	s4 =	simm.s32 @!p0 $0x0;
	s2 =	sand.u32 $0x1FFFFF80, s2  }
0x142: {  	s0 =	simm.s32 $0x5400;
	s4 =	ssub.s32 s30, s4;
	s2 =	sadd.s32 s10, s2  }
0x143: {  	[tilespmem:s0], [sflag:$0x3] =	stream.strided.gather [hbm4b:s2+s13], $0x1000, s12, s13, $0x38;
	[tilespmem:$0x18400] =	vst v63  }
0x144: {  	s0 =	sshll.u32 s4, $0x7  }
0x145: {  	s2 =	sand.u32 $0x1FFFFF80, s0  }
0x146: {  	s4 =	simm.s32 $0xD400;
	s2 =	sadd.s32 s1, s2  }
0x147: {  	[tilespmem:s4], [sflag:$0x7] =	stream.strided.gather [hbm4b:s2+s13], $0x1000, s12, s13, $0x38;
	[tilespmem:$0x18400] =	vst v63  }
0x148: {  	_ =	swait.ge [sflag:s5], $0x2000  }
0x149: {  	[sflag:s5] =	ssyncset.done $0x0  }
0x14a: {  	s0 =	simm.s32 $0x8;
	[sflag:s5] =	ssyncadd.s32 $0xFFFFE000  }
0x14b: {  	_ =	swait.ge [sflag:s0], $0x2000  }
0x14c: {  	(v2sf) =	vpush v21, $0xE;
	_ =	sdelay $0x1  }
0x14d: {  	(v2sf) =	vpush v20, $0xE;
	_ =	sdelay $0x1  }
0x14e: {  	s2 =	sand.u32 $0x7F, s16  }
0x14f: {  	s16 =	sadd.s32 $0xFFFFFFF6, s7;
	v34 =	vor.u32 s2, v14  }
0x150: {  	s17 =	sand.u32 $0x7F, s17;
	v35 =	vmov s16;
	v36 =	vor.u32 s2, v15  }
0x151: {  	v37 =	vor.u32 s17, v14;
	v38 =	vshll.u32 v35, $0x3  }
0x152: {  	v39 =	vor.u32 s17, v15;
	v23 =	vand.u32 $0x76, v35;
	v26 =	vand.u32 $0xC00, v38;
	[sflag:s0] =	ssyncset.done $0x0  }
0x153: {  	v23 =	vor.u32 v23, v26;
	[sflag:s0] =	ssyncadd.s32 $0xFFFFE000  }
0x154: {  	v26 =	vor.u32 v2, v23;
	v22 =	vld.idx.msk [tilespmem:v34+s13+$0x0], $0xffff  }
0x155: {  	v23 =	vor.u32 v3, v23;
	v24 =	vld.idx.msk [tilespmem:v36+s13+$0x0], $0xffff  }
0x156: {  	v25 =	vld.idx.msk [tilespmem:v37+s14+$0x0], $0xffff  }
0x157: {  	s16 =	sand.u32 $0x7F, s21;
	v27 =	vld.idx.msk [tilespmem:v39+s14+$0x0], $0xffff  }
0x158: {  	s17 =	sadd.s32 $0xFFFFFFF7, s7;
	v40 =	vor.u32 s16, v16  }
0x159: {  	s20 =	sand.u32 $0x7F, s20;
	v41 =	vmov s17;
	v42 =	vor.u32 s16, v17;
	[tilespmem:v26+s31+$0x0] =	vst.idx.msk $0xffff, v22;
	s16 =	spop (v2sf)  }
0x15a: {  	v44 =	vshll.u32 v41, $0x3;
	v43 =	vor.u32 s20, v16;
	v45 =	vor.u32 s20, v17;
	[tilespmem:v23+s31+$0x0] =	vst.idx.msk $0xffff, v24;
	s21 =	sshra.s32 s16, $0x1F  }
0x15b: {  	v46 =	vand.u32 $0xC00, v44;
	v22 =	vand.u32 $0x77, v41;
	[tilespmem:v26+s3+$0x0] =	vst.idx.msk $0xffff, v25;
	(v2sf) =	vpush v21, $0xF;
	s17 =	spop (v2sf);
	s2 =	sshrl.u32 s21, $0x19  }
0x15c: {  	v22 =	vor.u32 v22, v46;
	[tilespmem:v23+s3+$0x0] =	vst.idx.msk $0xffff, v27;
	s21 =	sshra.s32 s17, $0x1F;
	s2 =	sadd.s32 s2, s16  }
0x15d: {  	v48 =	vor.u32 v2, v22;
	v47 =	vld.idx.msk [tilespmem:v40+s13+$0x0], $0xffff;
	(v2sf) =	vpush v20, $0xF;
	s20 =	sshrl.u32 s21, $0x19;
	s0 =	sand.u32 $0xFFFFFF80, s2  }
0x15e: {  	v22 =	vor.u32 v3, v22;
	v49 =	vld.idx.msk [tilespmem:v42+s13+$0x0], $0xffff;
	p3 =	slt.s32 s16, $0x1;
	p4 =	sne.s32 s16, s0;
	s0 =	sadd.s32 s20, s17  }
0x15f: {  	v50 =	vld.idx.msk [tilespmem:v43+s14+$0x0], $0xffff;
	p5 =	slt.s32 s17, $0x1;
	p0 =	por !p3, !p4;
	s20 =	sand.u32 $0xFFFFFF80, s0  }
0x160: {  	v51 =	vld.idx.msk [tilespmem:v45+s14+$0x0], $0xffff;
	s21 =	simm.s32 $0x1;
	p0 =	por !p0, !p0;
	p6 =	sne.s32 s17, s20  }
0x161: {  	s2 =	sshrl.u32 s2, $0x7;
	s21 =	simm.s32 @!p0 $0x0;
	p2 =	por !p5, !p6  }
0x162: {  	[tilespmem:v48+s31+$0x0] =	vst.idx.msk $0xffff, v47;
	s20 =	simm.s32 $0x1;
	s2 =	ssub.s32 s2, s21;
	p0 =	por !p2, !p2  }
0x163: {  	[tilespmem:v22+s31+$0x0] =	vst.idx.msk $0xffff, v49;
	s4 =	sshrl.u32 s0, $0x7;
	s2 =	sshll.u32 s2, $0x7;
	s20 =	simm.s32 @!p0 $0x0  }
0x164: {  	[tilespmem:v48+s3+$0x0] =	vst.idx.msk $0xffff, v50;
	s2 =	sand.u32 $0x1FFFFF80, s2;
	s4 =	ssub.s32 s4, s20  }
0x165: {  	[tilespmem:v22+s3+$0x0] =	vst.idx.msk $0xffff, v51;
	s0 =	simm.s32 $0x6400;
	s2 =	sadd.s32 s10, s2;
	s21 =	sshll.u32 s4, $0x7  }
0x166: {  	[tilespmem:s0], [sflag:$0x4] =	stream.strided.gather [hbm4b:s2+s13], $0x1000, s12, s13, $0x38;
	[tilespmem:$0x18400] =	vst v63  }
0x167: {  	s2 =	sand.u32 $0x1FFFFF80, s21  }
0x168: {  	s0 =	simm.s32 $0xE400;
	s2 =	sadd.s32 s1, s2  }
0x169: {  	[tilespmem:s0], [sflag:$0x8] =	stream.strided.gather [hbm4b:s2+s13], $0x1000, s12, s13, $0x38;
	[tilespmem:$0x18400] =	vst v63  }
0x16a: {  	s21 =	spop (v2sf)  }
0x16b: {  	s4 =	sshra.s32 s21, $0x1F  }
0x16c: {  	s20 =	spop (v2sf);
	s2 =	sshrl.u32 s4, $0x19  }
0x16d: {  	s4 =	sshra.s32 s20, $0x1F;
	s2 =	sadd.s32 s2, s21  }
0x16e: {  	s4 =	sshrl.u32 s4, $0x19;
	s30 =	sand.u32 $0xFFFFFF80, s2  }
0x16f: {  	p3 =	slt.s32 s21, $0x1;
	s4 =	sadd.s32 s4, s20;
	p4 =	sne.s32 s21, s30  }
0x170: {  	p6 =	slt.s32 s20, $0x1;
	s30 =	sand.u32 $0xFFFFFF80, s4;
	p0 =	por !p3, !p4  }
0x171: {  	p5 =	sne.s32 s20, s30;
	s30 =	simm.s32 $0x1;
	p0 =	por !p0, !p0  }
0x172: {  	s2 =	sshrl.u32 s2, $0x7;
	p2 =	por !p6, !p5;
	s30 =	simm.s32 @!p0 $0x0  }
0x173: {  	p0 =	por !p2, !p2;
	s2 =	ssub.s32 s2, s30;
	s30 =	simm.s32 $0x1  }
0x174: {  	s4 =	sshrl.u32 s4, $0x7;
	s2 =	sshll.u32 s2, $0x7;
	s30 =	simm.s32 @!p0 $0x0  }
0x175: {  	s2 =	sand.u32 $0x1FFFFF80, s2;
	s4 =	ssub.s32 s4, s30  }
0x176: {  	s0 =	simm.s32 $0x7400;
	s2 =	sadd.s32 s10, s2;
	s4 =	sshll.u32 s4, $0x7  }
0x177: {  	[tilespmem:s0], [sflag:$0x4] =	stream.strided.gather [hbm4b:s2+s13], $0x1000, s12, s13, $0x38;
	[tilespmem:$0x18400] =	vst v63  }
0x178: {  	s2 =	sand.u32 $0x1FFFFF80, s4  }
0x179: {  	s6 =	simm.s32 $0xF400;
	s30 =	simm.s32 $0x1;
	s2 =	sadd.s32 s1, s2  }
0x17a: {  	[tilespmem:s6], [sflag:$0x8] =	stream.strided.gather [hbm4b:s2+s13], $0x1000, s12, s13, $0x38;
	[tilespmem:$0x18400] =	vst v63  }
0x17b: {  	s0 =	rddreg [dreg:$0xb];
	_ =	swait.ge [sflag:s30], $0x2000  }
0x17c: {  	[sflag:s30] =	ssyncset.done $0x0  }
0x17d: {  	s6 =	simm.s32 $0x5;
	[sflag:s30] =	ssyncadd.s32 $0xFFFFE000  }
0x17e: {  	_ =	swait.ge [sflag:s6], $0x2000  }
0x17f: {  	(v2sf) =	vpush v19, $0x0;
	_ =	sdelay $0x1  }
0x180: {  	(v2sf) =	vpush v18, $0x0  }
0x181: {  	s2 =	sand.u32 $0x7F, s15  }
0x182: {  	s15 =	sadd.s32 $0xFFFFFFF8, s7;
	v52 =	vor.u32 s2, v0  }
0x183: {  	v53 =	vmov s15;
	s15 =	sand.u32 $0x7F, s26;
	v54 =	vor.u32 s2, v1  }
0x184: {  	v55 =	vor.u32 s15, v0;
	v56 =	vshll.u32 v53, $0x3  }
0x185: {  	v57 =	vor.u32 s15, v1;
	v21 =	vand.u32 $0x78, v53;
	v24 =	vand.u32 $0xC00, v56;
	[sflag:s6] =	ssyncset.done $0x0  }
0x186: {  	v21 =	vor.u32 v21, v24;
	[sflag:s6] =	ssyncadd.s32 $0xFFFFE000  }
0x187: {  	v24 =	vor.u32 v2, v21;
	v20 =	vld.idx.msk [tilespmem:v52+s13+$0x0], $0xffff  }
0x188: {  	v21 =	vor.u32 v3, v21;
	v22 =	vld.idx.msk [tilespmem:v54+s13+$0x0], $0xffff  }
0x189: {  	v23 =	vld.idx.msk [tilespmem:v55+s14+$0x0], $0xffff  }
0x18a: {  	s23 =	sand.u32 $0x7F, s23;
	v25 =	vld.idx.msk [tilespmem:v57+s14+$0x0], $0xffff  }
0x18b: {  	v58 =	vor.u32 s23, v4;
	s15 =	sadd.s32 $0xFFFFFFF9, s7  }
0x18c: {  	s22 =	sand.u32 $0x7F, s22;
	v60 =	vor.u32 s23, v5;
	v59 =	vmov s15;
	[tilespmem:v24+s31+$0x0] =	vst.idx.msk $0xffff, v20  }
0x18d: {  	v63 =	vor.u32 s22, v5;
	v61 =	vor.u32 s22, v4;
	v62 =	vshll.u32 v59, $0x3;
	[tilespmem:v21+s31+$0x0] =	vst.idx.msk $0xffff, v22;
	s2 =	spop (v2sf)  }
0x18e: {  	v28 =	vand.u32 $0xC00, v62;
	v20 =	vand.u32 $0x79, v59;
	[tilespmem:v24+s3+$0x0] =	vst.idx.msk $0xffff, v23;
	(v2sf) =	vpush v19, $0x1;
	s23 =	sand.u32 $0x7F, s2  }
0x18f: {  	v20 =	vor.u32 v20, v28;
	[tilespmem:v21+s3+$0x0] =	vst.idx.msk $0xffff, v25;
	s15 =	spop (v2sf);
	s22 =	sshra.s32 s2, $0x1F;
	p6 =	slt.s32 s2, $0x1  }
0x190: {  	v24 =	vor.u32 v2, v20;
	v21 =	vld.idx.msk [tilespmem:v58+s13+$0x0], $0xffff;
	(v2sf) =	vpush v18, $0x1;
	p3 =	sne.s32 s23, $0x0;
	s23 =	sand.u32 $0x7F, s15;
	p5 =	slt.s32 s15, $0x1  }
0x191: {  	v20 =	vor.u32 v3, v20;
	v25 =	vld.idx.msk [tilespmem:v60+s13+$0x0], $0xffff;
	s22 =	sshrl.u32 s22, $0x19;
	p4 =	sne.s32 s23, $0x0;
	s23 =	sshra.s32 s15, $0x1F  }
0x192: {  	v22 =	vld.idx.msk [tilespmem:v61+s14+$0x0], $0xffff;
	s2 =	sadd.s32 s22, s2;
	s4 =	sshrl.u32 s23, $0x19;
	p1 =	por !p5, !p4  }
0x193: {  	v23 =	vld.idx.msk [tilespmem:v63+s14+$0x0], $0xffff;
	s4 =	sadd.s32 s4, s15;
	p1 =	por !p1, !p1;
	s15 =	simm.s32 $0x1  }
0x194: {  	p0 =	por !p6, !p3;
	s4 =	sshrl.u32 s4, $0x7;
	s15 =	simm.s32 @!p1 $0x0  }
0x195: {  	[tilespmem:v24+s31+$0x0] =	vst.idx.msk $0xffff, v21;
	p0 =	por !p0, !p0;
	s4 =	ssub.s32 s4, s15;
	s15 =	simm.s32 $0x1  }
0x196: {  	[tilespmem:v20+s31+$0x0] =	vst.idx.msk $0xffff, v25;
	s2 =	sshrl.u32 s2, $0x7;
	s4 =	sshll.u32 s4, $0x7;
	s15 =	simm.s32 @!p0 $0x0  }
0x197: {  	[tilespmem:v24+s3+$0x0] =	vst.idx.msk $0xffff, v22;
	s4 =	sand.u32 $0x1FFFFF80, s4;
	s2 =	ssub.s32 s2, s15  }
0x198: {  	[tilespmem:v20+s3+$0x0] =	vst.idx.msk $0xffff, v23;
	s4 =	sadd.s32 s10, s4;
	s2 =	sshll.u32 s2, $0x7  }
0x199: {  	[tilespmem:s13], [sflag:$0x1] =	stream.strided.gather [hbm4b:s4+s13], $0x1000, s12, s13, $0x38;
	[tilespmem:$0x18400] =	vst v63  }
0x19a: {  	s2 =	sand.u32 $0x1FFFFF80, s2  }
0x19b: {  	s2 =	sadd.s32 s1, s2  }
0x19c: {  	[tilespmem:s14], [sflag:$0x5] =	stream.strided.gather [hbm4b:s2+s13], $0x1000, s12, s13, $0x38;
	[tilespmem:$0x18400] =	vst v63  }
0x19d: {  	s2 =	spop (v2sf)  }
0x19e: {  	s23 =	sand.u32 $0x7F, s2  }
0x19f: {  	s15 =	spop (v2sf);
	s22 =	sshra.s32 s2, $0x1F;
	p6 =	slt.s32 s2, $0x1  }
0x1a0: {  	p3 =	sne.s32 s23, $0x0;
	s23 =	sand.u32 $0x7F, s15;
	p5 =	slt.s32 s15, $0x1  }
0x1a1: {  	s22 =	sshrl.u32 s22, $0x19;
	p4 =	sne.s32 s23, $0x0;
	s23 =	sshra.s32 s15, $0x1F  }
0x1a2: {  	s2 =	sadd.s32 s22, s2;
	s4 =	sshrl.u32 s23, $0x19;
	p1 =	por !p5, !p4  }
0x1a3: {  	s4 =	sadd.s32 s4, s15;
	p1 =	por !p1, !p1;
	s15 =	simm.s32 $0x1  }
0x1a4: {  	p0 =	por !p6, !p3;
	s4 =	sshrl.u32 s4, $0x7;
	s15 =	simm.s32 @!p1 $0x0  }
0x1a5: {  	p0 =	por !p0, !p0;
	s4 =	ssub.s32 s4, s15;
	s15 =	simm.s32 $0x1  }
0x1a6: {  	s2 =	sshrl.u32 s2, $0x7;
	s4 =	sshll.u32 s4, $0x7;
	s15 =	simm.s32 @!p0 $0x0  }
0x1a7: {  	s4 =	sand.u32 $0x1FFFFF80, s4;
	s2 =	ssub.s32 s2, s15  }
0x1a8: {  	s22 =	simm.s32 $0x1400;
	s4 =	sadd.s32 s10, s4;
	s2 =	sshll.u32 s2, $0x7  }
0x1a9: {  	[tilespmem:s22], [sflag:$0x1] =	stream.strided.gather [hbm4b:s4+s13], $0x1000, s12, s13, $0x38;
	[tilespmem:$0x18400] =	vst v63  }
0x1aa: {  	s2 =	sand.u32 $0x1FFFFF80, s2  }
0x1ab: {  	s23 =	simm.s32 $0x9400;
	s15 =	simm.s32 $0x2;
	s2 =	sadd.s32 s1, s2  }
0x1ac: {  	[tilespmem:s23], [sflag:$0x5] =	stream.strided.gather [hbm4b:s2+s13], $0x1000, s12, s13, $0x38;
	[tilespmem:$0x18400] =	vst v63  }
0x1ad: {  	_ =	swait.ge [sflag:s15], $0x2000  }
0x1ae: {  	[sflag:s15] =	ssyncset.done $0x0  }
0x1af: {  	[sflag:s15] =	ssyncadd.s32 $0xFFFFE000;
	s15 =	simm.s32 $0x6  }
0x1b0: {  	_ =	swait.ge [sflag:s15], $0x2000  }
0x1b1: {  	(v2sf) =	vpush v19, $0x2;
	_ =	sdelay $0x1  }
0x1b2: {  	(v2sf) =	vpush v18, $0x2  }
0x1b3: {  	s18 =	sand.u32 $0x7F, s18  }
0x1b4: {  	v29 =	vor.u32 s18, v6;
	s22 =	sadd.s32 $0xFFFFFFFA, s7  }
0x1b5: {  	v31 =	vor.u32 s18, v7;
	v30 =	vmov s22;
	s23 =	sand.u32 $0x7F, s28  }
0x1b6: {  	v33 =	vshll.u32 v30, $0x3;
	v32 =	vor.u32 s23, v6  }
0x1b7: {  	v21 =	vand.u32 $0x7A, v30;
	v34 =	vor.u32 s23, v7;
	v24 =	vand.u32 $0xC00, v33;
	[sflag:s15] =	ssyncset.done $0x0;
	s15 =	simm.s32 $0x6  }
0x1b8: {  	v21 =	vor.u32 v21, v24;
	[sflag:s15] =	ssyncadd.s32 $0xFFFFE000  }
0x1b9: {  	v24 =	vor.u32 v2, v21;
	v20 =	vld.idx.msk [tilespmem:v29+s13+$0x0], $0xffff  }
0x1ba: {  	v21 =	vor.u32 v3, v21;
	v22 =	vld.idx.msk [tilespmem:v31+s13+$0x0], $0xffff  }
0x1bb: {  	v23 =	vld.idx.msk [tilespmem:v32+s14+$0x0], $0xffff  }
0x1bc: {  	s18 =	sand.u32 $0x7F, s11;
	v25 =	vld.idx.msk [tilespmem:v34+s14+$0x0], $0xffff  }
0x1bd: {  	v35 =	vor.u32 s18, v8;
	s22 =	sadd.s32 $0xFFFFFFFB, s7  }
0x1be: {  	v37 =	vor.u32 s18, v9;
	v36 =	vmov s22;
	s23 =	sand.u32 $0x7F, s24;
	[tilespmem:v24+s31+$0x0] =	vst.idx.msk $0xffff, v20  }
0x1bf: {  	v39 =	vshll.u32 v36, $0x3;
	v38 =	vor.u32 s23, v8;
	v40 =	vor.u32 s23, v9;
	[tilespmem:v21+s31+$0x0] =	vst.idx.msk $0xffff, v22;
	s2 =	spop (v2sf)  }
0x1c0: {  	v41 =	vand.u32 $0xC00, v39;
	v20 =	vand.u32 $0x7B, v36;
	[tilespmem:v24+s3+$0x0] =	vst.idx.msk $0xffff, v23;
	(v2sf) =	vpush v19, $0x3;
	s15 =	sand.u32 $0x7F, s2  }
0x1c1: {  	v20 =	vor.u32 v20, v41;
	[tilespmem:v21+s3+$0x0] =	vst.idx.msk $0xffff, v25;
	s11 =	spop (v2sf);
	s18 =	sshra.s32 s2, $0x1F;
	p6 =	slt.s32 s2, $0x1  }
0x1c2: {  	v24 =	vor.u32 v2, v20;
	v21 =	vld.idx.msk [tilespmem:v35+s13+$0x0], $0xffff;
	(v2sf) =	vpush v18, $0x3;
	p3 =	sne.s32 s15, $0x0;
	s22 =	sand.u32 $0x7F, s11;
	s23 =	sshra.s32 s11, $0x1F  }
0x1c3: {  	v20 =	vor.u32 v3, v20;
	v25 =	vld.idx.msk [tilespmem:v37+s13+$0x0], $0xffff;
	p5 =	slt.s32 s11, $0x1;
	s15 =	sshrl.u32 s18, $0x19;
	p4 =	sne.s32 s22, $0x0  }
0x1c4: {  	v22 =	vld.idx.msk [tilespmem:v38+s14+$0x0], $0xffff;
	s4 =	sshrl.u32 s23, $0x19;
	s2 =	sadd.s32 s15, s2;
	p1 =	por !p5, !p4  }
0x1c5: {  	v23 =	vld.idx.msk [tilespmem:v40+s14+$0x0], $0xffff;
	s4 =	sadd.s32 s4, s11;
	s11 =	simm.s32 $0x1;
	p1 =	por !p1, !p1  }
0x1c6: {  	p0 =	por !p6, !p3;
	s4 =	sshrl.u32 s4, $0x7;
	s11 =	simm.s32 @!p1 $0x0  }
0x1c7: {  	[tilespmem:v24+s31+$0x0] =	vst.idx.msk $0xffff, v21;
	p0 =	por !p0, !p0;
	s4 =	ssub.s32 s4, s11;
	s11 =	simm.s32 $0x1  }
0x1c8: {  	[tilespmem:v20+s31+$0x0] =	vst.idx.msk $0xffff, v25;
	s2 =	sshrl.u32 s2, $0x7;
	s4 =	sshll.u32 s4, $0x7;
	s11 =	simm.s32 @!p0 $0x0  }
0x1c9: {  	[tilespmem:v24+s3+$0x0] =	vst.idx.msk $0xffff, v22;
	s4 =	sand.u32 $0x1FFFFF80, s4;
	s2 =	ssub.s32 s2, s11  }
0x1ca: {  	s24 =	simm.s32 $0x2400;
	[tilespmem:v20+s3+$0x0] =	vst.idx.msk $0xffff, v23;
	s4 =	sadd.s32 s10, s4;
	s2 =	sshll.u32 s2, $0x7  }
0x1cb: {  	[tilespmem:s24], [sflag:$0x2] =	stream.strided.gather [hbm4b:s4+s13], $0x1000, s12, s13, $0x38;
	[tilespmem:$0x18400] =	vst v63  }
0x1cc: {  	s2 =	sand.u32 $0x1FFFFF80, s2  }
0x1cd: {  	s18 =	simm.s32 $0xA400;
	s2 =	sadd.s32 s1, s2  }
0x1ce: {  	[tilespmem:s18], [sflag:$0x6] =	stream.strided.gather [hbm4b:s2+s13], $0x1000, s12, s13, $0x38;
	[tilespmem:$0x18400] =	vst v63  }
0x1cf: {  	s2 =	spop (v2sf)  }
0x1d0: {  	s22 =	sand.u32 $0x7F, s2  }
0x1d1: {  	s11 =	spop (v2sf);
	s23 =	sshra.s32 s2, $0x1F;
	p6 =	slt.s32 s2, $0x1  }
0x1d2: {  	p3 =	sne.s32 s22, $0x0;
	s18 =	sand.u32 $0x7F, s11;
	s22 =	sshra.s32 s11, $0x1F  }
0x1d3: {  	p5 =	slt.s32 s11, $0x1;
	s15 =	sshrl.u32 s23, $0x19;
	p4 =	sne.s32 s18, $0x0  }
0x1d4: {  	s4 =	sshrl.u32 s22, $0x19;
	s2 =	sadd.s32 s15, s2;
	p1 =	por !p5, !p4  }
0x1d5: {  	s4 =	sadd.s32 s4, s11;
	s11 =	simm.s32 $0x1;
	p1 =	por !p1, !p1  }
0x1d6: {  	p0 =	por !p6, !p3;
	s4 =	sshrl.u32 s4, $0x7;
	s11 =	simm.s32 @!p1 $0x0  }
0x1d7: {  	p0 =	por !p0, !p0;
	s4 =	ssub.s32 s4, s11;
	s11 =	simm.s32 $0x1  }
0x1d8: {  	s2 =	sshrl.u32 s2, $0x7;
	s4 =	sshll.u32 s4, $0x7;
	s11 =	simm.s32 @!p0 $0x0  }
0x1d9: {  	s4 =	sand.u32 $0x1FFFFF80, s4;
	s2 =	ssub.s32 s2, s11  }
0x1da: {  	s23 =	simm.s32 $0x3400;
	s4 =	sadd.s32 s10, s4;
	s2 =	sshll.u32 s2, $0x7  }
0x1db: {  	[tilespmem:s23], [sflag:$0x2] =	stream.strided.gather [hbm4b:s4+s13], $0x1000, s12, s13, $0x38;
	[tilespmem:$0x18400] =	vst v63  }
0x1dc: {  	s2 =	sand.u32 $0x1FFFFF80, s2  }
0x1dd: {  	s15 =	simm.s32 $0x3;
	s11 =	simm.s32 $0xB400;
	s2 =	sadd.s32 s1, s2  }
0x1de: {  	[tilespmem:s11], [sflag:$0x6] =	stream.strided.gather [hbm4b:s2+s13], $0x1000, s12, s13, $0x38;
	[tilespmem:$0x18400] =	vst v63  }
0x1df: {  	_ =	swait.ge [sflag:s15], $0x2000  }
0x1e0: {  	[sflag:s15] =	ssyncset.done $0x0  }
0x1e1: {  	s18 =	simm.s32 $0x7;
	[sflag:s15] =	ssyncadd.s32 $0xFFFFE000  }
0x1e2: {  	_ =	swait.ge [sflag:s18], $0x2000  }
0x1e3: {  	(v2sf) =	vpush v19, $0x4  }
0x1e4: {  	(v2sf) =	vpush v18, $0x4  }
0x1e5: {  	s22 =	sand.u32 $0x7F, s19  }
0x1e6: {  	v42 =	vor.u32 s22, v10;
	s23 =	sadd.s32 $0xFFFFFFFC, s7  }
0x1e7: {  	v44 =	vor.u32 s22, v11;
	v43 =	vmov s23;
	s15 =	sand.u32 $0x7F, s29  }
0x1e8: {  	v46 =	vshll.u32 v43, $0x3;
	v45 =	vor.u32 s15, v10  }
0x1e9: {  	v21 =	vand.u32 $0x7C, v43;
	v24 =	vand.u32 $0xC00, v46;
	v47 =	vor.u32 s15, v11;
	[sflag:s18] =	ssyncset.done $0x0;
	s18 =	simm.s32 $0x7  }
0x1ea: {  	v21 =	vor.u32 v21, v24;
	[sflag:s18] =	ssyncadd.s32 $0xFFFFE000  }
0x1eb: {  	v24 =	vor.u32 v2, v21;
	v20 =	vld.idx.msk [tilespmem:v42+s13+$0x0], $0xffff  }
0x1ec: {  	v21 =	vor.u32 v3, v21;
	v22 =	vld.idx.msk [tilespmem:v44+s13+$0x0], $0xffff  }
0x1ed: {  	v23 =	vld.idx.msk [tilespmem:v45+s14+$0x0], $0xffff  }
0x1ee: {  	s19 =	sand.u32 $0x7F, s9;
	v25 =	vld.idx.msk [tilespmem:v47+s14+$0x0], $0xffff  }
0x1ef: {  	s22 =	sadd.s32 $0xFFFFFFFD, s7;
	v48 =	vor.u32 s19, v12;
	(v2sf) =	vpush v19, $0x5  }
0x1f0: {  	s8 =	sand.u32 $0x7F, s8;
	v50 =	vor.u32 s19, v13;
	v49 =	vmov s22;
	[tilespmem:v24+s31+$0x0] =	vst.idx.msk $0xffff, v20  }
0x1f1: {  	v51 =	vor.u32 s8, v12;
	v52 =	vor.u32 s8, v13;
	v19 =	vshll.u32 v49, $0x3;
	[tilespmem:v21+s31+$0x0] =	vst.idx.msk $0xffff, v22  }
0x1f2: {  	s8 =	simm.s32 $0x1;
	v19 =	vand.u32 $0xC00, v19;
	v20 =	vand.u32 $0x7D, v49;
	[tilespmem:v24+s3+$0x0] =	vst.idx.msk $0xffff, v23;
	s23 =	spop (v2sf);
	(v2sf) =	vpush v18, $0x5  }
0x1f3: {  	v19 =	vor.u32 v20, v19;
	[tilespmem:v21+s3+$0x0] =	vst.idx.msk $0xffff, v25;
	s9 =	sand.u32 $0x7F, s23;
	s11 =	spop (v2sf);
	s15 =	sshra.s32 s23, $0x1F  }
0x1f4: {  	v20 =	vor.u32 v2, v19;
	v18 =	vld.idx.msk [tilespmem:v48+s13+$0x0], $0xffff;
	p6 =	slt.s32 s23, $0x1;
	p3 =	sne.s32 s9, $0x0;
	s18 =	sand.u32 $0x7F, s11  }
0x1f5: {  	v19 =	vor.u32 v3, v19;
	v21 =	vld.idx.msk [tilespmem:v50+s13+$0x0], $0xffff;
	s19 =	sshra.s32 s11, $0x1F;
	p5 =	slt.s32 s11, $0x1;
	p4 =	sne.s32 s18, $0x0  }
0x1f6: {  	v22 =	vld.idx.msk [tilespmem:v51+s14+$0x0], $0xffff;
	s9 =	sshrl.u32 s15, $0x19;
	s4 =	sshrl.u32 s19, $0x19;
	p1 =	por !p5, !p4  }
0x1f7: {  	v23 =	vld.idx.msk [tilespmem:v52+s14+$0x0], $0xffff;
	s2 =	sadd.s32 s9, s23;
	s4 =	sadd.s32 s4, s11;
	p1 =	por !p1, !p1  }
0x1f8: {  	p0 =	por !p6, !p3;
	s4 =	sshrl.u32 s4, $0x7;
	s8 =	simm.s32 @!p1 $0x0  }
0x1f9: {  	p0 =	por !p0, !p0;
	[tilespmem:v20+s31+$0x0] =	vst.idx.msk $0xffff, v18;
	s4 =	ssub.s32 s4, s8;
	s8 =	simm.s32 $0x1  }
0x1fa: {  	s2 =	sshrl.u32 s2, $0x7;
	[tilespmem:v19+s31+$0x0] =	vst.idx.msk $0xffff, v21;
	s4 =	sshll.u32 s4, $0x7;
	s8 =	simm.s32 @!p0 $0x0  }
0x1fb: {  	[tilespmem:v20+s3+$0x0] =	vst.idx.msk $0xffff, v22;
	s4 =	sand.u32 $0x1FFFFF80, s4;
	s2 =	ssub.s32 s2, s8  }
0x1fc: {  	s22 =	simm.s32 $0x4400;
	[tilespmem:v19+s3+$0x0] =	vst.idx.msk $0xffff, v23;
	s4 =	sadd.s32 s10, s4;
	s2 =	sshll.u32 s2, $0x7  }
0x1fd: {  	[tilespmem:s22], [sflag:$0x3] =	stream.strided.gather [hbm4b:s4+s13], $0x1000, s12, s13, $0x38;
	[tilespmem:$0x18400] =	vst v63  }
0x1fe: {  	s23 =	spop (v2sf);
	s2 =	sand.u32 $0x1FFFFF80, s2  }
0x1ff: {  	s9 =	simm.s32 $0xC400;
	s11 =	sand.u32 $0x7F, s23;
	s2 =	sadd.s32 s1, s2  }
0x200: {  	[tilespmem:s9], [sflag:$0x7] =	stream.strided.gather [hbm4b:s2+s13], $0x1000, s12, s13, $0x38;
	[tilespmem:$0x18400] =	vst v63  }
0x201: {  	p6 =	slt.s32 s23, $0x1;
	p3 =	sne.s32 s11, $0x0;
	s15 =	spop (v2sf)  }
0x202: {  	s18 =	sshra.s32 s23, $0x1F;
	p0 =	por !p6, !p3;
	s19 =	sand.u32 $0x7F, s15  }
0x203: {  	s22 =	sshra.s32 s15, $0x1F;
	p5 =	slt.s32 s15, $0x1;
	p4 =	sne.s32 s19, $0x0  }
0x204: {  	s8 =	simm.s32 $0x1;
	s2 =	sshrl.u32 s22, $0x19;
	p1 =	por !p5, !p4  }
0x205: {  	p0 =	por !p0, !p0;
	s2 =	sadd.s32 s2, s15;
	p1 =	por !p1, !p1  }
0x206: {  	s9 =	sshrl.u32 s18, $0x19;
	s2 =	sshrl.u32 s2, $0x7;
	s8 =	simm.s32 @!p1 $0x0  }
0x207: {  	s4 =	sadd.s32 s9, s23;
	s2 =	ssub.s32 s2, s8;
	s8 =	simm.s32 $0x1  }
0x208: {  	s4 =	sshrl.u32 s4, $0x7;
	s2 =	sshll.u32 s2, $0x7;
	s8 =	simm.s32 @!p0 $0x0  }
0x209: {  	s2 =	sand.u32 $0x1FFFFF80, s2;
	s4 =	ssub.s32 s4, s8  }
0x20a: {  	s23 =	simm.s32 $0x5400;
	s2 =	sadd.s32 s10, s2;
	s9 =	sshll.u32 s4, $0x7  }
0x20b: {  	[tilespmem:s23], [sflag:$0x3] =	stream.strided.gather [hbm4b:s2+s13], $0x1000, s12, s13, $0x38;
	[tilespmem:$0x18400] =	vst v63  }
0x20c: {  	s2 =	sand.u32 $0x1FFFFF80, s9  }
0x20d: {  	s11 =	simm.s32 $0xD400;
	s2 =	sadd.s32 s1, s2  }
0x20e: {  	[tilespmem:s11], [sflag:$0x7] =	stream.strided.gather [hbm4b:s2+s13], $0x1000, s12, s13, $0x38;
	[tilespmem:$0x18400] =	vst v63  }
0x20f: {  	s15 =	sand.u32 $0x7F, s16;
	_ =	swait.ge [sflag:s5], $0x2000  }
0x210: {  	s16 =	sadd.s32 $0xFFFFFFFE, s7;
	v18 =	vor.u32 s15, v14;
	[sflag:s5] =	ssyncset.done $0x0  }
0x211: {  	s17 =	sand.u32 $0x7F, s17;
	s18 =	simm.s32 $0x8;
	v19 =	vmov s16;
	v53 =	vor.u32 s15, v15;
	[sflag:s5] =	ssyncadd.s32 $0xFFFFE000  }
0x212: {  	v54 =	vor.u32 s17, v14;
	v55 =	vshll.u32 v19, $0x3;
	_ =	swait.ge [sflag:s18], $0x2000  }
0x213: {  	v56 =	vor.u32 s17, v15;
	s19 =	simm.s32 $0x8;
	v19 =	vand.u32 $0x7E, v19;
	v22 =	vand.u32 $0xC00, v55;
	[sflag:s18] =	ssyncset.done $0x0  }
0x214: {  	v19 =	vor.u32 v19, v22;
	[sflag:s19] =	ssyncadd.s32 $0xFFFFE000  }
0x215: {  	v22 =	vor.u32 v2, v19;
	v18 =	vld.idx.msk [tilespmem:v18+s13+$0x0], $0xffff  }
0x216: {  	v19 =	vor.u32 v3, v19;
	v20 =	vld.idx.msk [tilespmem:v53+s13+$0x0], $0xffff  }
0x217: {  	v21 =	vld.idx.msk [tilespmem:v54+s14+$0x0], $0xffff  }
0x218: {  	s21 =	sand.u32 $0x7F, s21;
	v23 =	vld.idx.msk [tilespmem:v56+s14+$0x0], $0xffff  }
0x219: {  	v57 =	vor.u32 s21, v16;
	s22 =	sadd.s32 $0xFFFFFFFF, s7  }
0x21a: {  	v59 =	vor.u32 s21, v17;
	v58 =	vmov s22;
	s23 =	sand.u32 $0x7F, s20;
	[tilespmem:v22+s31+$0x0] =	vst.idx.msk $0xffff, v18  }
0x21b: {  	v60 =	vshll.u32 v58, $0x3;
	v18 =	vor.u32 s23, v16;
	[tilespmem:v19+s31+$0x0] =	vst.idx.msk $0xffff, v20  }
0x21c: {  	v62 =	vand.u32 $0x7F, v58;
	v61 =	vor.u32 s23, v17;
	v20 =	vand.u32 $0xC00, v60;
	[tilespmem:v22+s3+$0x0] =	vst.idx.msk $0xffff, v21  }
0x21d: {  	[tilespmem:v19+s3+$0x0] =	vst.idx.msk $0xffff, v23;
	v19 =	vor.u32 v62, v20  }
0x21e: {  	v63 =	vld.idx.msk [tilespmem:v57+s13+$0x0], $0xffff;
	v21 =	vor.u32 v2, v19  }
0x21f: {  	v22 =	vld.idx.msk [tilespmem:v59+s13+$0x0], $0xffff;
	v19 =	vor.u32 v3, v19  }
0x220: {  	v18 =	vld.idx.msk [tilespmem:v18+s14+$0x0], $0xffff  }
0x221: {  	p0 =	sne.s32 s7, $0x200;
	v23 =	vld.idx.msk [tilespmem:v61+s14+$0x0], $0xffff  }
.Ltmp0:
0x222: {  	_ = 	snop;
	(pc) =	sbr.rel @p0 .LBB2_2-.Ltmp0, $4  }
0x223: {  	[tilespmem:v21+s31+$0x0] =	vst.idx.msk $0xffff, v63  }
0x224: {  	[tilespmem:v19+s31+$0x0] =	vst.idx.msk $0xffff, v22  }
0x225: {  	s25 =	sadd.s32 $0x10, s25;
	s0 =	sadd.s32 $0x10, s0;
	s26 =	simm.s32 $0x6400;
	[tilespmem:v21+s3+$0x0] =	vst.idx.msk $0xffff, v18  }
0x226: {  	s28 =	simm.s32 $0xE400;
	s29 =	simm.s32 $0xF400;
	s7 =	sadd.s32 $0x10, s7;
	[tilespmem:v19+s3+$0x0] =	vst.idx.msk $0xffff, v23  }
0x227: {  	_ =	swait.ge [sflag:s30], $0x2000  }
0x228: {  	[sflag:s30] =	ssyncset.done $0x0  }
0x229: {  	[sflag:s30] =	ssyncadd.s32 $0xFFFFE000  }
0x22a: {  	_ =	swait.ge [sflag:s6], $0x2000  }
0x22b: {  	[sflag:s6] =	ssyncset.done $0x0  }
0x22c: {  	s0 =	simm.s32 $0x2;
	[sflag:s6] =	ssyncadd.s32 $0xFFFFE000  }
0x22d: {  	_ =	swait.ge [sflag:s0], $0x2000  }
0x22e: {  	[sflag:s0] =	ssyncset.done $0x0  }
0x22f: {  	s19 =	simm.s32 $0x6;
	[sflag:s0] =	ssyncadd.s32 $0xFFFFE000  }
0x230: {  	_ =	swait.ge [sflag:s19], $0x2000  }
0x231: {  	[sflag:s19] =	ssyncset.done $0x0  }
0x232: {  	s20 =	simm.s32 $0x3;
	[sflag:s19] =	ssyncadd.s32 $0xFFFFE000  }
0x233: {  	_ =	swait.ge [sflag:s20], $0x2000  }
0x234: {  	[sflag:s20] =	ssyncset.done $0x0  }
0x235: {  	s2 =	simm.s32 $0x7;
	[sflag:s20] =	ssyncadd.s32 $0xFFFFE000  }
0x236: {  	_ =	swait.ge [sflag:s2], $0x2000  }
0x237: {  	s4 =	simm.s32 $0x1000;
	s8 =	simm.s32 $0x20000;
	[sflag:s2] =	ssyncset.done $0x0  }
0x238: {  	s7 =	simm.s32 $0x9;
	s21 =	rddreg [dreg:$0x7];
	[sflag:s2] =	ssyncadd.s32 $0xFFFFE000  }
0x239: {  	[hbm4b:s21+s4] =	stream.strided.scatter [tilespmem:s31], [sflag:$0x9], $0x4000, s8, s4, $0x38;
	[tilespmem:$0x18400] =	vst v63  }
0x23a: {  	_ =	swait.ge [sflag:s7], $0x4000  }
0x23b: {  	[sflag:s7] =	ssyncset.done $0x0  }
0x23c: {  	s22 =	rddreg [dreg:$0x8];
	[sflag:s7] =	ssyncadd.s32 $0xFFFFC000  }
0x23d: {  	[hbm4b:s22+s4] =	stream.strided.scatter [tilespmem:s3], [sflag:$0x9], $0x4000, s8, s4, $0x38;
	[tilespmem:$0x18400] =	vst v63  }
0x23e: {  	_ =	swait.ge [sflag:s7], $0x4000  }
0x23f: {  	s23 =	rddreg [dreg:$0xa]  }
0x240: {  	s25 =	rddreg [dreg:$0x9];
	s4 =	sadd.s32 $0x1, s23  }
0x241: {  	p0 =	sne.s32 s4, s25  }
.Ltmp1:
0x242: {  	_ = 	snop;
	(pc) =	sbr.rel @p0 .LBB2_1-.Ltmp1, $4  }
0x243: {  	s15 =	simm.s32 $0x1400;
	s16 =	simm.s32 $0x9400  }
0x244: {  	s17 =	simm.s32 $0xA400;
	s18 =	simm.s32 $0x3400;
	s19 =	simm.s32 $0xB400  }
0x245: {  	s20 =	simm.s32 $0x4400;
	s21 =	simm.s32 $0xC400;
	[sflag:s7] =	ssyncset.done $0x0  }
0x246: {  	s22 =	simm.s32 $0x5400;
	[sflag:s7] =	ssyncadd.s32 $0xFFFFC000;
	s23 =	simm.s32 $0xD400  }
0x247: {  	_ =	sfence.sel $0x180000  }
0x248: {  	[bflag:$0x0] =	sbarrier.arrive $0xFFFF  }
0x249: {  	_ =	strace $0x90000047  }
0x24a: {  	s0 =	stileid.u32;
	[bflag:$0x2] =	sbarrier.arrive $0xFFFF  }
0x24b: {  	p0 =	sne.s32 s0, $0x0;
	s0 =	rddreg [dreg:$0x4]  }
0x24c: {  	s0 =	sadd.s32 @!p0 $0x100000, s0  }
0x24d: {  	[sflag:s0] =	ssyncadd.tile.s32 @!p0 $0x1;
	_ =	shalt  }
.Lfunc_end2:
_tile_overlayer_lowered:
.L_overlay_start_2:
0x24e: {  	(tag) =	ssettag $0x2  }
0x24f: {  	s0 =	rddreg [dreg:$0x0];
	s2 =	stileid.u32  }
0x250: {  	s1 =	rddreg [dreg:$0x1];
	p0 =	sne.s32 s2, $0x0  }
0x251: {  	s3 =	rddreg [dreg:$0x2];
	[bflag:$0x3] =	sbarrier.arrive $0xFFFF;
	s2 =	simm.s32 @!p0 $0x1C09  }
0x252: {  	[timem:s3], [sflag:s2] =	dma.local @!p0 [hbm:s0], s1  }
0x253: {  	s0 =	simm.s32 @!p0 $0x9  }
0x254: {  	_ =	swait.ge @!p0 [sflag:s0], s1  }
0x255: {  	s1 =	ssub.s32 @!p0 $0x0, s1;
	[sflag:s0] =	ssyncset.done @!p0 $0x0  }
0x256: {  	[sflag:s0] =	ssyncadd.s32 @!p0 s1  }
0x257: {  	[bflag:$0x3] =	sbarrier.arrive $0xFFFF  }
0x258: {  	_ =	shalt  }

</sc_bundles>
